<compile_context>
chip_gen: v7x
topology: tpu7x:2x2x1
jax: 0.10.2.dev20260603
libtpu: 0.0.44.dev20260713+nightly
codegen_flags: <defaults>
</compile_context>

<pallas_src>
import functools

import jax
import jax.numpy as jnp
from jax import lax
from jax.experimental import pallas as pl
from jax.experimental.pallas import tpu as pltpu
from jax.experimental.pallas import tpu_sc as plsc

N = 10000
E = 320000
F = 128
NCLASS = 10
NGRAPHS = 64

NTILES = 32
K = 128
CHUNKS = 80
SBC = 40
SB = CHUNKS // SBC
EPT = CHUNKS * K
EPAD = NTILES * EPT
TOTCH = EPAD // K
C0 = 80
C1 = TOTCH // 16 - C0
NT0 = 16 * C0
NPAD = 10112
ROWS_PER_TILE = NPAD // 16
JUNK_ROW = 10000

R = 1000
GRID = N // R

_mesh = lambda: plsc.VectorSubcoreMesh(core_axis_name="c", subcore_axis_name="s")
_HIGH = jax.lax.Precision.HIGHEST



def _sc_degree(dst3, zeros16, ones16):

    @functools.partial(
        pl.kernel,
        out_type=jax.ShapeDtypeStruct((2, NPAD, 16), jnp.float32),
        mesh=_mesh(),
        scratch_types=[
            pltpu.VMEM((CHUNKS, K), jnp.int32),
            pltpu.VMEM((K, 16), jnp.float32),
            pltpu.VMEM_SHARED((NPAD, 16), jnp.float32),
            pltpu.SemaphoreType.DMA,
        ],
        compiler_params=pltpu.CompilerParams(use_tc_tiling_on_sc=False),
    )
    def k(dst_hbm, z_hbm, ones_hbm, out_hbm, dst_v, ones_v, acc, sem):
        c = lax.axis_index("c")
        s = lax.axis_index("s")
        w = c * 16 + s
        row0 = s * ROWS_PER_TILE
        pltpu.async_copy(z_hbm, acc.at[pl.ds(row0, ROWS_PER_TILE)], sem).wait()
        pltpu.sync_copy(dst_hbm.at[w], dst_v)
        pltpu.sync_copy(ones_hbm, ones_v)
        plsc.subcore_barrier()

        @pl.loop(0, CHUNKS)
        def _(j):
            pltpu.sync_copy(ones_v, acc.at[dst_v.at[j]], add=True)

        plsc.subcore_barrier()
        pltpu.sync_copy(acc.at[pl.ds(row0, ROWS_PER_TILE)],
                        out_hbm.at[c].at[pl.ds(row0, ROWS_PER_TILE)])

    return k(dst3, zeros16, ones16)


def _sc_aggregate(hp, src2, dst2, zeros128):

    @functools.partial(
        pl.kernel,
        out_type=jax.ShapeDtypeStruct((2, NPAD, F), jnp.float32),
        mesh=_mesh(),
        scratch_types=[
            pltpu.VMEM((SBC, K), jnp.int32),
            pltpu.VMEM((SBC, K), jnp.int32),
            pltpu.VMEM((K, F), jnp.float32),
            pltpu.VMEM((K, F), jnp.float32),
            pltpu.VMEM_SHARED((NPAD, F), jnp.float32),
            pltpu.SemaphoreType.DMA,
            pltpu.SemaphoreType.DMA,
            pltpu.SemaphoreType.DMA,
        ],
    )
    def k(hp_hbm, src_hbm, dst_hbm, z_hbm, out_hbm,
          src_v, dst_v, m0, m1, acc, g0, g1, ms):
        c = lax.axis_index("c")
        s = lax.axis_index("s")
        row0 = s * ROWS_PER_TILE
        chunk0 = jnp.where(c == 0, s * C0, NT0 + s * C1)
        nsb = jnp.where(c == 0, C0 // SBC, C1 // SBC)
        pltpu.sync_copy(z_hbm.at[pl.ds(0, K)], m0)
        for t in range(4):
            pltpu.sync_copy(m0, acc.at[pl.ds(row0 + t * K, K)])
        pltpu.sync_copy(m0.at[pl.ds(0, ROWS_PER_TILE - 4 * K)],
                        acc.at[pl.ds(row0 + 4 * K, ROWS_PER_TILE - 4 * K)])
        plsc.subcore_barrier()

        @pl.loop(0, nsb)
        def _(sb):
            pltpu.sync_copy(src_hbm.at[pl.ds(chunk0 + sb * SBC, SBC)], src_v)
            pltpu.sync_copy(dst_hbm.at[pl.ds(chunk0 + sb * SBC, SBC)], dst_v)
            pltpu.async_copy(hp_hbm.at[src_v.at[0]], m0, g0)
            pltpu.async_copy(hp_hbm.at[src_v.at[1]], m1, g1)

            @pl.loop(0, SBC, step=2)
            def _(j):
                pltpu.make_async_copy(hp_hbm.at[pl.ds(0, K)], m0, g0).wait()
                pltpu.sync_copy(m0, acc.at[dst_v.at[j]], add=True)

                @pl.when(j + 2 < SBC)
                def _():
                    pltpu.async_copy(hp_hbm.at[src_v.at[j + 2]], m0, g0)

                pltpu.make_async_copy(hp_hbm.at[pl.ds(0, K)], m1, g1).wait()
                pltpu.sync_copy(m1, acc.at[dst_v.at[j + 1]], add=True)

                @pl.when(j + 3 < SBC)
                def _():
                    pltpu.async_copy(hp_hbm.at[src_v.at[j + 3]], m1, g1)

        plsc.subcore_barrier()
        pltpu.sync_copy(acc.at[pl.ds(row0, ROWS_PER_TILE)],
                        out_hbm.at[c].at[pl.ds(row0, ROWS_PER_TILE)])

    return k(hp, src2, dst2, zeros128)



def _dinv_block(degp_blk):
    deg = degp_blk[0, :, 0:1] + degp_blk[1, :, 0:1] + 1.0
    return lax.rsqrt(deg)


def _tc_pre_body(x_ref, w_ref, degp_ref, o_ref):
    dinv = _dinv_block(degp_ref[...])
    h = jnp.dot(x_ref[...], w_ref[...], precision=_HIGH,
                preferred_element_type=jnp.float32)
    o_ref[...] = h * dinv


def _tc_pre(x, W1, degp):
    return pl.pallas_call(
        _tc_pre_body,
        grid=(GRID,),
        in_specs=[
            pl.BlockSpec((R, F), lambda i: (i, 0)),
            pl.BlockSpec((F, F), lambda i: (0, 0)),
            pl.BlockSpec((2, R, 16), lambda i: (0, i, 0)),
        ],
        out_specs=pl.BlockSpec((R, F), lambda i: (i, 0)),
        out_shape=jax.ShapeDtypeStruct((N, F), jnp.float32),
    )(x, W1, degp)


def _tc_mid_body(acc_ref, hp_ref, degp_ref, b_ref, w_ref, o_ref):
    dinv = _dinv_block(degp_ref[...])
    tot = acc_ref[0] + acc_ref[1] + hp_ref[...]
    y = jnp.maximum(tot * dinv + b_ref[...], 0.0)
    o_ref[...] = jnp.dot(y, w_ref[...], precision=_HIGH,
                         preferred_element_type=jnp.float32) * dinv


def _tc_mid(accp, hp, degp, b, Wnext):
    return pl.pallas_call(
        _tc_mid_body,
        grid=(GRID,),
        in_specs=[
            pl.BlockSpec((2, R, F), lambda i: (0, i, 0)),
            pl.BlockSpec((R, F), lambda i: (i, 0)),
            pl.BlockSpec((2, R, 16), lambda i: (0, i, 0)),
            pl.BlockSpec((1, F), lambda i: (0, 0)),
            pl.BlockSpec((F, F), lambda i: (0, 0)),
        ],
        out_specs=pl.BlockSpec((R, F), lambda i: (i, 0)),
        out_shape=jax.ShapeDtypeStruct((N, F), jnp.float32),
    )(accp, hp, degp, b, Wnext)


def _tc_final_body(acc_ref, hp_ref, degp_ref, b_ref, batch_ref, wl_ref, bl_ref,
                   o_ref, sums, cnts):
    i = pl.program_id(0)

    @pl.when(i == 0)
    def _():
        sums[...] = jnp.zeros_like(sums)
        cnts[...] = jnp.zeros_like(cnts)

    dinv = _dinv_block(degp_ref[...])
    tot = acc_ref[0] + acc_ref[1] + hp_ref[...]
    y = jnp.maximum(tot * dinv + b_ref[...], 0.0)
    g = batch_ref[0, 0, :]
    ind = (lax.broadcasted_iota(jnp.int32, (NGRAPHS, R), 0) == g[None, :])
    ind = ind.astype(jnp.float32)
    sums[...] += jnp.dot(ind, y, precision=_HIGH,
                         preferred_element_type=jnp.float32)
    cnts[...] += jnp.broadcast_to(jnp.sum(ind, axis=1, keepdims=True),
                                  (NGRAPHS, F))

    @pl.when(i == GRID - 1)
    def _():
        pooled = sums[...] / jnp.maximum(cnts[...], 1.0)
        logits = jnp.dot(pooled, wl_ref[...], precision=_HIGH,
                         preferred_element_type=jnp.float32) + bl_ref[...]
        m = jnp.max(logits, axis=1, keepdims=True)
        lse = jnp.log(jnp.sum(jnp.exp(logits - m), axis=1, keepdims=True)) + m
        o_ref[...] = logits - lse


def _tc_final(accp, hp, degp, b, batch3, Wlp, blp):
    return pl.pallas_call(
        _tc_final_body,
        grid=(GRID,),
        in_specs=[
            pl.BlockSpec((2, R, F), lambda i: (0, i, 0)),
            pl.BlockSpec((R, F), lambda i: (i, 0)),
            pl.BlockSpec((2, R, 16), lambda i: (0, i, 0)),
            pl.BlockSpec((1, F), lambda i: (0, 0)),
            pl.BlockSpec((1, 1, R), lambda i: (i, 0, 0)),
            pl.BlockSpec((F, F), lambda i: (0, 0)),
            pl.BlockSpec((1, F), lambda i: (0, 0)),
        ],
        out_specs=pl.BlockSpec((NGRAPHS, F), lambda i: (0, 0)),
        out_shape=jax.ShapeDtypeStruct((NGRAPHS, F), jnp.float32),
        scratch_shapes=[
            pltpu.VMEM((NGRAPHS, F), jnp.float32),
            pltpu.VMEM((NGRAPHS, F), jnp.float32),
        ],
    )(accp, hp, degp, b, batch3, Wlp, blp)



def kernel(x, edge_index, batch, W1, b1, W2, b2, W3, b3, Wl, bl):
    src = edge_index[0]
    dst = edge_index[1]
    npad = EPAD - E
    pad_i = jnp.arange(npad, dtype=jnp.int32)
    src_p = jnp.concatenate([src, pad_i % N])
    dst_p = jnp.concatenate([dst, JUNK_ROW + pad_i % (NPAD - N)])
    src2 = src_p.reshape(TOTCH, K)
    dst2 = dst_p.reshape(TOTCH, K)
    dst3 = dst_p.reshape(NTILES, CHUNKS, K)

    zeros16 = jnp.zeros((ROWS_PER_TILE, 16), jnp.float32)
    ones16 = jnp.ones((K, 16), jnp.float32)
    zeros128 = jnp.zeros((ROWS_PER_TILE, F), jnp.float32)

    degp = _sc_degree(dst3, zeros16, ones16)

    h1p = _tc_pre(x, W1, degp)
    a1 = _sc_aggregate(h1p, src2, dst2, zeros128)
    h2p = _tc_mid(a1, h1p, degp, b1.reshape(1, F), W2)
    a2 = _sc_aggregate(h2p, src2, dst2, zeros128)
    h3p = _tc_mid(a2, h2p, degp, b2.reshape(1, F), W3)
    a3 = _sc_aggregate(h3p, src2, dst2, zeros128)

    Wlp = jnp.pad(Wl, ((0, 0), (0, F - NCLASS)))
    blp = jnp.concatenate(
        [bl, jnp.full((F - NCLASS,), -1e30, jnp.float32)]).reshape(1, F)
    batch3 = batch.reshape(GRID, 1, R)

    out = _tc_final(a3, h3p, degp, b3.reshape(1, F), batch3, Wlp, blp)
    return out[:, :NCLASS]

# --- scband reference (transcript-rebuilt; emitter-appended) ---
"""Pipeline reference for scband-gcn-25520695673511 (READ-ONLY COPY).

The authoritative reference and input builder live on the scoring server;
editing this copy changes nothing except your own understanding.
"""

import jax, jax.numpy as jnp
import numpy as np

N = 10000
E = 320000
NFEAT = 128
NHID = 128
NCLASS = 10
NGRAPHS = 64


def gcn_conv(x, src, dst, W, b):
    n = x.shape[0]
    loop = jnp.arange(n, dtype=src.dtype)
    s = jnp.concatenate([src, loop])
    d = jnp.concatenate([dst, loop])
    w = jnp.ones(s.shape[0], dtype=x.dtype)
    deg = jax.ops.segment_sum(w, d, num_segments=n)
    dinv = jnp.where(deg > 0, jax.lax.rsqrt(jnp.maximum(deg, 1e-12)), 0.0)
    norm = dinv[s] * dinv[d]
    h = x @ W
    msg = h[s] * norm[:, None]
    out = jax.ops.segment_sum(msg, d, num_segments=n)
    return out + b


def setup_inputs(seed: int = 0):
    key = jax.random.key(seed)
    ks = jax.random.split(key, 8)
    x = jax.random.normal(ks[0], (N, NFEAT), dtype=jnp.float32)
    edge_index = jax.random.randint(ks[1], (2, E), 0, N, dtype=jnp.int32)
    batch = jnp.sort(jax.random.randint(ks[2], (N,), 0, NGRAPHS, dtype=jnp.int32))
    W1 = jax.random.normal(ks[3], (NFEAT, NHID), dtype=jnp.float32) / np.sqrt(NFEAT)
    b1 = jnp.zeros((NHID,), dtype=jnp.float32)
    W2 = jax.random.normal(ks[4], (NHID, NHID), dtype=jnp.float32) / np.sqrt(NHID)
    b2 = jnp.zeros((NHID,), dtype=jnp.float32)
    W3 = jax.random.normal(ks[5], (NHID, NHID), dtype=jnp.float32) / np.sqrt(NHID)
    b3 = jnp.zeros((NHID,), dtype=jnp.float32)
    Wl = jax.random.normal(ks[6], (NHID, NCLASS), dtype=jnp.float32) / np.sqrt(NHID)
    bl = jnp.zeros((NCLASS,), dtype=jnp.float32)
    return {"x": x, "edge_index": edge_index, "batch": batch,
            "W1": W1, "b1": b1, "W2": W2, "b2": b2, "W3": W3, "b3": b3,
            "Wl": Wl, "bl": bl}


def reference(x, edge_index, batch, W1, b1, W2, b2, W3, b3, Wl, bl):
    src, dst = edge_index[0], edge_index[1]
    # 3 GCNConv layers, net_norm='none' (Identity), ReLU after each
    h = jax.nn.relu(gcn_conv(x, src, dst, W1, b1))
    h = jax.nn.relu(gcn_conv(h, src, dst, W2, b2))
    h = jax.nn.relu(gcn_conv(h, src, dst, W3, b3))
    # global mean pool over batch assignment
    sums = jax.ops.segment_sum(h, batch, num_segments=NGRAPHS)
    cnt = jax.ops.segment_sum(jnp.ones((h.shape[0],), dtype=h.dtype), batch, num_segments=NGRAPHS)
    pooled = sums / jnp.maximum(cnt, 1.0)[:, None]
    logits = pooled @ Wl + bl
    return jax.nn.log_softmax(logits, axis=-1)

if __name__ == "__main__":
    import jax
    _d = setup_inputs()
    print(jax.jit(kernel)(*tuple(_d.values())))

</pallas_src>

<mosaic_0001>
#map = affine_map<(d0, d1) -> (0, 0, 0)>
#map1 = affine_map<(d0, d1) -> (0, 0)>
module attributes {stable_mosaic.version = 14 : i64} {
  func.func @k(%arg0: i32, %arg1: i32, %arg2: memref<32x80x128xi32, #tpu.memory_space<hbm>>, %arg3: memref<632x16xf32, #tpu.memory_space<hbm>>, %arg4: memref<128x16xf32, #tpu.memory_space<hbm>>, %arg5: memref<2x10112x16xf32, #tpu.memory_space<hbm>>, %arg6: memref<80x128xi32, #tpu.memory_space<vmem>>, %arg7: memref<128x16xf32, #tpu.memory_space<vmem>>, %arg8: memref<10112x16xf32, #tpu.memory_space<vmem_shared>>, %arg9: memref<!tpu.dma_semaphore, #tpu.memory_space<semaphore_mem>>) attributes {dimension_semantics = [#tpu.dimension_semantics<core_parallel>, #tpu.dimension_semantics<subcore_parallel>], iteration_bounds = array<i64: 2, 16>, scalar_prefetch = 0 : i64, scratch_operands = 4 : i64, tpu.core_type = #tpu.core_type<sc_vector_subcore>, window_params = [{transform_indices = #map}, {transform_indices = #map1}, {transform_indices = #map1}, {transform_indices = #map}]} {
    %mul3A = arith.constant 16 : i32
    %mul3A_0 = arith.muli %arg0, %mul3A : i32
    %add3A = arith.addi %mul3A_0, %arg1 : i32
    %mul3A_1 = arith.constant 632 : i32
    %mul3A_2 = arith.muli %arg1, %mul3A_1 : i32
    %dma_start3A = arith.constant 0 : i32
    %dma_start3A_3 = tpu.memref_slice %arg8[%mul3A_2, %dma_start3A] : memref<10112x16xf32, #tpu.memory_space<vmem_shared>> -> memref<632x16xf32, #tpu.memory_space<vmem_shared>>
    tpu.enqueue_dma source(%arg3 : memref<632x16xf32, #tpu.memory_space<hbm>>) target(%dma_start3A_3 : memref<632x16xf32, #tpu.memory_space<vmem_shared>>) target_semaphore(%arg9 : memref<!tpu.dma_semaphore, #tpu.memory_space<semaphore_mem>>)
    %dma_wait3A = arith.constant 0 : i32
    %dma_wait3A_4 = tpu.memref_slice %arg8[%mul3A_2, %dma_wait3A] : memref<10112x16xf32, #tpu.memory_space<vmem_shared>> -> memref<632x16xf32, #tpu.memory_space<vmem_shared>>
    tpu.wait_dma2 semaphore(%arg9 : memref<!tpu.dma_semaphore, #tpu.memory_space<semaphore_mem>>) src(%arg3 : memref<632x16xf32, #tpu.memory_space<hbm>>) dst(%dma_wait3A_4 : memref<632x16xf32, #tpu.memory_space<vmem_shared>>)
    "tpu.region"() ({
      %run_scoped3A = tpu.sem_alloc : memref<!tpu.dma_semaphore, #tpu.memory_space<semaphore_mem>>
      %dma_start3A_10 = arith.constant 0 : i32
      %dma_start3A_11 = arith.constant 0 : i32
      %dma_start3A_12 = tpu.memref_slice %arg2[%add3A, %dma_start3A_10, %dma_start3A_11] : memref<32x80x128xi32, #tpu.memory_space<hbm>> -> memref<1x80x128xi32, #tpu.memory_space<hbm>>
      %dma_start3A_13 = tpu.memref_squeeze %dma_start3A_12 : memref<1x80x128xi32, #tpu.memory_space<hbm>> -> memref<80x128xi32, #tpu.memory_space<hbm>>
      %dma_start3A_14 = arith.constant 0 : i32
      %dma_start3A_15 = arith.constant 0 : i32
      %dma_start3A_16 = tpu.memref_slice %arg2[%add3A, %dma_start3A_14, %dma_start3A_15] : memref<32x80x128xi32, #tpu.memory_space<hbm>> -> memref<1x80x128xi32, #tpu.memory_space<hbm>>
      %dma_start3A_17 = tpu.memref_squeeze %dma_start3A_16 : memref<1x80x128xi32, #tpu.memory_space<hbm>> -> memref<80x128xi32, #tpu.memory_space<hbm>>
      tpu.enqueue_dma source(%dma_start3A_17 : memref<80x128xi32, #tpu.memory_space<hbm>>) target(%arg6 : memref<80x128xi32, #tpu.memory_space<vmem>>) target_semaphore(%run_scoped3A : memref<!tpu.dma_semaphore, #tpu.memory_space<semaphore_mem>>)
      %dma_wait3A_18 = arith.constant 0 : i32
      %dma_wait3A_19 = arith.constant 0 : i32
      %dma_wait3A_20 = tpu.memref_slice %arg2[%add3A, %dma_wait3A_18, %dma_wait3A_19] : memref<32x80x128xi32, #tpu.memory_space<hbm>> -> memref<1x80x128xi32, #tpu.memory_space<hbm>>
      %dma_wait3A_21 = tpu.memref_squeeze %dma_wait3A_20 : memref<1x80x128xi32, #tpu.memory_space<hbm>> -> memref<80x128xi32, #tpu.memory_space<hbm>>
      %dma_wait3A_22 = arith.constant 0 : i32
      %dma_wait3A_23 = arith.constant 0 : i32
      %dma_wait3A_24 = tpu.memref_slice %arg2[%add3A, %dma_wait3A_22, %dma_wait3A_23] : memref<32x80x128xi32, #tpu.memory_space<hbm>> -> memref<1x80x128xi32, #tpu.memory_space<hbm>>
      %dma_wait3A_25 = tpu.memref_squeeze %dma_wait3A_24 : memref<1x80x128xi32, #tpu.memory_space<hbm>> -> memref<80x128xi32, #tpu.memory_space<hbm>>
      tpu.wait_dma2 semaphore(%run_scoped3A : memref<!tpu.dma_semaphore, #tpu.memory_space<semaphore_mem>>) src(%dma_wait3A_25 : memref<80x128xi32, #tpu.memory_space<hbm>>) dst(%arg6 : memref<80x128xi32, #tpu.memory_space<vmem>>)
      tpu.yield
    }) : () -> ()
    "tpu.region"() ({
      %run_scoped3A = tpu.sem_alloc : memref<!tpu.dma_semaphore, #tpu.memory_space<semaphore_mem>>
      tpu.enqueue_dma source(%arg4 : memref<128x16xf32, #tpu.memory_space<hbm>>) target(%arg7 : memref<128x16xf32, #tpu.memory_space<vmem>>) target_semaphore(%run_scoped3A : memref<!tpu.dma_semaphore, #tpu.memory_space<semaphore_mem>>)
      tpu.wait_dma2 semaphore(%run_scoped3A : memref<!tpu.dma_semaphore, #tpu.memory_space<semaphore_mem>>) src(%arg4 : memref<128x16xf32, #tpu.memory_space<hbm>>) dst(%arg7 : memref<128x16xf32, #tpu.memory_space<vmem>>)
      tpu.yield
    }) : () -> ()
    %barrier3A = arith.constant 0 : index
    tpu.barrier barrier_id(%barrier3A)
    %scan3A = arith.constant 0 : i32
    %scan3A_5 = arith.constant 80 : i32
    %scan3A_6 = arith.addi %scan3A, %scan3A_5 : i32
    %scan3A_7 = arith.constant 1 : i32
    scf.for %scan3A_10 = %scan3A to %scan3A_6 step %scan3A_7  : i32 {
      %mul3A_11 = arith.constant 1 : i32
      %mul3A_12 = arith.muli %scan3A_10, %mul3A_11 : i32
      %add3A_13 = arith.constant 0 : i32
      %add3A_14 = arith.addi %add3A_13, %mul3A_12 : i32
      "tpu.region"() ({
        %run_scoped3A = tpu.sem_alloc : memref<!tpu.dma_semaphore, #tpu.memory_space<semaphore_mem>>
        %dma_start3A_15 = arith.constant 0 : i32
        %dma_start3A_16 = tpu.memref_slice %arg6[%add3A_14, %dma_start3A_15] : memref<80x128xi32, #tpu.memory_space<vmem>> -> memref<1x128xi32, #tpu.memory_space<vmem>>
        %dma_start3A_17 = tpu.memref_squeeze %dma_start3A_16 : memref<1x128xi32, #tpu.memory_space<vmem>> -> memref<128xi32, #tpu.memory_space<vmem>>
        %dma_start3A_18 = arith.constant 0 : i32
        %dma_start3A_19 = arith.constant 0 : i32
        %dma_start3A_20 = tpu.memref_slice %arg8[%dma_start3A_18, %dma_start3A_19] : memref<10112x16xf32, #tpu.memory_space<vmem_shared>> -> memref<10112x16xf32, #tpu.memory_space<vmem_shared>>
        tpu.enqueue_indirect_dma source(%arg7 : memref<128x16xf32, #tpu.memory_space<vmem>>) target(%dma_start3A_20 : memref<10112x16xf32, #tpu.memory_space<vmem_shared>>) offsets(%dma_start3A_17 : memref<128xi32, #tpu.memory_space<vmem>>) semaphore(%run_scoped3A : memref<!tpu.dma_semaphore, #tpu.memory_space<semaphore_mem>>) {add = true}
        %dma_wait3A_21 = arith.constant 0 : i32
        %dma_wait3A_22 = tpu.memref_slice %arg6[%add3A_14, %dma_wait3A_21] : memref<80x128xi32, #tpu.memory_space<vmem>> -> memref<1x128xi32, #tpu.memory_space<vmem>>
        %dma_wait3A_23 = tpu.memref_squeeze %dma_wait3A_22 : memref<1x128xi32, #tpu.memory_space<vmem>> -> memref<128xi32, #tpu.memory_space<vmem>>
        %dma_wait3A_24 = arith.constant 0 : i32
        %dma_wait3A_25 = arith.constant 0 : i32
        %dma_wait3A_26 = tpu.memref_slice %arg8[%dma_wait3A_24, %dma_wait3A_25] : memref<10112x16xf32, #tpu.memory_space<vmem_shared>> -> memref<10112x16xf32, #tpu.memory_space<vmem_shared>>
        tpu.wait_indirect_dma semaphore(%run_scoped3A : memref<!tpu.dma_semaphore, #tpu.memory_space<semaphore_mem>>) src(%arg7 : memref<128x16xf32, #tpu.memory_space<vmem>>) dst(%dma_wait3A_26 : memref<10112x16xf32, #tpu.memory_space<vmem_shared>>)
        tpu.yield
      }) : () -> ()
    }
    %scan3A_8 = arith.constant 80 : i32
    %barrier3A_9 = arith.constant 0 : index
    tpu.barrier barrier_id(%barrier3A_9)
    "tpu.region"() ({
      %run_scoped3A = tpu.sem_alloc : memref<!tpu.dma_semaphore, #tpu.memory_space<semaphore_mem>>
      %dma_start3A_10 = arith.constant 0 : i32
      %dma_start3A_11 = arith.constant 0 : i32
      %dma_start3A_12 = tpu.memref_slice %arg5[%arg0, %dma_start3A_10, %dma_start3A_11] : memref<2x10112x16xf32, #tpu.memory_space<hbm>> -> memref<1x10112x16xf32, #tpu.memory_space<hbm>>
      %dma_start3A_13 = tpu.memref_squeeze %dma_start3A_12 : memref<1x10112x16xf32, #tpu.memory_space<hbm>> -> memref<10112x16xf32, #tpu.memory_space<hbm>>
      %dma_start3A_14 = arith.constant 0 : i32
      %dma_start3A_15 = tpu.memref_slice %dma_start3A_13[%mul3A_2, %dma_start3A_14] : memref<10112x16xf32, #tpu.memory_space<hbm>> -> memref<632x16xf32, #tpu.memory_space<hbm>>
      %dma_start3A_16 = arith.constant 0 : i32
      %dma_start3A_17 = tpu.memref_slice %arg8[%mul3A_2, %dma_start3A_16] : memref<10112x16xf32, #tpu.memory_space<vmem_shared>> -> memref<632x16xf32, #tpu.memory_space<vmem_shared>>
      tpu.enqueue_dma source(%dma_start3A_17 : memref<632x16xf32, #tpu.memory_space<vmem_shared>>) target(%dma_start3A_15 : memref<632x16xf32, #tpu.memory_space<hbm>>) target_semaphore(%run_scoped3A : memref<!tpu.dma_semaphore, #tpu.memory_space<semaphore_mem>>)
      %dma_wait3A_18 = arith.constant 0 : i32
      %dma_wait3A_19 = arith.constant 0 : i32
      %dma_wait3A_20 = tpu.memref_slice %arg5[%arg0, %dma_wait3A_18, %dma_wait3A_19] : memref<2x10112x16xf32, #tpu.memory_space<hbm>> -> memref<1x10112x16xf32, #tpu.memory_space<hbm>>
      %dma_wait3A_21 = tpu.memref_squeeze %dma_wait3A_20 : memref<1x10112x16xf32, #tpu.memory_space<hbm>> -> memref<10112x16xf32, #tpu.memory_space<hbm>>
      %dma_wait3A_22 = arith.constant 0 : i32
      %dma_wait3A_23 = tpu.memref_slice %dma_wait3A_21[%mul3A_2, %dma_wait3A_22] : memref<10112x16xf32, #tpu.memory_space<hbm>> -> memref<632x16xf32, #tpu.memory_space<hbm>>
      %dma_wait3A_24 = arith.constant 0 : i32
      %dma_wait3A_25 = tpu.memref_slice %arg8[%mul3A_2, %dma_wait3A_24] : memref<10112x16xf32, #tpu.memory_space<vmem_shared>> -> memref<632x16xf32, #tpu.memory_space<vmem_shared>>
      tpu.wait_dma2 semaphore(%run_scoped3A : memref<!tpu.dma_semaphore, #tpu.memory_space<semaphore_mem>>) src(%dma_wait3A_25 : memref<632x16xf32, #tpu.memory_space<vmem_shared>>) dst(%dma_wait3A_23 : memref<632x16xf32, #tpu.memory_space<hbm>>)
      tpu.yield
    }) : () -> ()
    return
  }
}

#map = affine_map<(d0, d1) -> (0, 0)>
#map1 = affine_map<(d0, d1) -> (0, 0, 0)>
module attributes {stable_mosaic.version = 14 : i64} {
  func.func @k(%arg0: i32, %arg1: i32, %arg2: memref<10000x128xf32, #tpu.memory_space<hbm>>, %arg3: memref<2560x128xi32, #tpu.memory_space<hbm>>, %arg4: memref<2560x128xi32, #tpu.memory_space<hbm>>, %arg5: memref<632x128xf32, #tpu.memory_space<hbm>>, %arg6: memref<2x10112x128xf32, #tpu.memory_space<hbm>>, %arg7: memref<40x128xi32, #tpu.memory_space<vmem>>, %arg8: memref<40x128xi32, #tpu.memory_space<vmem>>, %arg9: memref<128x128xf32, #tpu.memory_space<vmem>>, %arg10: memref<128x128xf32, #tpu.memory_space<vmem>>, %arg11: memref<10112x128xf32, #tpu.memory_space<vmem_shared>>, %arg12: memref<!tpu.dma_semaphore, #tpu.memory_space<semaphore_mem>>, %arg13: memref<!tpu.dma_semaphore, #tpu.memory_space<semaphore_mem>>, %arg14: memref<!tpu.dma_semaphore, #tpu.memory_space<semaphore_mem>>) attributes {dimension_semantics = [#tpu.dimension_semantics<core_parallel>, #tpu.dimension_semantics<subcore_parallel>], iteration_bounds = array<i64: 2, 16>, scalar_prefetch = 0 : i64, scratch_operands = 8 : i64, tpu.core_type = #tpu.core_type<sc_vector_subcore>, window_params = [{transform_indices = #map}, {transform_indices = #map}, {transform_indices = #map}, {transform_indices = #map}, {transform_indices = #map1}]} {
    %mul3A = arith.constant 632 : i32
    %mul3A_0 = arith.muli %arg1, %mul3A : i32
    %eq3A = arith.constant 0 : i32
    %eq3A_1 = arith.cmpi eq, %arg0, %eq3A : i32
    %mul3A_2 = arith.constant 80 : i32
    %mul3A_3 = arith.muli %arg1, %mul3A_2 : i32
    %mul3A_4 = arith.constant 80 : i32
    %mul3A_5 = arith.muli %arg1, %mul3A_4 : i32
    %add3A = arith.constant 1280 : i32
    %add3A_6 = arith.addi %add3A, %mul3A_5 : i32
    %select_n3A = arith.select %eq3A_1, %mul3A_3, %add3A_6 : i32
    %eq3A_7 = arith.constant 0 : i32
    %eq3A_8 = arith.cmpi eq, %arg0, %eq3A_7 : i32
    %jit3A = arith.constant 2 : i32
    %jit3A_9 = arith.constant 2 : i32
    %select_n3A_10 = arith.select %eq3A_8, %jit3A, %jit3A_9 : i32
    "tpu.region"() ({
      %run_scoped3A = tpu.sem_alloc : memref<!tpu.dma_semaphore, #tpu.memory_space<semaphore_mem>>
      %dma_start3A = arith.constant 0 : i32
      %dma_start3A_38 = arith.constant 0 : i32
      %dma_start3A_39 = tpu.memref_slice %arg5[%dma_start3A, %dma_start3A_38] : memref<632x128xf32, #tpu.memory_space<hbm>> -> memref<128x128xf32, #tpu.memory_space<hbm>>
      %dma_start3A_40 = arith.constant 0 : i32
      %dma_start3A_41 = arith.constant 0 : i32
      %dma_start3A_42 = tpu.memref_slice %arg5[%dma_start3A_40, %dma_start3A_41] : memref<632x128xf32, #tpu.memory_space<hbm>> -> memref<128x128xf32, #tpu.memory_space<hbm>>
      tpu.enqueue_dma source(%dma_start3A_42 : memref<128x128xf32, #tpu.memory_space<hbm>>) target(%arg9 : memref<128x128xf32, #tpu.memory_space<vmem>>) target_semaphore(%run_scoped3A : memref<!tpu.dma_semaphore, #tpu.memory_space<semaphore_mem>>)
      %dma_wait3A = arith.constant 0 : i32
      %dma_wait3A_43 = arith.constant 0 : i32
      %dma_wait3A_44 = tpu.memref_slice %arg5[%dma_wait3A, %dma_wait3A_43] : memref<632x128xf32, #tpu.memory_space<hbm>> -> memref<128x128xf32, #tpu.memory_space<hbm>>
      %dma_wait3A_45 = arith.constant 0 : i32
      %dma_wait3A_46 = arith.constant 0 : i32
      %dma_wait3A_47 = tpu.memref_slice %arg5[%dma_wait3A_45, %dma_wait3A_46] : memref<632x128xf32, #tpu.memory_space<hbm>> -> memref<128x128xf32, #tpu.memory_space<hbm>>
      tpu.wait_dma2 semaphore(%run_scoped3A : memref<!tpu.dma_semaphore, #tpu.memory_space<semaphore_mem>>) src(%dma_wait3A_47 : memref<128x128xf32, #tpu.memory_space<hbm>>) dst(%arg9 : memref<128x128xf32, #tpu.memory_space<vmem>>)
      tpu.yield
    }) : () -> ()
    %add3A_11 = arith.constant 0 : i32
    %add3A_12 = arith.addi %mul3A_0, %add3A_11 : i32
    "tpu.region"() ({
      %run_scoped3A = tpu.sem_alloc : memref<!tpu.dma_semaphore, #tpu.memory_space<semaphore_mem>>
      %dma_start3A = arith.constant 0 : i32
      %dma_start3A_38 = tpu.memref_slice %arg11[%add3A_12, %dma_start3A] : memref<10112x128xf32, #tpu.memory_space<vmem_shared>> -> memref<128x128xf32, #tpu.memory_space<vmem_shared>>
      %dma_start3A_39 = arith.constant 0 : i32
      %dma_start3A_40 = tpu.memref_slice %arg11[%add3A_12, %dma_start3A_39] : memref<10112x128xf32, #tpu.memory_space<vmem_shared>> -> memref<128x128xf32, #tpu.memory_space<vmem_shared>>
      tpu.enqueue_dma source(%arg9 : memref<128x128xf32, #tpu.memory_space<vmem>>) target(%dma_start3A_40 : memref<128x128xf32, #tpu.memory_space<vmem_shared>>) target_semaphore(%run_scoped3A : memref<!tpu.dma_semaphore, #tpu.memory_space<semaphore_mem>>)
      %dma_wait3A = arith.constant 0 : i32
      %dma_wait3A_41 = tpu.memref_slice %arg11[%add3A_12, %dma_wait3A] : memref<10112x128xf32, #tpu.memory_space<vmem_shared>> -> memref<128x128xf32, #tpu.memory_space<vmem_shared>>
      %dma_wait3A_42 = arith.constant 0 : i32
      %dma_wait3A_43 = tpu.memref_slice %arg11[%add3A_12, %dma_wait3A_42] : memref<10112x128xf32, #tpu.memory_space<vmem_shared>> -> memref<128x128xf32, #tpu.memory_space<vmem_shared>>
      tpu.wait_dma2 semaphore(%run_scoped3A : memref<!tpu.dma_semaphore, #tpu.memory_space<semaphore_mem>>) src(%arg9 : memref<128x128xf32, #tpu.memory_space<vmem>>) dst(%dma_wait3A_43 : memref<128x128xf32, #tpu.memory_space<vmem_shared>>)
      tpu.yield
    }) : () -> ()
    %add3A_13 = arith.constant 128 : i32
    %add3A_14 = arith.addi %mul3A_0, %add3A_13 : i32
    "tpu.region"() ({
      %run_scoped3A = tpu.sem_alloc : memref<!tpu.dma_semaphore, #tpu.memory_space<semaphore_mem>>
      %dma_start3A = arith.constant 0 : i32
      %dma_start3A_38 = tpu.memref_slice %arg11[%add3A_14, %dma_start3A] : memref<10112x128xf32, #tpu.memory_space<vmem_shared>> -> memref<128x128xf32, #tpu.memory_space<vmem_shared>>
      %dma_start3A_39 = arith.constant 0 : i32
      %dma_start3A_40 = tpu.memref_slice %arg11[%add3A_14, %dma_start3A_39] : memref<10112x128xf32, #tpu.memory_space<vmem_shared>> -> memref<128x128xf32, #tpu.memory_space<vmem_shared>>
      tpu.enqueue_dma source(%arg9 : memref<128x128xf32, #tpu.memory_space<vmem>>) target(%dma_start3A_40 : memref<128x128xf32, #tpu.memory_space<vmem_shared>>) target_semaphore(%run_scoped3A : memref<!tpu.dma_semaphore, #tpu.memory_space<semaphore_mem>>)
      %dma_wait3A = arith.constant 0 : i32
      %dma_wait3A_41 = tpu.memref_slice %arg11[%add3A_14, %dma_wait3A] : memref<10112x128xf32, #tpu.memory_space<vmem_shared>> -> memref<128x128xf32, #tpu.memory_space<vmem_shared>>
      %dma_wait3A_42 = arith.constant 0 : i32
      %dma_wait3A_43 = tpu.memref_slice %arg11[%add3A_14, %dma_wait3A_42] : memref<10112x128xf32, #tpu.memory_space<vmem_shared>> -> memref<128x128xf32, #tpu.memory_space<vmem_shared>>
      tpu.wait_dma2 semaphore(%run_scoped3A : memref<!tpu.dma_semaphore, #tpu.memory_space<semaphore_mem>>) src(%arg9 : memref<128x128xf32, #tpu.memory_space<vmem>>) dst(%dma_wait3A_43 : memref<128x128xf32, #tpu.memory_space<vmem_shared>>)
      tpu.yield
    }) : () -> ()
    %add3A_15 = arith.constant 256 : i32
    %add3A_16 = arith.addi %mul3A_0, %add3A_15 : i32
    "tpu.region"() ({
      %run_scoped3A = tpu.sem_alloc : memref<!tpu.dma_semaphore, #tpu.memory_space<semaphore_mem>>
      %dma_start3A = arith.constant 0 : i32
      %dma_start3A_38 = tpu.memref_slice %arg11[%add3A_16, %dma_start3A] : memref<10112x128xf32, #tpu.memory_space<vmem_shared>> -> memref<128x128xf32, #tpu.memory_space<vmem_shared>>
      %dma_start3A_39 = arith.constant 0 : i32
      %dma_start3A_40 = tpu.memref_slice %arg11[%add3A_16, %dma_start3A_39] : memref<10112x128xf32, #tpu.memory_space<vmem_shared>> -> memref<128x128xf32, #tpu.memory_space<vmem_shared>>
      tpu.enqueue_dma source(%arg9 : memref<128x128xf32, #tpu.memory_space<vmem>>) target(%dma_start3A_40 : memref<128x128xf32, #tpu.memory_space<vmem_shared>>) target_semaphore(%run_scoped3A : memref<!tpu.dma_semaphore, #tpu.memory_space<semaphore_mem>>)
      %dma_wait3A = arith.constant 0 : i32
      %dma_wait3A_41 = tpu.memref_slice %arg11[%add3A_16, %dma_wait3A] : memref<10112x128xf32, #tpu.memory_space<vmem_shared>> -> memref<128x128xf32, #tpu.memory_space<vmem_shared>>
      %dma_wait3A_42 = arith.constant 0 : i32
      %dma_wait3A_43 = tpu.memref_slice %arg11[%add3A_16, %dma_wait3A_42] : memref<10112x128xf32, #tpu.memory_space<vmem_shared>> -> memref<128x128xf32, #tpu.memory_space<vmem_shared>>
      tpu.wait_dma2 semaphore(%run_scoped3A : memref<!tpu.dma_semaphore, #tpu.memory_space<semaphore_mem>>) src(%arg9 : memref<128x128xf32, #tpu.memory_space<vmem>>) dst(%dma_wait3A_43 : memref<128x128xf32, #tpu.memory_space<vmem_shared>>)
      tpu.yield
    }) : () -> ()
    %add3A_17 = arith.constant 384 : i32
    %add3A_18 = arith.addi %mul3A_0, %add3A_17 : i32
    "tpu.region"() ({
      %run_scoped3A = tpu.sem_alloc : memref<!tpu.dma_semaphore, #tpu.memory_space<semaphore_mem>>
      %dma_start3A = arith.constant 0 : i32
      %dma_start3A_38 = tpu.memref_slice %arg11[%add3A_18, %dma_start3A] : memref<10112x128xf32, #tpu.memory_space<vmem_shared>> -> memref<128x128xf32, #tpu.memory_space<vmem_shared>>
      %dma_start3A_39 = arith.constant 0 : i32
      %dma_start3A_40 = tpu.memref_slice %arg11[%add3A_18, %dma_start3A_39] : memref<10112x128xf32, #tpu.memory_space<vmem_shared>> -> memref<128x128xf32, #tpu.memory_space<vmem_shared>>
      tpu.enqueue_dma source(%arg9 : memref<128x128xf32, #tpu.memory_space<vmem>>) target(%dma_start3A_40 : memref<128x128xf32, #tpu.memory_space<vmem_shared>>) target_semaphore(%run_scoped3A : memref<!tpu.dma_semaphore, #tpu.memory_space<semaphore_mem>>)
      %dma_wait3A = arith.constant 0 : i32
      %dma_wait3A_41 = tpu.memref_slice %arg11[%add3A_18, %dma_wait3A] : memref<10112x128xf32, #tpu.memory_space<vmem_shared>> -> memref<128x128xf32, #tpu.memory_space<vmem_shared>>
      %dma_wait3A_42 = arith.constant 0 : i32
      %dma_wait3A_43 = tpu.memref_slice %arg11[%add3A_18, %dma_wait3A_42] : memref<10112x128xf32, #tpu.memory_space<vmem_shared>> -> memref<128x128xf32, #tpu.memory_space<vmem_shared>>
      tpu.wait_dma2 semaphore(%run_scoped3A : memref<!tpu.dma_semaphore, #tpu.memory_space<semaphore_mem>>) src(%arg9 : memref<128x128xf32, #tpu.memory_space<vmem>>) dst(%dma_wait3A_43 : memref<128x128xf32, #tpu.memory_space<vmem_shared>>)
      tpu.yield
    }) : () -> ()
    %add3A_19 = arith.constant 512 : i32
    %add3A_20 = arith.addi %mul3A_0, %add3A_19 : i32
    "tpu.region"() ({
      %run_scoped3A = tpu.sem_alloc : memref<!tpu.dma_semaphore, #tpu.memory_space<semaphore_mem>>
      %dma_start3A = arith.constant 0 : i32
      %dma_start3A_38 = arith.constant 0 : i32
      %dma_start3A_39 = tpu.memref_slice %arg9[%dma_start3A, %dma_start3A_38] : memref<128x128xf32, #tpu.memory_space<vmem>> -> memref<120x128xf32, #tpu.memory_space<vmem>>
      %dma_start3A_40 = arith.constant 0 : i32
      %dma_start3A_41 = tpu.memref_slice %arg11[%add3A_20, %dma_start3A_40] : memref<10112x128xf32, #tpu.memory_space<vmem_shared>> -> memref<120x128xf32, #tpu.memory_space<vmem_shared>>
      %dma_start3A_42 = arith.constant 0 : i32
      %dma_start3A_43 = tpu.memref_slice %arg11[%add3A_20, %dma_start3A_42] : memref<10112x128xf32, #tpu.memory_space<vmem_shared>> -> memref<120x128xf32, #tpu.memory_space<vmem_shared>>
      %dma_start3A_44 = arith.constant 0 : i32
      %dma_start3A_45 = arith.constant 0 : i32
      %dma_start3A_46 = tpu.memref_slice %arg9[%dma_start3A_44, %dma_start3A_45] : memref<128x128xf32, #tpu.memory_space<vmem>> -> memref<120x128xf32, #tpu.memory_space<vmem>>
      tpu.enqueue_dma source(%dma_start3A_46 : memref<120x128xf32, #tpu.memory_space<vmem>>) target(%dma_start3A_43 : memref<120x128xf32, #tpu.memory_space<vmem_shared>>) target_semaphore(%run_scoped3A : memref<!tpu.dma_semaphore, #tpu.memory_space<semaphore_mem>>)
      %dma_wait3A = arith.constant 0 : i32
      %dma_wait3A_47 = arith.constant 0 : i32
      %dma_wait3A_48 = tpu.memref_slice %arg9[%dma_wait3A, %dma_wait3A_47] : memref<128x128xf32, #tpu.memory_space<vmem>> -> memref<120x128xf32, #tpu.memory_space<vmem>>
      %dma_wait3A_49 = arith.constant 0 : i32
      %dma_wait3A_50 = tpu.memref_slice %arg11[%add3A_20, %dma_wait3A_49] : memref<10112x128xf32, #tpu.memory_space<vmem_shared>> -> memref<120x128xf32, #tpu.memory_space<vmem_shared>>
      %dma_wait3A_51 = arith.constant 0 : i32
      %dma_wait3A_52 = tpu.memref_slice %arg11[%add3A_20, %dma_wait3A_51] : memref<10112x128xf32, #tpu.memory_space<vmem_shared>> -> memref<120x128xf32, #tpu.memory_space<vmem_shared>>
      %dma_wait3A_53 = arith.constant 0 : i32
      %dma_wait3A_54 = arith.constant 0 : i32
      %dma_wait3A_55 = tpu.memref_slice %arg9[%dma_wait3A_53, %dma_wait3A_54] : memref<128x128xf32, #tpu.memory_space<vmem>> -> memref<120x128xf32, #tpu.memory_space<vmem>>
      tpu.wait_dma2 semaphore(%run_scoped3A : memref<!tpu.dma_semaphore, #tpu.memory_space<semaphore_mem>>) src(%dma_wait3A_55 : memref<120x128xf32, #tpu.memory_space<vmem>>) dst(%dma_wait3A_52 : memref<120x128xf32, #tpu.memory_space<vmem_shared>>)
      tpu.yield
    }) : () -> ()
    %barrier3A = arith.constant 0 : index
    tpu.barrier barrier_id(%barrier3A)
    %sub3A = arith.constant 0 : i32
    %sub3A_21 = arith.subi %select_n3A_10, %sub3A : i32
    %sub3A_22 = arith.constant 1 : i32
    %sub3A_23 = arith.constant 1 : i32
    %sub3A_24 = arith.subi %sub3A_22, %sub3A_23 : i32
    %add3A_25 = arith.addi %sub3A_21, %sub3A_24 : i32
    %div3A = arith.constant 1 : i32
    %div3A_26 = arith.divsi %add3A_25, %div3A : i32
    %while3A = arith.constant 1 : i32
    %while3A_27 = arith.constant 0 : i32
    %while3A_28 = arith.constant 0 : i32
    %while3A_29 = arith.subi %div3A_26, %while3A_28 : i32
    %while3A_30 = arith.addi %while3A_28, %while3A_29 : i32
    %while3A_31 = arith.constant 1 : i32
    %while3A_32 = arith.divsi %while3A_29, %while3A_31 : i32
    %while3A_33 = arith.muli %while3A_32, %while3A_31 : i32
    %while3A_34 = arith.addi %while3A_28, %while3A_33 : i32
    %while3A_35 = arith.constant 1 : i32
    scf.for %while3A_38 = %while3A_28 to %while3A_34 step %while3A_35  : i32 {
      %mul3A_39 = arith.muli %while3A_38, %while3A : i32
      %add3A_40 = arith.addi %while3A_27, %mul3A_39 : i32
      %mul3A_41 = arith.constant 40 : i32
      %mul3A_42 = arith.muli %add3A_40, %mul3A_41 : i32
      %add3A_43 = arith.addi %select_n3A, %mul3A_42 : i32
      "tpu.region"() ({
        %run_scoped3A = tpu.sem_alloc : memref<!tpu.dma_semaphore, #tpu.memory_space<semaphore_mem>>
        %dma_start3A_64 = arith.constant 0 : i32
        %dma_start3A_65 = tpu.memref_slice %arg3[%add3A_43, %dma_start3A_64] : memref<2560x128xi32, #tpu.memory_space<hbm>> -> memref<40x128xi32, #tpu.memory_space<hbm>>
        %dma_start3A_66 = arith.constant 0 : i32
        %dma_start3A_67 = tpu.memref_slice %arg3[%add3A_43, %dma_start3A_66] : memref<2560x128xi32, #tpu.memory_space<hbm>> -> memref<40x128xi32, #tpu.memory_space<hbm>>
        tpu.enqueue_dma source(%dma_start3A_67 : memref<40x128xi32, #tpu.memory_space<hbm>>) target(%arg7 : memref<40x128xi32, #tpu.memory_space<vmem>>) target_semaphore(%run_scoped3A : memref<!tpu.dma_semaphore, #tpu.memory_space<semaphore_mem>>)
        %dma_wait3A = arith.constant 0 : i32
        %dma_wait3A_68 = tpu.memref_slice %arg3[%add3A_43, %dma_wait3A] : memref<2560x128xi32, #tpu.memory_space<hbm>> -> memref<40x128xi32, #tpu.memory_space<hbm>>
        %dma_wait3A_69 = arith.constant 0 : i32
        %dma_wait3A_70 = tpu.memref_slice %arg3[%add3A_43, %dma_wait3A_69] : memref<2560x128xi32, #tpu.memory_space<hbm>> -> memref<40x128xi32, #tpu.memory_space<hbm>>
        tpu.wait_dma2 semaphore(%run_scoped3A : memref<!tpu.dma_semaphore, #tpu.memory_space<semaphore_mem>>) src(%dma_wait3A_70 : memref<40x128xi32, #tpu.memory_space<hbm>>) dst(%arg7 : memref<40x128xi32, #tpu.memory_space<vmem>>)
        tpu.yield
      }) : () -> ()
      %mul3A_44 = arith.constant 40 : i32
      %mul3A_45 = arith.muli %add3A_40, %mul3A_44 : i32
      %add3A_46 = arith.addi %select_n3A, %mul3A_45 : i32
      "tpu.region"() ({
        %run_scoped3A = tpu.sem_alloc : memref<!tpu.dma_semaphore, #tpu.memory_space<semaphore_mem>>
        %dma_start3A_64 = arith.constant 0 : i32
        %dma_start3A_65 = tpu.memref_slice %arg4[%add3A_46, %dma_start3A_64] : memref<2560x128xi32, #tpu.memory_space<hbm>> -> memref<40x128xi32, #tpu.memory_space<hbm>>
        %dma_start3A_66 = arith.constant 0 : i32
        %dma_start3A_67 = tpu.memref_slice %arg4[%add3A_46, %dma_start3A_66] : memref<2560x128xi32, #tpu.memory_space<hbm>> -> memref<40x128xi32, #tpu.memory_space<hbm>>
        tpu.enqueue_dma source(%dma_start3A_67 : memref<40x128xi32, #tpu.memory_space<hbm>>) target(%arg8 : memref<40x128xi32, #tpu.memory_space<vmem>>) target_semaphore(%run_scoped3A : memref<!tpu.dma_semaphore, #tpu.memory_space<semaphore_mem>>)
        %dma_wait3A = arith.constant 0 : i32
        %dma_wait3A_68 = tpu.memref_slice %arg4[%add3A_46, %dma_wait3A] : memref<2560x128xi32, #tpu.memory_space<hbm>> -> memref<40x128xi32, #tpu.memory_space<hbm>>
        %dma_wait3A_69 = arith.constant 0 : i32
        %dma_wait3A_70 = tpu.memref_slice %arg4[%add3A_46, %dma_wait3A_69] : memref<2560x128xi32, #tpu.memory_space<hbm>> -> memref<40x128xi32, #tpu.memory_space<hbm>>
        tpu.wait_dma2 semaphore(%run_scoped3A : memref<!tpu.dma_semaphore, #tpu.memory_space<semaphore_mem>>) src(%dma_wait3A_70 : memref<40x128xi32, #tpu.memory_space<hbm>>) dst(%arg8 : memref<40x128xi32, #tpu.memory_space<vmem>>)
        tpu.yield
      }) : () -> ()
      %dma_start3A = arith.constant 0 : i32
      %dma_start3A_47 = arith.constant 0 : i32
      %dma_start3A_48 = tpu.memref_slice %arg7[%dma_start3A, %dma_start3A_47] : memref<40x128xi32, #tpu.memory_space<vmem>> -> memref<1x128xi32, #tpu.memory_space<vmem>>
      %dma_start3A_49 = tpu.memref_squeeze %dma_start3A_48 : memref<1x128xi32, #tpu.memory_space<vmem>> -> memref<128xi32, #tpu.memory_space<vmem>>
      %dma_start3A_50 = arith.constant 0 : i32
      %dma_start3A_51 = arith.constant 0 : i32
      %dma_start3A_52 = tpu.memref_slice %arg2[%dma_start3A_50, %dma_start3A_51] : memref<10000x128xf32, #tpu.memory_space<hbm>> -> memref<10000x128xf32, #tpu.memory_space<hbm>>
      tpu.enqueue_indirect_dma source(%dma_start3A_52 : memref<10000x128xf32, #tpu.memory_space<hbm>>) target(%arg9 : memref<128x128xf32, #tpu.memory_space<vmem>>) offsets(%dma_start3A_49 : memref<128xi32, #tpu.memory_space<vmem>>) semaphore(%arg12 : memref<!tpu.dma_semaphore, #tpu.memory_space<semaphore_mem>>)
      %dma_start3A_53 = arith.constant 1 : i32
      %dma_start3A_54 = arith.constant 0 : i32
      %dma_start3A_55 = tpu.memref_slice %arg7[%dma_start3A_53, %dma_start3A_54] : memref<40x128xi32, #tpu.memory_space<vmem>> -> memref<1x128xi32, #tpu.memory_space<vmem>>
      %dma_start3A_56 = tpu.memref_squeeze %dma_start3A_55 : memref<1x128xi32, #tpu.memory_space<vmem>> -> memref<128xi32, #tpu.memory_space<vmem>>
      %dma_start3A_57 = arith.constant 0 : i32
      %dma_start3A_58 = arith.constant 0 : i32
      %dma_start3A_59 = tpu.memref_slice %arg2[%dma_start3A_57, %dma_start3A_58] : memref<10000x128xf32, #tpu.memory_space<hbm>> -> memref<10000x128xf32, #tpu.memory_space<hbm>>
      tpu.enqueue_indirect_dma source(%dma_start3A_59 : memref<10000x128xf32, #tpu.memory_space<hbm>>) target(%arg10 : memref<128x128xf32, #tpu.memory_space<vmem>>) offsets(%dma_start3A_56 : memref<128xi32, #tpu.memory_space<vmem>>) semaphore(%arg13 : memref<!tpu.dma_semaphore, #tpu.memory_space<semaphore_mem>>)
      %scan3A = arith.constant 0 : i32
      %scan3A_60 = arith.constant 20 : i32
      %scan3A_61 = arith.addi %scan3A, %scan3A_60 : i32
      %scan3A_62 = arith.constant 1 : i32
      scf.for %scan3A_64 = %scan3A to %scan3A_61 step %scan3A_62  : i32 {
        %mul3A_65 = arith.constant 2 : i32
        %mul3A_66 = arith.muli %scan3A_64, %mul3A_65 : i32
        %add3A_67 = arith.constant 0 : i32
        %add3A_68 = arith.addi %add3A_67, %mul3A_66 : i32
        %dma_wait3A = arith.constant 0 : i32
        %dma_wait3A_69 = arith.constant 0 : i32
        %dma_wait3A_70 = tpu.memref_slice %arg2[%dma_wait3A, %dma_wait3A_69] : memref<10000x128xf32, #tpu.memory_space<hbm>> -> memref<128x128xf32, #tpu.memory_space<hbm>>
        %dma_wait3A_71 = arith.constant 0 : i32
        %dma_wait3A_72 = arith.constant 0 : i32
        %dma_wait3A_73 = tpu.memref_slice %arg2[%dma_wait3A_71, %dma_wait3A_72] : memref<10000x128xf32, #tpu.memory_space<hbm>> -> memref<128x128xf32, #tpu.memory_space<hbm>>
        tpu.wait_dma2 semaphore(%arg12 : memref<!tpu.dma_semaphore, #tpu.memory_space<semaphore_mem>>) src(%dma_wait3A_73 : memref<128x128xf32, #tpu.memory_space<hbm>>) dst(%arg9 : memref<128x128xf32, #tpu.memory_space<vmem>>)
        "tpu.region"() ({
          %run_scoped3A = tpu.sem_alloc : memref<!tpu.dma_semaphore, #tpu.memory_space<semaphore_mem>>
          %dma_start3A_93 = arith.constant 0 : i32
          %dma_start3A_94 = tpu.memref_slice %arg8[%add3A_68, %dma_start3A_93] : memref<40x128xi32, #tpu.memory_space<vmem>> -> memref<1x128xi32, #tpu.memory_space<vmem>>
          %dma_start3A_95 = tpu.memref_squeeze %dma_start3A_94 : memref<1x128xi32, #tpu.memory_space<vmem>> -> memref<128xi32, #tpu.memory_space<vmem>>
          %dma_start3A_96 = arith.constant 0 : i32
          %dma_start3A_97 = arith.constant 0 : i32
          %dma_start3A_98 = tpu.memref_slice %arg11[%dma_start3A_96, %dma_start3A_97] : memref<10112x128xf32, #tpu.memory_space<vmem_shared>> -> memref<10112x128xf32, #tpu.memory_space<vmem_shared>>
          tpu.enqueue_indirect_dma source(%arg9 : memref<128x128xf32, #tpu.memory_space<vmem>>) target(%dma_start3A_98 : memref<10112x128xf32, #tpu.memory_space<vmem_shared>>) offsets(%dma_start3A_95 : memref<128xi32, #tpu.memory_space<vmem>>) semaphore(%run_scoped3A : memref<!tpu.dma_semaphore, #tpu.memory_space<semaphore_mem>>) {add = true}
          %dma_wait3A_99 = arith.constant 0 : i32
          %dma_wait3A_100 = tpu.memref_slice %arg8[%add3A_68, %dma_wait3A_99] : memref<40x128xi32, #tpu.memory_space<vmem>> -> memref<1x128xi32, #tpu.memory_space<vmem>>
          %dma_wait3A_101 = tpu.memref_squeeze %dma_wait3A_100 : memref<1x128xi32, #tpu.memory_space<vmem>> -> memref<128xi32, #tpu.memory_space<vmem>>
          %dma_wait3A_102 = arith.constant 0 : i32
          %dma_wait3A_103 = arith.constant 0 : i32
          %dma_wait3A_104 = tpu.memref_slice %arg11[%dma_wait3A_102, %dma_wait3A_103] : memref<10112x128xf32, #tpu.memory_space<vmem_shared>> -> memref<10112x128xf32, #tpu.memory_space<vmem_shared>>
          tpu.wait_indirect_dma semaphore(%run_scoped3A : memref<!tpu.dma_semaphore, #tpu.memory_space<semaphore_mem>>) src(%arg9 : memref<128x128xf32, #tpu.memory_space<vmem>>) dst(%dma_wait3A_104 : memref<10112x128xf32, #tpu.memory_space<vmem_shared>>)
          tpu.yield
        }) : () -> ()
        %add3A_74 = arith.constant 2 : i32
        %add3A_75 = arith.addi %add3A_68, %add3A_74 : i32
        %lt3A = arith.constant 40 : i32
        %lt3A_76 = arith.cmpi slt, %add3A_75, %lt3A : i32
        %convert_element_type3A = arith.extui %lt3A_76 : i1 to i32
        %cond3A = arith.constant 0 : i32
        %cond3A_77 = arith.cmpi ne, %convert_element_type3A, %cond3A : i32
        scf.if %cond3A_77 {
          %add3A_93 = arith.constant 2 : i32
          %add3A_94 = arith.addi %add3A_68, %add3A_93 : i32
          %dma_start3A_95 = arith.constant 0 : i32
          %dma_start3A_96 = tpu.memref_slice %arg7[%add3A_94, %dma_start3A_95] : memref<40x128xi32, #tpu.memory_space<vmem>> -> memref<1x128xi32, #tpu.memory_space<vmem>>
          %dma_start3A_97 = tpu.memref_squeeze %dma_start3A_96 : memref<1x128xi32, #tpu.memory_space<vmem>> -> memref<128xi32, #tpu.memory_space<vmem>>
          %dma_start3A_98 = arith.constant 0 : i32
          %dma_start3A_99 = arith.constant 0 : i32
          %dma_start3A_100 = tpu.memref_slice %arg2[%dma_start3A_98, %dma_start3A_99] : memref<10000x128xf32, #tpu.memory_space<hbm>> -> memref<10000x128xf32, #tpu.memory_space<hbm>>
          tpu.enqueue_indirect_dma source(%dma_start3A_100 : memref<10000x128xf32, #tpu.memory_space<hbm>>) target(%arg9 : memref<128x128xf32, #tpu.memory_space<vmem>>) offsets(%dma_start3A_97 : memref<128xi32, #tpu.memory_space<vmem>>) semaphore(%arg12 : memref<!tpu.dma_semaphore, #tpu.memory_space<semaphore_mem>>)
        } else {
        }
        %dma_wait3A_78 = arith.constant 0 : i32
        %dma_wait3A_79 = arith.constant 0 : i32
        %dma_wait3A_80 = tpu.memref_slice %arg2[%dma_wait3A_78, %dma_wait3A_79] : memref<10000x128xf32, #tpu.memory_space<hbm>> -> memref<128x128xf32, #tpu.memory_space<hbm>>
        %dma_wait3A_81 = arith.constant 0 : i32
        %dma_wait3A_82 = arith.constant 0 : i32
        %dma_wait3A_83 = tpu.memref_slice %arg2[%dma_wait3A_81, %dma_wait3A_82] : memref<10000x128xf32, #tpu.memory_space<hbm>> -> memref<128x128xf32, #tpu.memory_space<hbm>>
        tpu.wait_dma2 semaphore(%arg13 : memref<!tpu.dma_semaphore, #tpu.memory_space<semaphore_mem>>) src(%dma_wait3A_83 : memref<128x128xf32, #tpu.memory_space<hbm>>) dst(%arg10 : memref<128x128xf32, #tpu.memory_space<vmem>>)
        %add3A_84 = arith.constant 1 : i32
        %add3A_85 = arith.addi %add3A_68, %add3A_84 : i32
        "tpu.region"() ({
          %run_scoped3A = tpu.sem_alloc : memref<!tpu.dma_semaphore, #tpu.memory_space<semaphore_mem>>
          %dma_start3A_93 = arith.constant 0 : i32
          %dma_start3A_94 = tpu.memref_slice %arg8[%add3A_85, %dma_start3A_93] : memref<40x128xi32, #tpu.memory_space<vmem>> -> memref<1x128xi32, #tpu.memory_space<vmem>>
          %dma_start3A_95 = tpu.memref_squeeze %dma_start3A_94 : memref<1x128xi32, #tpu.memory_space<vmem>> -> memref<128xi32, #tpu.memory_space<vmem>>
          %dma_start3A_96 = arith.constant 0 : i32
          %dma_start3A_97 = arith.constant 0 : i32
          %dma_start3A_98 = tpu.memref_slice %arg11[%dma_start3A_96, %dma_start3A_97] : memref<10112x128xf32, #tpu.memory_space<vmem_shared>> -> memref<10112x128xf32, #tpu.memory_space<vmem_shared>>
          tpu.enqueue_indirect_dma source(%arg10 : memref<128x128xf32, #tpu.memory_space<vmem>>) target(%dma_start3A_98 : memref<10112x128xf32, #tpu.memory_space<vmem_shared>>) offsets(%dma_start3A_95 : memref<128xi32, #tpu.memory_space<vmem>>) semaphore(%run_scoped3A : memref<!tpu.dma_semaphore, #tpu.memory_space<semaphore_mem>>) {add = true}
          %dma_wait3A_99 = arith.constant 0 : i32
          %dma_wait3A_100 = tpu.memref_slice %arg8[%add3A_85, %dma_wait3A_99] : memref<40x128xi32, #tpu.memory_space<vmem>> -> memref<1x128xi32, #tpu.memory_space<vmem>>
          %dma_wait3A_101 = tpu.memref_squeeze %dma_wait3A_100 : memref<1x128xi32, #tpu.memory_space<vmem>> -> memref<128xi32, #tpu.memory_space<vmem>>
          %dma_wait3A_102 = arith.constant 0 : i32
          %dma_wait3A_103 = arith.constant 0 : i32
          %dma_wait3A_104 = tpu.memref_slice %arg11[%dma_wait3A_102, %dma_wait3A_103] : memref<10112x128xf32, #tpu.memory_space<vmem_shared>> -> memref<10112x128xf32, #tpu.memory_space<vmem_shared>>
          tpu.wait_indirect_dma semaphore(%run_scoped3A : memref<!tpu.dma_semaphore, #tpu.memory_space<semaphore_mem>>) src(%arg10 : memref<128x128xf32, #tpu.memory_space<vmem>>) dst(%dma_wait3A_104 : memref<10112x128xf32, #tpu.memory_space<vmem_shared>>)
          tpu.yield
        }) : () -> ()
        %add3A_86 = arith.constant 3 : i32
        %add3A_87 = arith.addi %add3A_68, %add3A_86 : i32
        %lt3A_88 = arith.constant 40 : i32
        %lt3A_89 = arith.cmpi slt, %add3A_87, %lt3A_88 : i32
        %convert_element_type3A_90 = arith.extui %lt3A_89 : i1 to i32
        %cond3A_91 = arith.constant 0 : i32
        %cond3A_92 = arith.cmpi ne, %convert_element_type3A_90, %cond3A_91 : i32
        scf.if %cond3A_92 {
          %add3A_93 = arith.constant 3 : i32
          %add3A_94 = arith.addi %add3A_68, %add3A_93 : i32
          %dma_start3A_95 = arith.constant 0 : i32
          %dma_start3A_96 = tpu.memref_slice %arg7[%add3A_94, %dma_start3A_95] : memref<40x128xi32, #tpu.memory_space<vmem>> -> memref<1x128xi32, #tpu.memory_space<vmem>>
          %dma_start3A_97 = tpu.memref_squeeze %dma_start3A_96 : memref<1x128xi32, #tpu.memory_space<vmem>> -> memref<128xi32, #tpu.memory_space<vmem>>
          %dma_start3A_98 = arith.constant 0 : i32
          %dma_start3A_99 = arith.constant 0 : i32
          %dma_start3A_100 = tpu.memref_slice %arg2[%dma_start3A_98, %dma_start3A_99] : memref<10000x128xf32, #tpu.memory_space<hbm>> -> memref<10000x128xf32, #tpu.memory_space<hbm>>
          tpu.enqueue_indirect_dma source(%dma_start3A_100 : memref<10000x128xf32, #tpu.memory_space<hbm>>) target(%arg10 : memref<128x128xf32, #tpu.memory_space<vmem>>) offsets(%dma_start3A_97 : memref<128xi32, #tpu.memory_space<vmem>>) semaphore(%arg13 : memref<!tpu.dma_semaphore, #tpu.memory_space<semaphore_mem>>)
        } else {
        }
      }
      %scan3A_63 = arith.constant 20 : i32
    }
    %while3A_36 = arith.constant 1 : i32
    scf.for %while3A_38 = %while3A_34 to %while3A_30 step %while3A_36  : i32 {
      %mul3A_39 = arith.muli %while3A_38, %while3A : i32
      %add3A_40 = arith.addi %while3A_27, %mul3A_39 : i32
      %mul3A_41 = arith.constant 40 : i32
      %mul3A_42 = arith.muli %add3A_40, %mul3A_41 : i32
      %add3A_43 = arith.addi %select_n3A, %mul3A_42 : i32
      "tpu.region"() ({
        %run_scoped3A = tpu.sem_alloc : memref<!tpu.dma_semaphore, #tpu.memory_space<semaphore_mem>>
        %dma_start3A_64 = arith.constant 0 : i32
        %dma_start3A_65 = tpu.memref_slice %arg3[%add3A_43, %dma_start3A_64] : memref<2560x128xi32, #tpu.memory_space<hbm>> -> memref<40x128xi32, #tpu.memory_space<hbm>>
        %dma_start3A_66 = arith.constant 0 : i32
        %dma_start3A_67 = tpu.memref_slice %arg3[%add3A_43, %dma_start3A_66] : memref<2560x128xi32, #tpu.memory_space<hbm>> -> memref<40x128xi32, #tpu.memory_space<hbm>>
        tpu.enqueue_dma source(%dma_start3A_67 : memref<40x128xi32, #tpu.memory_space<hbm>>) target(%arg7 : memref<40x128xi32, #tpu.memory_space<vmem>>) target_semaphore(%run_scoped3A : memref<!tpu.dma_semaphore, #tpu.memory_space<semaphore_mem>>)
        %dma_wait3A = arith.constant 0 : i32
        %dma_wait3A_68 = tpu.memref_slice %arg3[%add3A_43, %dma_wait3A] : memref<2560x128xi32, #tpu.memory_space<hbm>> -> memref<40x128xi32, #tpu.memory_space<hbm>>
        %dma_wait3A_69 = arith.constant 0 : i32
        %dma_wait3A_70 = tpu.memref_slice %arg3[%add3A_43, %dma_wait3A_69] : memref<2560x128xi32, #tpu.memory_space<hbm>> -> memref<40x128xi32, #tpu.memory_space<hbm>>
        tpu.wait_dma2 semaphore(%run_scoped3A : memref<!tpu.dma_semaphore, #tpu.memory_space<semaphore_mem>>) src(%dma_wait3A_70 : memref<40x128xi32, #tpu.memory_space<hbm>>) dst(%arg7 : memref<40x128xi32, #tpu.memory_space<vmem>>)
        tpu.yield
      }) : () -> ()
      %mul3A_44 = arith.constant 40 : i32
      %mul3A_45 = arith.muli %add3A_40, %mul3A_44 : i32
      %add3A_46 = arith.addi %select_n3A, %mul3A_45 : i32
      "tpu.region"() ({
        %run_scoped3A = tpu.sem_alloc : memref<!tpu.dma_semaphore, #tpu.memory_space<semaphore_mem>>
        %dma_start3A_64 = arith.constant 0 : i32
        %dma_start3A_65 = tpu.memref_slice %arg4[%add3A_46, %dma_start3A_64] : memref<2560x128xi32, #tpu.memory_space<hbm>> -> memref<40x128xi32, #tpu.memory_space<hbm>>
        %dma_start3A_66 = arith.constant 0 : i32
        %dma_start3A_67 = tpu.memref_slice %arg4[%add3A_46, %dma_start3A_66] : memref<2560x128xi32, #tpu.memory_space<hbm>> -> memref<40x128xi32, #tpu.memory_space<hbm>>
        tpu.enqueue_dma source(%dma_start3A_67 : memref<40x128xi32, #tpu.memory_space<hbm>>) target(%arg8 : memref<40x128xi32, #tpu.memory_space<vmem>>) target_semaphore(%run_scoped3A : memref<!tpu.dma_semaphore, #tpu.memory_space<semaphore_mem>>)
        %dma_wait3A = arith.constant 0 : i32
        %dma_wait3A_68 = tpu.memref_slice %arg4[%add3A_46, %dma_wait3A] : memref<2560x128xi32, #tpu.memory_space<hbm>> -> memref<40x128xi32, #tpu.memory_space<hbm>>
        %dma_wait3A_69 = arith.constant 0 : i32
        %dma_wait3A_70 = tpu.memref_slice %arg4[%add3A_46, %dma_wait3A_69] : memref<2560x128xi32, #tpu.memory_space<hbm>> -> memref<40x128xi32, #tpu.memory_space<hbm>>
        tpu.wait_dma2 semaphore(%run_scoped3A : memref<!tpu.dma_semaphore, #tpu.memory_space<semaphore_mem>>) src(%dma_wait3A_70 : memref<40x128xi32, #tpu.memory_space<hbm>>) dst(%arg8 : memref<40x128xi32, #tpu.memory_space<vmem>>)
        tpu.yield
      }) : () -> ()
      %dma_start3A = arith.constant 0 : i32
      %dma_start3A_47 = arith.constant 0 : i32
      %dma_start3A_48 = tpu.memref_slice %arg7[%dma_start3A, %dma_start3A_47] : memref<40x128xi32, #tpu.memory_space<vmem>> -> memref<1x128xi32, #tpu.memory_space<vmem>>
      %dma_start3A_49 = tpu.memref_squeeze %dma_start3A_48 : memref<1x128xi32, #tpu.memory_space<vmem>> -> memref<128xi32, #tpu.memory_space<vmem>>
      %dma_start3A_50 = arith.constant 0 : i32
      %dma_start3A_51 = arith.constant 0 : i32
      %dma_start3A_52 = tpu.memref_slice %arg2[%dma_start3A_50, %dma_start3A_51] : memref<10000x128xf32, #tpu.memory_space<hbm>> -> memref<10000x128xf32, #tpu.memory_space<hbm>>
      tpu.enqueue_indirect_dma source(%dma_start3A_52 : memref<10000x128xf32, #tpu.memory_space<hbm>>) target(%arg9 : memref<128x128xf32, #tpu.memory_space<vmem>>) offsets(%dma_start3A_49 : memref<128xi32, #tpu.memory_space<vmem>>) semaphore(%arg12 : memref<!tpu.dma_semaphore, #tpu.memory_space<semaphore_mem>>)
      %dma_start3A_53 = arith.constant 1 : i32
      %dma_start3A_54 = arith.constant 0 : i32
      %dma_start3A_55 = tpu.memref_slice %arg7[%dma_start3A_53, %dma_start3A_54] : memref<40x128xi32, #tpu.memory_space<vmem>> -> memref<1x128xi32, #tpu.memory_space<vmem>>
      %dma_start3A_56 = tpu.memref_squeeze %dma_start3A_55 : memref<1x128xi32, #tpu.memory_space<vmem>> -> memref<128xi32, #tpu.memory_space<vmem>>
      %dma_start3A_57 = arith.constant 0 : i32
      %dma_start3A_58 = arith.constant 0 : i32
      %dma_start3A_59 = tpu.memref_slice %arg2[%dma_start3A_57, %dma_start3A_58] : memref<10000x128xf32, #tpu.memory_space<hbm>> -> memref<10000x128xf32, #tpu.memory_space<hbm>>
      tpu.enqueue_indirect_dma source(%dma_start3A_59 : memref<10000x128xf32, #tpu.memory_space<hbm>>) target(%arg10 : memref<128x128xf32, #tpu.memory_space<vmem>>) offsets(%dma_start3A_56 : memref<128xi32, #tpu.memory_space<vmem>>) semaphore(%arg13 : memref<!tpu.dma_semaphore, #tpu.memory_space<semaphore_mem>>)
      %scan3A = arith.constant 0 : i32
      %scan3A_60 = arith.constant 20 : i32
      %scan3A_61 = arith.addi %scan3A, %scan3A_60 : i32
      %scan3A_62 = arith.constant 1 : i32
      scf.for %scan3A_64 = %scan3A to %scan3A_61 step %scan3A_62  : i32 {
        %mul3A_65 = arith.constant 2 : i32
        %mul3A_66 = arith.muli %scan3A_64, %mul3A_65 : i32
        %add3A_67 = arith.constant 0 : i32
        %add3A_68 = arith.addi %add3A_67, %mul3A_66 : i32
        %dma_wait3A = arith.constant 0 : i32
        %dma_wait3A_69 = arith.constant 0 : i32
        %dma_wait3A_70 = tpu.memref_slice %arg2[%dma_wait3A, %dma_wait3A_69] : memref<10000x128xf32, #tpu.memory_space<hbm>> -> memref<128x128xf32, #tpu.memory_space<hbm>>
        %dma_wait3A_71 = arith.constant 0 : i32
        %dma_wait3A_72 = arith.constant 0 : i32
        %dma_wait3A_73 = tpu.memref_slice %arg2[%dma_wait3A_71, %dma_wait3A_72] : memref<10000x128xf32, #tpu.memory_space<hbm>> -> memref<128x128xf32, #tpu.memory_space<hbm>>
        tpu.wait_dma2 semaphore(%arg12 : memref<!tpu.dma_semaphore, #tpu.memory_space<semaphore_mem>>) src(%dma_wait3A_73 : memref<128x128xf32, #tpu.memory_space<hbm>>) dst(%arg9 : memref<128x128xf32, #tpu.memory_space<vmem>>)
        "tpu.region"() ({
          %run_scoped3A = tpu.sem_alloc : memref<!tpu.dma_semaphore, #tpu.memory_space<semaphore_mem>>
          %dma_start3A_93 = arith.constant 0 : i32
          %dma_start3A_94 = tpu.memref_slice %arg8[%add3A_68, %dma_start3A_93] : memref<40x128xi32, #tpu.memory_space<vmem>> -> memref<1x128xi32, #tpu.memory_space<vmem>>
          %dma_start3A_95 = tpu.memref_squeeze %dma_start3A_94 : memref<1x128xi32, #tpu.memory_space<vmem>> -> memref<128xi32, #tpu.memory_space<vmem>>
          %dma_start3A_96 = arith.constant 0 : i32
          %dma_start3A_97 = arith.constant 0 : i32
          %dma_start3A_98 = tpu.memref_slice %arg11[%dma_start3A_96, %dma_start3A_97] : memref<10112x128xf32, #tpu.memory_space<vmem_shared>> -> memref<10112x128xf32, #tpu.memory_space<vmem_shared>>
          tpu.enqueue_indirect_dma source(%arg9 : memref<128x128xf32, #tpu.memory_space<vmem>>) target(%dma_start3A_98 : memref<10112x128xf32, #tpu.memory_space<vmem_shared>>) offsets(%dma_start3A_95 : memref<128xi32, #tpu.memory_space<vmem>>) semaphore(%run_scoped3A : memref<!tpu.dma_semaphore, #tpu.memory_space<semaphore_mem>>) {add = true}
          %dma_wait3A_99 = arith.constant 0 : i32
          %dma_wait3A_100 = tpu.memref_slice %arg8[%add3A_68, %dma_wait3A_99] : memref<40x128xi32, #tpu.memory_space<vmem>> -> memref<1x128xi32, #tpu.memory_space<vmem>>
          %dma_wait3A_101 = tpu.memref_squeeze %dma_wait3A_100 : memref<1x128xi32, #tpu.memory_space<vmem>> -> memref<128xi32, #tpu.memory_space<vmem>>
          %dma_wait3A_102 = arith.constant 0 : i32
          %dma_wait3A_103 = arith.constant 0 : i32
          %dma_wait3A_104 = tpu.memref_slice %arg11[%dma_wait3A_102, %dma_wait3A_103] : memref<10112x128xf32, #tpu.memory_space<vmem_shared>> -> memref<10112x128xf32, #tpu.memory_space<vmem_shared>>
          tpu.wait_indirect_dma semaphore(%run_scoped3A : memref<!tpu.dma_semaphore, #tpu.memory_space<semaphore_mem>>) src(%arg9 : memref<128x128xf32, #tpu.memory_space<vmem>>) dst(%dma_wait3A_104 : memref<10112x128xf32, #tpu.memory_space<vmem_shared>>)
          tpu.yield
        }) : () -> ()
        %add3A_74 = arith.constant 2 : i32
        %add3A_75 = arith.addi %add3A_68, %add3A_74 : i32
        %lt3A = arith.constant 40 : i32
        %lt3A_76 = arith.cmpi slt, %add3A_75, %lt3A : i32
        %convert_element_type3A = arith.extui %lt3A_76 : i1 to i32
        %cond3A = arith.constant 0 : i32
        %cond3A_77 = arith.cmpi ne, %convert_element_type3A, %cond3A : i32
        scf.if %cond3A_77 {
          %add3A_93 = arith.constant 2 : i32
          %add3A_94 = arith.addi %add3A_68, %add3A_93 : i32
          %dma_start3A_95 = arith.constant 0 : i32
          %dma_start3A_96 = tpu.memref_slice %arg7[%add3A_94, %dma_start3A_95] : memref<40x128xi32, #tpu.memory_space<vmem>> -> memref<1x128xi32, #tpu.memory_space<vmem>>
          %dma_start3A_97 = tpu.memref_squeeze %dma_start3A_96 : memref<1x128xi32, #tpu.memory_space<vmem>> -> memref<128xi32, #tpu.memory_space<vmem>>
          %dma_start3A_98 = arith.constant 0 : i32
          %dma_start3A_99 = arith.constant 0 : i32
          %dma_start3A_100 = tpu.memref_slice %arg2[%dma_start3A_98, %dma_start3A_99] : memref<10000x128xf32, #tpu.memory_space<hbm>> -> memref<10000x128xf32, #tpu.memory_space<hbm>>
          tpu.enqueue_indirect_dma source(%dma_start3A_100 : memref<10000x128xf32, #tpu.memory_space<hbm>>) target(%arg9 : memref<128x128xf32, #tpu.memory_space<vmem>>) offsets(%dma_start3A_97 : memref<128xi32, #tpu.memory_space<vmem>>) semaphore(%arg12 : memref<!tpu.dma_semaphore, #tpu.memory_space<semaphore_mem>>)
        } else {
        }
        %dma_wait3A_78 = arith.constant 0 : i32
        %dma_wait3A_79 = arith.constant 0 : i32
        %dma_wait3A_80 = tpu.memref_slice %arg2[%dma_wait3A_78, %dma_wait3A_79] : memref<10000x128xf32, #tpu.memory_space<hbm>> -> memref<128x128xf32, #tpu.memory_space<hbm>>
        %dma_wait3A_81 = arith.constant 0 : i32
        %dma_wait3A_82 = arith.constant 0 : i32
        %dma_wait3A_83 = tpu.memref_slice %arg2[%dma_wait3A_81, %dma_wait3A_82] : memref<10000x128xf32, #tpu.memory_space<hbm>> -> memref<128x128xf32, #tpu.memory_space<hbm>>
        tpu.wait_dma2 semaphore(%arg13 : memref<!tpu.dma_semaphore, #tpu.memory_space<semaphore_mem>>) src(%dma_wait3A_83 : memref<128x128xf32, #tpu.memory_space<hbm>>) dst(%arg10 : memref<128x128xf32, #tpu.memory_space<vmem>>)
        %add3A_84 = arith.constant 1 : i32
        %add3A_85 = arith.addi %add3A_68, %add3A_84 : i32
        "tpu.region"() ({
          %run_scoped3A = tpu.sem_alloc : memref<!tpu.dma_semaphore, #tpu.memory_space<semaphore_mem>>
          %dma_start3A_93 = arith.constant 0 : i32
          %dma_start3A_94 = tpu.memref_slice %arg8[%add3A_85, %dma_start3A_93] : memref<40x128xi32, #tpu.memory_space<vmem>> -> memref<1x128xi32, #tpu.memory_space<vmem>>
          %dma_start3A_95 = tpu.memref_squeeze %dma_start3A_94 : memref<1x128xi32, #tpu.memory_space<vmem>> -> memref<128xi32, #tpu.memory_space<vmem>>
          %dma_start3A_96 = arith.constant 0 : i32
          %dma_start3A_97 = arith.constant 0 : i32
          %dma_start3A_98 = tpu.memref_slice %arg11[%dma_start3A_96, %dma_start3A_97] : memref<10112x128xf32, #tpu.memory_space<vmem_shared>> -> memref<10112x128xf32, #tpu.memory_space<vmem_shared>>
          tpu.enqueue_indirect_dma source(%arg10 : memref<128x128xf32, #tpu.memory_space<vmem>>) target(%dma_start3A_98 : memref<10112x128xf32, #tpu.memory_space<vmem_shared>>) offsets(%dma_start3A_95 : memref<128xi32, #tpu.memory_space<vmem>>) semaphore(%run_scoped3A : memref<!tpu.dma_semaphore, #tpu.memory_space<semaphore_mem>>) {add = true}
          %dma_wait3A_99 = arith.constant 0 : i32
          %dma_wait3A_100 = tpu.memref_slice %arg8[%add3A_85, %dma_wait3A_99] : memref<40x128xi32, #tpu.memory_space<vmem>> -> memref<1x128xi32, #tpu.memory_space<vmem>>
          %dma_wait3A_101 = tpu.memref_squeeze %dma_wait3A_100 : memref<1x128xi32, #tpu.memory_space<vmem>> -> memref<128xi32, #tpu.memory_space<vmem>>
          %dma_wait3A_102 = arith.constant 0 : i32
          %dma_wait3A_103 = arith.constant 0 : i32
          %dma_wait3A_104 = tpu.memref_slice %arg11[%dma_wait3A_102, %dma_wait3A_103] : memref<10112x128xf32, #tpu.memory_space<vmem_shared>> -> memref<10112x128xf32, #tpu.memory_space<vmem_shared>>
          tpu.wait_indirect_dma semaphore(%run_scoped3A : memref<!tpu.dma_semaphore, #tpu.memory_space<semaphore_mem>>) src(%arg10 : memref<128x128xf32, #tpu.memory_space<vmem>>) dst(%dma_wait3A_104 : memref<10112x128xf32, #tpu.memory_space<vmem_shared>>)
          tpu.yield
        }) : () -> ()
        %add3A_86 = arith.constant 3 : i32
        %add3A_87 = arith.addi %add3A_68, %add3A_86 : i32
        %lt3A_88 = arith.constant 40 : i32
        %lt3A_89 = arith.cmpi slt, %add3A_87, %lt3A_88 : i32
        %convert_element_type3A_90 = arith.extui %lt3A_89 : i1 to i32
        %cond3A_91 = arith.constant 0 : i32
        %cond3A_92 = arith.cmpi ne, %convert_element_type3A_90, %cond3A_91 : i32
        scf.if %cond3A_92 {
          %add3A_93 = arith.constant 3 : i32
          %add3A_94 = arith.addi %add3A_68, %add3A_93 : i32
          %dma_start3A_95 = arith.constant 0 : i32
          %dma_start3A_96 = tpu.memref_slice %arg7[%add3A_94, %dma_start3A_95] : memref<40x128xi32, #tpu.memory_space<vmem>> -> memref<1x128xi32, #tpu.memory_space<vmem>>
          %dma_start3A_97 = tpu.memref_squeeze %dma_start3A_96 : memref<1x128xi32, #tpu.memory_space<vmem>> -> memref<128xi32, #tpu.memory_space<vmem>>
          %dma_start3A_98 = arith.constant 0 : i32
          %dma_start3A_99 = arith.constant 0 : i32
          %dma_start3A_100 = tpu.memref_slice %arg2[%dma_start3A_98, %dma_start3A_99] : memref<10000x128xf32, #tpu.memory_space<hbm>> -> memref<10000x128xf32, #tpu.memory_space<hbm>>
          tpu.enqueue_indirect_dma source(%dma_start3A_100 : memref<10000x128xf32, #tpu.memory_space<hbm>>) target(%arg10 : memref<128x128xf32, #tpu.memory_space<vmem>>) offsets(%dma_start3A_97 : memref<128xi32, #tpu.memory_space<vmem>>) semaphore(%arg13 : memref<!tpu.dma_semaphore, #tpu.memory_space<semaphore_mem>>)
        } else {
        }
      }
      %scan3A_63 = arith.constant 20 : i32
    }
    %barrier3A_37 = arith.constant 0 : index
    tpu.barrier barrier_id(%barrier3A_37)
    "tpu.region"() ({
      %run_scoped3A = tpu.sem_alloc : memref<!tpu.dma_semaphore, #tpu.memory_space<semaphore_mem>>
      %dma_start3A = arith.constant 0 : i32
      %dma_start3A_38 = arith.constant 0 : i32
      %dma_start3A_39 = tpu.memref_slice %arg6[%arg0, %dma_start3A, %dma_start3A_38] : memref<2x10112x128xf32, #tpu.memory_space<hbm>> -> memref<1x10112x128xf32, #tpu.memory_space<hbm>>
      %dma_start3A_40 = tpu.memref_squeeze %dma_start3A_39 : memref<1x10112x128xf32, #tpu.memory_space<hbm>> -> memref<10112x128xf32, #tpu.memory_space<hbm>>
      %dma_start3A_41 = arith.constant 0 : i32
      %dma_start3A_42 = tpu.memref_slice %dma_start3A_40[%mul3A_0, %dma_start3A_41] : memref<10112x128xf32, #tpu.memory_space<hbm>> -> memref<632x128xf32, #tpu.memory_space<hbm>>
      %dma_start3A_43 = arith.constant 0 : i32
      %dma_start3A_44 = tpu.memref_slice %arg11[%mul3A_0, %dma_start3A_43] : memref<10112x128xf32, #tpu.memory_space<vmem_shared>> -> memref<632x128xf32, #tpu.memory_space<vmem_shared>>
      tpu.enqueue_dma source(%dma_start3A_44 : memref<632x128xf32, #tpu.memory_space<vmem_shared>>) target(%dma_start3A_42 : memref<632x128xf32, #tpu.memory_space<hbm>>) target_semaphore(%run_scoped3A : memref<!tpu.dma_semaphore, #tpu.memory_space<semaphore_mem>>)
      %dma_wait3A = arith.constant 0 : i32
      %dma_wait3A_45 = arith.constant 0 : i32
      %dma_wait3A_46 = tpu.memref_slice %arg6[%arg0, %dma_wait3A, %dma_wait3A_45] : memref<2x10112x128xf32, #tpu.memory_space<hbm>> -> memref<1x10112x128xf32, #tpu.memory_space<hbm>>
      %dma_wait3A_47 = tpu.memref_squeeze %dma_wait3A_46 : memref<1x10112x128xf32, #tpu.memory_space<hbm>> -> memref<10112x128xf32, #tpu.memory_space<hbm>>
      %dma_wait3A_48 = arith.constant 0 : i32
      %dma_wait3A_49 = tpu.memref_slice %dma_wait3A_47[%mul3A_0, %dma_wait3A_48] : memref<10112x128xf32, #tpu.memory_space<hbm>> -> memref<632x128xf32, #tpu.memory_space<hbm>>
      %dma_wait3A_50 = arith.constant 0 : i32
      %dma_wait3A_51 = tpu.memref_slice %arg11[%mul3A_0, %dma_wait3A_50] : memref<10112x128xf32, #tpu.memory_space<vmem_shared>> -> memref<632x128xf32, #tpu.memory_space<vmem_shared>>
      tpu.wait_dma2 semaphore(%run_scoped3A : memref<!tpu.dma_semaphore, #tpu.memory_space<semaphore_mem>>) src(%dma_wait3A_51 : memref<632x128xf32, #tpu.memory_space<vmem_shared>>) dst(%dma_wait3A_49 : memref<632x128xf32, #tpu.memory_space<hbm>>)
      tpu.yield
    }) : () -> ()
    return
  }
}

#map = affine_map<(d0, d1) -> (0, 0)>
#map1 = affine_map<(d0, d1) -> (0, 0, 0)>
module attributes {stable_mosaic.version = 14 : i64} {
  func.func @k(%arg0: i32, %arg1: i32, %arg2: memref<10000x128xf32, #tpu.memory_space<hbm>>, %arg3: memref<2560x128xi32, #tpu.memory_space<hbm>>, %arg4: memref<2560x128xi32, #tpu.memory_space<hbm>>, %arg5: memref<632x128xf32, #tpu.memory_space<hbm>>, %arg6: memref<2x10112x128xf32, #tpu.memory_space<hbm>>, %arg7: memref<40x128xi32, #tpu.memory_space<vmem>>, %arg8: memref<40x128xi32, #tpu.memory_space<vmem>>, %arg9: memref<128x128xf32, #tpu.memory_space<vmem>>, %arg10: memref<128x128xf32, #tpu.memory_space<vmem>>, %arg11: memref<10112x128xf32, #tpu.memory_space<vmem_shared>>, %arg12: memref<!tpu.dma_semaphore, #tpu.memory_space<semaphore_mem>>, %arg13: memref<!tpu.dma_semaphore, #tpu.memory_space<semaphore_mem>>, %arg14: memref<!tpu.dma_semaphore, #tpu.memory_space<semaphore_mem>>) attributes {dimension_semantics = [#tpu.dimension_semantics<core_parallel>, #tpu.dimension_semantics<subcore_parallel>], iteration_bounds = array<i64: 2, 16>, scalar_prefetch = 0 : i64, scratch_operands = 8 : i64, tpu.core_type = #tpu.core_type<sc_vector_subcore>, window_params = [{transform_indices = #map}, {transform_indices = #map}, {transform_indices = #map}, {transform_indices = #map}, {transform_indices = #map1}]} {
    %mul3A = arith.constant 632 : i32
    %mul3A_0 = arith.muli %arg1, %mul3A : i32
    %eq3A = arith.constant 0 : i32
    %eq3A_1 = arith.cmpi eq, %arg0, %eq3A : i32
    %mul3A_2 = arith.constant 80 : i32
    %mul3A_3 = arith.muli %arg1, %mul3A_2 : i32
    %mul3A_4 = arith.constant 80 : i32
    %mul3A_5 = arith.muli %arg1, %mul3A_4 : i32
    %add3A = arith.constant 1280 : i32
    %add3A_6 = arith.addi %add3A, %mul3A_5 : i32
    %select_n3A = arith.select %eq3A_1, %mul3A_3, %add3A_6 : i32
    %eq3A_7 = arith.constant 0 : i32
    %eq3A_8 = arith.cmpi eq, %arg0, %eq3A_7 : i32
    %jit3A = arith.constant 2 : i32
    %jit3A_9 = arith.constant 2 : i32
    %select_n3A_10 = arith.select %eq3A_8, %jit3A, %jit3A_9 : i32
    "tpu.region"() ({
      %run_scoped3A = tpu.sem_alloc : memref<!tpu.dma_semaphore, #tpu.memory_space<semaphore_mem>>
      %dma_start3A = arith.constant 0 : i32
      %dma_start3A_38 = arith.constant 0 : i32
      %dma_start3A_39 = tpu.memref_slice %arg5[%dma_start3A, %dma_start3A_38] : memref<632x128xf32, #tpu.memory_space<hbm>> -> memref<128x128xf32, #tpu.memory_space<hbm>>
      %dma_start3A_40 = arith.constant 0 : i32
      %dma_start3A_41 = arith.constant 0 : i32
      %dma_start3A_42 = tpu.memref_slice %arg5[%dma_start3A_40, %dma_start3A_41] : memref<632x128xf32, #tpu.memory_space<hbm>> -> memref<128x128xf32, #tpu.memory_space<hbm>>
      tpu.enqueue_dma source(%dma_start3A_42 : memref<128x128xf32, #tpu.memory_space<hbm>>) target(%arg9 : memref<128x128xf32, #tpu.memory_space<vmem>>) target_semaphore(%run_scoped3A : memref<!tpu.dma_semaphore, #tpu.memory_space<semaphore_mem>>)
      %dma_wait3A = arith.constant 0 : i32
      %dma_wait3A_43 = arith.constant 0 : i32
      %dma_wait3A_44 = tpu.memref_slice %arg5[%dma_wait3A, %dma_wait3A_43] : memref<632x128xf32, #tpu.memory_space<hbm>> -> memref<128x128xf32, #tpu.memory_space<hbm>>
      %dma_wait3A_45 = arith.constant 0 : i32
      %dma_wait3A_46 = arith.constant 0 : i32
      %dma_wait3A_47 = tpu.memref_slice %arg5[%dma_wait3A_45, %dma_wait3A_46] : memref<632x128xf32, #tpu.memory_space<hbm>> -> memref<128x128xf32, #tpu.memory_space<hbm>>
      tpu.wait_dma2 semaphore(%run_scoped3A : memref<!tpu.dma_semaphore, #tpu.memory_space<semaphore_mem>>) src(%dma_wait3A_47 : memref<128x128xf32, #tpu.memory_space<hbm>>) dst(%arg9 : memref<128x128xf32, #tpu.memory_space<vmem>>)
      tpu.yield
    }) : () -> ()
    %add3A_11 = arith.constant 0 : i32
    %add3A_12 = arith.addi %mul3A_0, %add3A_11 : i32
    "tpu.region"() ({
      %run_scoped3A = tpu.sem_alloc : memref<!tpu.dma_semaphore, #tpu.memory_space<semaphore_mem>>
      %dma_start3A = arith.constant 0 : i32
      %dma_start3A_38 = tpu.memref_slice %arg11[%add3A_12, %dma_start3A] : memref<10112x128xf32, #tpu.memory_space<vmem_shared>> -> memref<128x128xf32, #tpu.memory_space<vmem_shared>>
      %dma_start3A_39 = arith.constant 0 : i32
      %dma_start3A_40 = tpu.memref_slice %arg11[%add3A_12, %dma_start3A_39] : memref<10112x128xf32, #tpu.memory_space<vmem_shared>> -> memref<128x128xf32, #tpu.memory_space<vmem_shared>>
      tpu.enqueue_dma source(%arg9 : memref<128x128xf32, #tpu.memory_space<vmem>>) target(%dma_start3A_40 : memref<128x128xf32, #tpu.memory_space<vmem_shared>>) target_semaphore(%run_scoped3A : memref<!tpu.dma_semaphore, #tpu.memory_space<semaphore_mem>>)
      %dma_wait3A = arith.constant 0 : i32
      %dma_wait3A_41 = tpu.memref_slice %arg11[%add3A_12, %dma_wait3A] : memref<10112x128xf32, #tpu.memory_space<vmem_shared>> -> memref<128x128xf32, #tpu.memory_space<vmem_shared>>
      %dma_wait3A_42 = arith.constant 0 : i32
      %dma_wait3A_43 = tpu.memref_slice %arg11[%add3A_12, %dma_wait3A_42] : memref<10112x128xf32, #tpu.memory_space<vmem_shared>> -> memref<128x128xf32, #tpu.memory_space<vmem_shared>>
      tpu.wait_dma2 semaphore(%run_scoped3A : memref<!tpu.dma_semaphore, #tpu.memory_space<semaphore_mem>>) src(%arg9 : memref<128x128xf32, #tpu.memory_space<vmem>>) dst(%dma_wait3A_43 : memref<128x128xf32, #tpu.memory_space<vmem_shared>>)
      tpu.yield
    }) : () -> ()
    %add3A_13 = arith.constant 128 : i32
    %add3A_14 = arith.addi %mul3A_0, %add3A_13 : i32
    "tpu.region"() ({
      %run_scoped3A = tpu.sem_alloc : memref<!tpu.dma_semaphore, #tpu.memory_space<semaphore_mem>>
      %dma_start3A = arith.constant 0 : i32
      %dma_start3A_38 = tpu.memref_slice %arg11[%add3A_14, %dma_start3A] : memref<10112x128xf32, #tpu.memory_space<vmem_shared>> -> memref<128x128xf32, #tpu.memory_space<vmem_shared>>
      %dma_start3A_39 = arith.constant 0 : i32
      %dma_start3A_40 = tpu.memref_slice %arg11[%add3A_14, %dma_start3A_39] : memref<10112x128xf32, #tpu.memory_space<vmem_shared>> -> memref<128x128xf32, #tpu.memory_space<vmem_shared>>
      tpu.enqueue_dma source(%arg9 : memref<128x128xf32, #tpu.memory_space<vmem>>) target(%dma_start3A_40 : memref<128x128xf32, #tpu.memory_space<vmem_shared>>) target_semaphore(%run_scoped3A : memref<!tpu.dma_semaphore, #tpu.memory_space<semaphore_mem>>)
      %dma_wait3A = arith.constant 0 : i32
      %dma_wait3A_41 = tpu.memref_slice %arg11[%add3A_14, %dma_wait3A] : memref<10112x128xf32, #tpu.memory_space<vmem_shared>> -> memref<128x128xf32, #tpu.memory_space<vmem_shared>>
      %dma_wait3A_42 = arith.constant 0 : i32
      %dma_wait3A_43 = tpu.memref_slice %arg11[%add3A_14, %dma_wait3A_42] : memref<10112x128xf32, #tpu.memory_space<vmem_shared>> -> memref<128x128xf32, #tpu.memory_space<vmem_shared>>
      tpu.wait_dma2 semaphore(%run_scoped3A : memref<!tpu.dma_semaphore, #tpu.memory_space<semaphore_mem>>) src(%arg9 : memref<128x128xf32, #tpu.memory_space<vmem>>) dst(%dma_wait3A_43 : memref<128x128xf32, #tpu.memory_space<vmem_shared>>)
      tpu.yield
    }) : () -> ()
    %add3A_15 = arith.constant 256 : i32
    %add3A_16 = arith.addi %mul3A_0, %add3A_15 : i32
    "tpu.region"() ({
      %run_scoped3A = tpu.sem_alloc : memref<!tpu.dma_semaphore, #tpu.memory_space<semaphore_mem>>
      %dma_start3A = arith.constant 0 : i32
      %dma_start3A_38 = tpu.memref_slice %arg11[%add3A_16, %dma_start3A] : memref<10112x128xf32, #tpu.memory_space<vmem_shared>> -> memref<128x128xf32, #tpu.memory_space<vmem_shared>>
      %dma_start3A_39 = arith.constant 0 : i32
      %dma_start3A_40 = tpu.memref_slice %arg11[%add3A_16, %dma_start3A_39] : memref<10112x128xf32, #tpu.memory_space<vmem_shared>> -> memref<128x128xf32, #tpu.memory_space<vmem_shared>>
      tpu.enqueue_dma source(%arg9 : memref<128x128xf32, #tpu.memory_space<vmem>>) target(%dma_start3A_40 : memref<128x128xf32, #tpu.memory_space<vmem_shared>>) target_semaphore(%run_scoped3A : memref<!tpu.dma_semaphore, #tpu.memory_space<semaphore_mem>>)
      %dma_wait3A = arith.constant 0 : i32
      %dma_wait3A_41 = tpu.memref_slice %arg11[%add3A_16, %dma_wait3A] : memref<10112x128xf32, #tpu.memory_space<vmem_shared>> -> memref<128x128xf32, #tpu.memory_space<vmem_shared>>
      %dma_wait3A_42 = arith.constant 0 : i32
      %dma_wait3A_43 = tpu.memref_slice %arg11[%add3A_16, %dma_wait3A_42] : memref<10112x128xf32, #tpu.memory_space<vmem_shared>> -> memref<128x128xf32, #tpu.memory_space<vmem_shared>>
      tpu.wait_dma2 semaphore(%run_scoped3A : memref<!tpu.dma_semaphore, #tpu.memory_space<semaphore_mem>>) src(%arg9 : memref<128x128xf32, #tpu.memory_space<vmem>>) dst(%dma_wait3A_43 : memref<128x128xf32, #tpu.memory_space<vmem_shared>>)
      tpu.yield
    }) : () -> ()
    %add3A_17 = arith.constant 384 : i32
    %add3A_18 = arith.addi %mul3A_0, %add3A_17 : i32
    "tpu.region"() ({
      %run_scoped3A = tpu.sem_alloc : memref<!tpu.dma_semaphore, #tpu.memory_space<semaphore_mem>>
      %dma_start3A = arith.constant 0 : i32
      %dma_start3A_38 = tpu.memref_slice %arg11[%add3A_18, %dma_start3A] : memref<10112x128xf32, #tpu.memory_space<vmem_shared>> -> memref<128x128xf32, #tpu.memory_space<vmem_shared>>
      %dma_start3A_39 = arith.constant 0 : i32
      %dma_start3A_40 = tpu.memref_slice %arg11[%add3A_18, %dma_start3A_39] : memref<10112x128xf32, #tpu.memory_space<vmem_shared>> -> memref<128x128xf32, #tpu.memory_space<vmem_shared>>
      tpu.enqueue_dma source(%arg9 : memref<128x128xf32, #tpu.memory_space<vmem>>) target(%dma_start3A_40 : memref<128x128xf32, #tpu.memory_space<vmem_shared>>) target_semaphore(%run_scoped3A : memref<!tpu.dma_semaphore, #tpu.memory_space<semaphore_mem>>)
      %dma_wait3A = arith.constant 0 : i32
      %dma_wait3A_41 = tpu.memref_slice %arg11[%add3A_18, %dma_wait3A] : memref<10112x128xf32, #tpu.memory_space<vmem_shared>> -> memref<128x128xf32, #tpu.memory_space<vmem_shared>>
      %dma_wait3A_42 = arith.constant 0 : i32
      %dma_wait3A_43 = tpu.memref_slice %arg11[%add3A_18, %dma_wait3A_42] : memref<10112x128xf32, #tpu.memory_space<vmem_shared>> -> memref<128x128xf32, #tpu.memory_space<vmem_shared>>
      tpu.wait_dma2 semaphore(%run_scoped3A : memref<!tpu.dma_semaphore, #tpu.memory_space<semaphore_mem>>) src(%arg9 : memref<128x128xf32, #tpu.memory_space<vmem>>) dst(%dma_wait3A_43 : memref<128x128xf32, #tpu.memory_space<vmem_shared>>)
      tpu.yield
    }) : () -> ()
    %add3A_19 = arith.constant 512 : i32
    %add3A_20 = arith.addi %mul3A_0, %add3A_19 : i32
    "tpu.region"() ({
      %run_scoped3A = tpu.sem_alloc : memref<!tpu.dma_semaphore, #tpu.memory_space<semaphore_mem>>
      %dma_start3A = arith.constant 0 : i32
      %dma_start3A_38 = arith.constant 0 : i32
      %dma_start3A_39 = tpu.memref_slice %arg9[%dma_start3A, %dma_start3A_38] : memref<128x128xf32, #tpu.memory_space<vmem>> -> memref<120x128xf32, #tpu.memory_space<vmem>>
      %dma_start3A_40 = arith.constant 0 : i32
      %dma_start3A_41 = tpu.memref_slice %arg11[%add3A_20, %dma_start3A_40] : memref<10112x128xf32, #tpu.memory_space<vmem_shared>> -> memref<120x128xf32, #tpu.memory_space<vmem_shared>>
      %dma_start3A_42 = arith.constant 0 : i32
      %dma_start3A_43 = tpu.memref_slice %arg11[%add3A_20, %dma_start3A_42] : memref<10112x128xf32, #tpu.memory_space<vmem_shared>> -> memref<120x128xf32, #tpu.memory_space<vmem_shared>>
      %dma_start3A_44 = arith.constant 0 : i32
      %dma_start3A_45 = arith.constant 0 : i32
      %dma_start3A_46 = tpu.memref_slice %arg9[%dma_start3A_44, %dma_start3A_45] : memref<128x128xf32, #tpu.memory_space<vmem>> -> memref<120x128xf32, #tpu.memory_space<vmem>>
      tpu.enqueue_dma source(%dma_start3A_46 : memref<120x128xf32, #tpu.memory_space<vmem>>) target(%dma_start3A_43 : memref<120x128xf32, #tpu.memory_space<vmem_shared>>) target_semaphore(%run_scoped3A : memref<!tpu.dma_semaphore, #tpu.memory_space<semaphore_mem>>)
      %dma_wait3A = arith.constant 0 : i32
      %dma_wait3A_47 = arith.constant 0 : i32
      %dma_wait3A_48 = tpu.memref_slice %arg9[%dma_wait3A, %dma_wait3A_47] : memref<128x128xf32, #tpu.memory_space<vmem>> -> memref<120x128xf32, #tpu.memory_space<vmem>>
      %dma_wait3A_49 = arith.constant 0 : i32
      %dma_wait3A_50 = tpu.memref_slice %arg11[%add3A_20, %dma_wait3A_49] : memref<10112x128xf32, #tpu.memory_space<vmem_shared>> -> memref<120x128xf32, #tpu.memory_space<vmem_shared>>
      %dma_wait3A_51 = arith.constant 0 : i32
      %dma_wait3A_52 = tpu.memref_slice %arg11[%add3A_20, %dma_wait3A_51] : memref<10112x128xf32, #tpu.memory_space<vmem_shared>> -> memref<120x128xf32, #tpu.memory_space<vmem_shared>>
      %dma_wait3A_53 = arith.constant 0 : i32
      %dma_wait3A_54 = arith.constant 0 : i32
      %dma_wait3A_55 = tpu.memref_slice %arg9[%dma_wait3A_53, %dma_wait3A_54] : memref<128x128xf32, #tpu.memory_space<vmem>> -> memref<120x128xf32, #tpu.memory_space<vmem>>
      tpu.wait_dma2 semaphore(%run_scoped3A : memref<!tpu.dma_semaphore, #tpu.memory_space<semaphore_mem>>) src(%dma_wait3A_55 : memref<120x128xf32, #tpu.memory_space<vmem>>) dst(%dma_wait3A_52 : memref<120x128xf32, #tpu.memory_space<vmem_shared>>)
      tpu.yield
    }) : () -> ()
    %barrier3A = arith.constant 0 : index
    tpu.barrier barrier_id(%barrier3A)
    %sub3A = arith.constant 0 : i32
    %sub3A_21 = arith.subi %select_n3A_10, %sub3A : i32
    %sub3A_22 = arith.constant 1 : i32
    %sub3A_23 = arith.constant 1 : i32
    %sub3A_24 = arith.subi %sub3A_22, %sub3A_23 : i32
    %add3A_25 = arith.addi %sub3A_21, %sub3A_24 : i32
    %div3A = arith.constant 1 : i32
    %div3A_26 = arith.divsi %add3A_25, %div3A : i32
    %while3A = arith.constant 1 : i32
    %while3A_27 = arith.constant 0 : i32
    %while3A_28 = arith.constant 0 : i32
    %while3A_29 = arith.subi %div3A_26, %while3A_28 : i32
    %while3A_30 = arith.addi %while3A_28, %while3A_29 : i32
    %while3A_31 = arith.constant 1 : i32
    %while3A_32 = arith.divsi %while3A_29, %while3A_31 : i32
    %while3A_33 = arith.muli %while3A_32, %while3A_31 : i32
    %while3A_34 = arith.addi %while3A_28, %while3A_33 : i32
    %while3A_35 = arith.constant 1 : i32
    scf.for %while3A_38 = %while3A_28 to %while3A_34 step %while3A_35  : i32 {
      %mul3A_39 = arith.muli %while3A_38, %while3A : i32
      %add3A_40 = arith.addi %while3A_27, %mul3A_39 : i32
      %mul3A_41 = arith.constant 40 : i32
      %mul3A_42 = arith.muli %add3A_40, %mul3A_41 : i32
      %add3A_43 = arith.addi %select_n3A, %mul3A_42 : i32
      "tpu.region"() ({
        %run_scoped3A = tpu.sem_alloc : memref<!tpu.dma_semaphore, #tpu.memory_space<semaphore_mem>>
        %dma_start3A_64 = arith.constant 0 : i32
        %dma_start3A_65 = tpu.memref_slice %arg3[%add3A_43, %dma_start3A_64] : memref<2560x128xi32, #tpu.memory_space<hbm>> -> memref<40x128xi32, #tpu.memory_space<hbm>>
        %dma_start3A_66 = arith.constant 0 : i32
        %dma_start3A_67 = tpu.memref_slice %arg3[%add3A_43, %dma_start3A_66] : memref<2560x128xi32, #tpu.memory_space<hbm>> -> memref<40x128xi32, #tpu.memory_space<hbm>>
        tpu.enqueue_dma source(%dma_start3A_67 : memref<40x128xi32, #tpu.memory_space<hbm>>) target(%arg7 : memref<40x128xi32, #tpu.memory_space<vmem>>) target_semaphore(%run_scoped3A : memref<!tpu.dma_semaphore, #tpu.memory_space<semaphore_mem>>)
        %dma_wait3A = arith.constant 0 : i32
        %dma_wait3A_68 = tpu.memref_slice %arg3[%add3A_43, %dma_wait3A] : memref<2560x128xi32, #tpu.memory_space<hbm>> -> memref<40x128xi32, #tpu.memory_space<hbm>>
        %dma_wait3A_69 = arith.constant 0 : i32
        %dma_wait3A_70 = tpu.memref_slice %arg3[%add3A_43, %dma_wait3A_69] : memref<2560x128xi32, #tpu.memory_space<hbm>> -> memref<40x128xi32, #tpu.memory_space<hbm>>
        tpu.wait_dma2 semaphore(%run_scoped3A : memref<!tpu.dma_semaphore, #tpu.memory_space<semaphore_mem>>) src(%dma_wait3A_70 : memref<40x128xi32, #tpu.memory_space<hbm>>) dst(%arg7 : memref<40x128xi32, #tpu.memory_space<vmem>>)
        tpu.yield
      }) : () -> ()
      %mul3A_44 = arith.constant 40 : i32
      %mul3A_45 = arith.muli %add3A_40, %mul3A_44 : i32
      %add3A_46 = arith.addi %select_n3A, %mul3A_45 : i32
      "tpu.region"() ({
        %run_scoped3A = tpu.sem_alloc : memref<!tpu.dma_semaphore, #tpu.memory_space<semaphore_mem>>
        %dma_start3A_64 = arith.constant 0 : i32
        %dma_start3A_65 = tpu.memref_slice %arg4[%add3A_46, %dma_start3A_64] : memref<2560x128xi32, #tpu.memory_space<hbm>> -> memref<40x128xi32, #tpu.memory_space<hbm>>
        %dma_start3A_66 = arith.constant 0 : i32
        %dma_start3A_67 = tpu.memref_slice %arg4[%add3A_46, %dma_start3A_66] : memref<2560x128xi32, #tpu.memory_space<hbm>> -> memref<40x128xi32, #tpu.memory_space<hbm>>
        tpu.enqueue_dma source(%dma_start3A_67 : memref<40x128xi32, #tpu.memory_space<hbm>>) target(%arg8 : memref<40x128xi32, #tpu.memory_space<vmem>>) target_semaphore(%run_scoped3A : memref<!tpu.dma_semaphore, #tpu.memory_space<semaphore_mem>>)
        %dma_wait3A = arith.constant 0 : i32
        %dma_wait3A_68 = tpu.memref_slice %arg4[%add3A_46, %dma_wait3A] : memref<2560x128xi32, #tpu.memory_space<hbm>> -> memref<40x128xi32, #tpu.memory_space<hbm>>
        %dma_wait3A_69 = arith.constant 0 : i32
        %dma_wait3A_70 = tpu.memref_slice %arg4[%add3A_46, %dma_wait3A_69] : memref<2560x128xi32, #tpu.memory_space<hbm>> -> memref<40x128xi32, #tpu.memory_space<hbm>>
        tpu.wait_dma2 semaphore(%run_scoped3A : memref<!tpu.dma_semaphore, #tpu.memory_space<semaphore_mem>>) src(%dma_wait3A_70 : memref<40x128xi32, #tpu.memory_space<hbm>>) dst(%arg8 : memref<40x128xi32, #tpu.memory_space<vmem>>)
        tpu.yield
      }) : () -> ()
      %dma_start3A = arith.constant 0 : i32
      %dma_start3A_47 = arith.constant 0 : i32
      %dma_start3A_48 = tpu.memref_slice %arg7[%dma_start3A, %dma_start3A_47] : memref<40x128xi32, #tpu.memory_space<vmem>> -> memref<1x128xi32, #tpu.memory_space<vmem>>
      %dma_start3A_49 = tpu.memref_squeeze %dma_start3A_48 : memref<1x128xi32, #tpu.memory_space<vmem>> -> memref<128xi32, #tpu.memory_space<vmem>>
      %dma_start3A_50 = arith.constant 0 : i32
      %dma_start3A_51 = arith.constant 0 : i32
      %dma_start3A_52 = tpu.memref_slice %arg2[%dma_start3A_50, %dma_start3A_51] : memref<10000x128xf32, #tpu.memory_space<hbm>> -> memref<10000x128xf32, #tpu.memory_space<hbm>>
      tpu.enqueue_indirect_dma source(%dma_start3A_52 : memref<10000x128xf32, #tpu.memory_space<hbm>>) target(%arg9 : memref<128x128xf32, #tpu.memory_space<vmem>>) offsets(%dma_start3A_49 : memref<128xi32, #tpu.memory_space<vmem>>) semaphore(%arg12 : memref<!tpu.dma_semaphore, #tpu.memory_space<semaphore_mem>>)
      %dma_start3A_53 = arith.constant 1 : i32
      %dma_start3A_54 = arith.constant 0 : i32
      %dma_start3A_55 = tpu.memref_slice %arg7[%dma_start3A_53, %dma_start3A_54] : memref<40x128xi32, #tpu.memory_space<vmem>> -> memref<1x128xi32, #tpu.memory_space<vmem>>
      %dma_start3A_56 = tpu.memref_squeeze %dma_start3A_55 : memref<1x128xi32, #tpu.memory_space<vmem>> -> memref<128xi32, #tpu.memory_space<vmem>>
      %dma_start3A_57 = arith.constant 0 : i32
      %dma_start3A_58 = arith.constant 0 : i32
      %dma_start3A_59 = tpu.memref_slice %arg2[%dma_start3A_57, %dma_start3A_58] : memref<10000x128xf32, #tpu.memory_space<hbm>> -> memref<10000x128xf32, #tpu.memory_space<hbm>>
      tpu.enqueue_indirect_dma source(%dma_start3A_59 : memref<10000x128xf32, #tpu.memory_space<hbm>>) target(%arg10 : memref<128x128xf32, #tpu.memory_space<vmem>>) offsets(%dma_start3A_56 : memref<128xi32, #tpu.memory_space<vmem>>) semaphore(%arg13 : memref<!tpu.dma_semaphore, #tpu.memory_space<semaphore_mem>>)
      %scan3A = arith.constant 0 : i32
      %scan3A_60 = arith.constant 20 : i32
      %scan3A_61 = arith.addi %scan3A, %scan3A_60 : i32
      %scan3A_62 = arith.constant 1 : i32
      scf.for %scan3A_64 = %scan3A to %scan3A_61 step %scan3A_62  : i32 {
        %mul3A_65 = arith.constant 2 : i32
        %mul3A_66 = arith.muli %scan3A_64, %mul3A_65 : i32
        %add3A_67 = arith.constant 0 : i32
        %add3A_68 = arith.addi %add3A_67, %mul3A_66 : i32
        %dma_wait3A = arith.constant 0 : i32
        %dma_wait3A_69 = arith.constant 0 : i32
        %dma_wait3A_70 = tpu.memref_slice %arg2[%dma_wait3A, %dma_wait3A_69] : memref<10000x128xf32, #tpu.memory_space<hbm>> -> memref<128x128xf32, #tpu.memory_space<hbm>>
        %dma_wait3A_71 = arith.constant 0 : i32
        %dma_wait3A_72 = arith.constant 0 : i32
        %dma_wait3A_73 = tpu.memref_slice %arg2[%dma_wait3A_71, %dma_wait3A_72] : memref<10000x128xf32, #tpu.memory_space<hbm>> -> memref<128x128xf32, #tpu.memory_space<hbm>>
        tpu.wait_dma2 semaphore(%arg12 : memref<!tpu.dma_semaphore, #tpu.memory_space<semaphore_mem>>) src(%dma_wait3A_73 : memref<128x128xf32, #tpu.memory_space<hbm>>) dst(%arg9 : memref<128x128xf32, #tpu.memory_space<vmem>>)
        "tpu.region"() ({
          %run_scoped3A = tpu.sem_alloc : memref<!tpu.dma_semaphore, #tpu.memory_space<semaphore_mem>>
          %dma_start3A_93 = arith.constant 0 : i32
          %dma_start3A_94 = tpu.memref_slice %arg8[%add3A_68, %dma_start3A_93] : memref<40x128xi32, #tpu.memory_space<vmem>> -> memref<1x128xi32, #tpu.memory_space<vmem>>
          %dma_start3A_95 = tpu.memref_squeeze %dma_start3A_94 : memref<1x128xi32, #tpu.memory_space<vmem>> -> memref<128xi32, #tpu.memory_space<vmem>>
          %dma_start3A_96 = arith.constant 0 : i32
          %dma_start3A_97 = arith.constant 0 : i32
          %dma_start3A_98 = tpu.memref_slice %arg11[%dma_start3A_96, %dma_start3A_97] : memref<10112x128xf32, #tpu.memory_space<vmem_shared>> -> memref<10112x128xf32, #tpu.memory_space<vmem_shared>>
          tpu.enqueue_indirect_dma source(%arg9 : memref<128x128xf32, #tpu.memory_space<vmem>>) target(%dma_start3A_98 : memref<10112x128xf32, #tpu.memory_space<vmem_shared>>) offsets(%dma_start3A_95 : memref<128xi32, #tpu.memory_space<vmem>>) semaphore(%run_scoped3A : memref<!tpu.dma_semaphore, #tpu.memory_space<semaphore_mem>>) {add = true}
          %dma_wait3A_99 = arith.constant 0 : i32
          %dma_wait3A_100 = tpu.memref_slice %arg8[%add3A_68, %dma_wait3A_99] : memref<40x128xi32, #tpu.memory_space<vmem>> -> memref<1x128xi32, #tpu.memory_space<vmem>>
          %dma_wait3A_101 = tpu.memref_squeeze %dma_wait3A_100 : memref<1x128xi32, #tpu.memory_space<vmem>> -> memref<128xi32, #tpu.memory_space<vmem>>
          %dma_wait3A_102 = arith.constant 0 : i32
          %dma_wait3A_103 = arith.constant 0 : i32
          %dma_wait3A_104 = tpu.memref_slice %arg11[%dma_wait3A_102, %dma_wait3A_103] : memref<10112x128xf32, #tpu.memory_space<vmem_shared>> -> memref<10112x128xf32, #tpu.memory_space<vmem_shared>>
          tpu.wait_indirect_dma semaphore(%run_scoped3A : memref<!tpu.dma_semaphore, #tpu.memory_space<semaphore_mem>>) src(%arg9 : memref<128x128xf32, #tpu.memory_space<vmem>>) dst(%dma_wait3A_104 : memref<10112x128xf32, #tpu.memory_space<vmem_shared>>)
          tpu.yield
        }) : () -> ()
        %add3A_74 = arith.constant 2 : i32
        %add3A_75 = arith.addi %add3A_68, %add3A_74 : i32
        %lt3A = arith.constant 40 : i32
        %lt3A_76 = arith.cmpi slt, %add3A_75, %lt3A : i32
        %convert_element_type3A = arith.extui %lt3A_76 : i1 to i32
        %cond3A = arith.constant 0 : i32
        %cond3A_77 = arith.cmpi ne, %convert_element_type3A, %cond3A : i32
        scf.if %cond3A_77 {
          %add3A_93 = arith.constant 2 : i32
          %add3A_94 = arith.addi %add3A_68, %add3A_93 : i32
          %dma_start3A_95 = arith.constant 0 : i32
          %dma_start3A_96 = tpu.memref_slice %arg7[%add3A_94, %dma_start3A_95] : memref<40x128xi32, #tpu.memory_space<vmem>> -> memref<1x128xi32, #tpu.memory_space<vmem>>
          %dma_start3A_97 = tpu.memref_squeeze %dma_start3A_96 : memref<1x128xi32, #tpu.memory_space<vmem>> -> memref<128xi32, #tpu.memory_space<vmem>>
          %dma_start3A_98 = arith.constant 0 : i32
          %dma_start3A_99 = arith.constant 0 : i32
          %dma_start3A_100 = tpu.memref_slice %arg2[%dma_start3A_98, %dma_start3A_99] : memref<10000x128xf32, #tpu.memory_space<hbm>> -> memref<10000x128xf32, #tpu.memory_space<hbm>>
          tpu.enqueue_indirect_dma source(%dma_start3A_100 : memref<10000x128xf32, #tpu.memory_space<hbm>>) target(%arg9 : memref<128x128xf32, #tpu.memory_space<vmem>>) offsets(%dma_start3A_97 : memref<128xi32, #tpu.memory_space<vmem>>) semaphore(%arg12 : memref<!tpu.dma_semaphore, #tpu.memory_space<semaphore_mem>>)
        } else {
        }
        %dma_wait3A_78 = arith.constant 0 : i32
        %dma_wait3A_79 = arith.constant 0 : i32
        %dma_wait3A_80 = tpu.memref_slice %arg2[%dma_wait3A_78, %dma_wait3A_79] : memref<10000x128xf32, #tpu.memory_space<hbm>> -> memref<128x128xf32, #tpu.memory_space<hbm>>
        %dma_wait3A_81 = arith.constant 0 : i32
        %dma_wait3A_82 = arith.constant 0 : i32
        %dma_wait3A_83 = tpu.memref_slice %arg2[%dma_wait3A_81, %dma_wait3A_82] : memref<10000x128xf32, #tpu.memory_space<hbm>> -> memref<128x128xf32, #tpu.memory_space<hbm>>
        tpu.wait_dma2 semaphore(%arg13 : memref<!tpu.dma_semaphore, #tpu.memory_space<semaphore_mem>>) src(%dma_wait3A_83 : memref<128x128xf32, #tpu.memory_space<hbm>>) dst(%arg10 : memref<128x128xf32, #tpu.memory_space<vmem>>)
        %add3A_84 = arith.constant 1 : i32
        %add3A_85 = arith.addi %add3A_68, %add3A_84 : i32
        "tpu.region"() ({
          %run_scoped3A = tpu.sem_alloc : memref<!tpu.dma_semaphore, #tpu.memory_space<semaphore_mem>>
          %dma_start3A_93 = arith.constant 0 : i32
          %dma_start3A_94 = tpu.memref_slice %arg8[%add3A_85, %dma_start3A_93] : memref<40x128xi32, #tpu.memory_space<vmem>> -> memref<1x128xi32, #tpu.memory_space<vmem>>
          %dma_start3A_95 = tpu.memref_squeeze %dma_start3A_94 : memref<1x128xi32, #tpu.memory_space<vmem>> -> memref<128xi32, #tpu.memory_space<vmem>>
          %dma_start3A_96 = arith.constant 0 : i32
          %dma_start3A_97 = arith.constant 0 : i32
          %dma_start3A_98 = tpu.memref_slice %arg11[%dma_start3A_96, %dma_start3A_97] : memref<10112x128xf32, #tpu.memory_space<vmem_shared>> -> memref<10112x128xf32, #tpu.memory_space<vmem_shared>>
          tpu.enqueue_indirect_dma source(%arg10 : memref<128x128xf32, #tpu.memory_space<vmem>>) target(%dma_start3A_98 : memref<10112x128xf32, #tpu.memory_space<vmem_shared>>) offsets(%dma_start3A_95 : memref<128xi32, #tpu.memory_space<vmem>>) semaphore(%run_scoped3A : memref<!tpu.dma_semaphore, #tpu.memory_space<semaphore_mem>>) {add = true}
          %dma_wait3A_99 = arith.constant 0 : i32
          %dma_wait3A_100 = tpu.memref_slice %arg8[%add3A_85, %dma_wait3A_99] : memref<40x128xi32, #tpu.memory_space<vmem>> -> memref<1x128xi32, #tpu.memory_space<vmem>>
          %dma_wait3A_101 = tpu.memref_squeeze %dma_wait3A_100 : memref<1x128xi32, #tpu.memory_space<vmem>> -> memref<128xi32, #tpu.memory_space<vmem>>
          %dma_wait3A_102 = arith.constant 0 : i32
          %dma_wait3A_103 = arith.constant 0 : i32
          %dma_wait3A_104 = tpu.memref_slice %arg11[%dma_wait3A_102, %dma_wait3A_103] : memref<10112x128xf32, #tpu.memory_space<vmem_shared>> -> memref<10112x128xf32, #tpu.memory_space<vmem_shared>>
          tpu.wait_indirect_dma semaphore(%run_scoped3A : memref<!tpu.dma_semaphore, #tpu.memory_space<semaphore_mem>>) src(%arg10 : memref<128x128xf32, #tpu.memory_space<vmem>>) dst(%dma_wait3A_104 : memref<10112x128xf32, #tpu.memory_space<vmem_shared>>)
          tpu.yield
        }) : () -> ()
        %add3A_86 = arith.constant 3 : i32
        %add3A_87 = arith.addi %add3A_68, %add3A_86 : i32
        %lt3A_88 = arith.constant 40 : i32
        %lt3A_89 = arith.cmpi slt, %add3A_87, %lt3A_88 : i32
        %convert_element_type3A_90 = arith.extui %lt3A_89 : i1 to i32
        %cond3A_91 = arith.constant 0 : i32
        %cond3A_92 = arith.cmpi ne, %convert_element_type3A_90, %cond3A_91 : i32
        scf.if %cond3A_92 {
          %add3A_93 = arith.constant 3 : i32
          %add3A_94 = arith.addi %add3A_68, %add3A_93 : i32
          %dma_start3A_95 = arith.constant 0 : i32
          %dma_start3A_96 = tpu.memref_slice %arg7[%add3A_94, %dma_start3A_95] : memref<40x128xi32, #tpu.memory_space<vmem>> -> memref<1x128xi32, #tpu.memory_space<vmem>>
          %dma_start3A_97 = tpu.memref_squeeze %dma_start3A_96 : memref<1x128xi32, #tpu.memory_space<vmem>> -> memref<128xi32, #tpu.memory_space<vmem>>
          %dma_start3A_98 = arith.constant 0 : i32
          %dma_start3A_99 = arith.constant 0 : i32
          %dma_start3A_100 = tpu.memref_slice %arg2[%dma_start3A_98, %dma_start3A_99] : memref<10000x128xf32, #tpu.memory_space<hbm>> -> memref<10000x128xf32, #tpu.memory_space<hbm>>
          tpu.enqueue_indirect_dma source(%dma_start3A_100 : memref<10000x128xf32, #tpu.memory_space<hbm>>) target(%arg10 : memref<128x128xf32, #tpu.memory_space<vmem>>) offsets(%dma_start3A_97 : memref<128xi32, #tpu.memory_space<vmem>>) semaphore(%arg13 : memref<!tpu.dma_semaphore, #tpu.memory_space<semaphore_mem>>)
        } else {
        }
      }
      %scan3A_63 = arith.constant 20 : i32
    }
    %while3A_36 = arith.constant 1 : i32
    scf.for %while3A_38 = %while3A_34 to %while3A_30 step %while3A_36  : i32 {
      %mul3A_39 = arith.muli %while3A_38, %while3A : i32
      %add3A_40 = arith.addi %while3A_27, %mul3A_39 : i32
      %mul3A_41 = arith.constant 40 : i32
      %mul3A_42 = arith.muli %add3A_40, %mul3A_41 : i32
      %add3A_43 = arith.addi %select_n3A, %mul3A_42 : i32
      "tpu.region"() ({
        %run_scoped3A = tpu.sem_alloc : memref<!tpu.dma_semaphore, #tpu.memory_space<semaphore_mem>>
        %dma_start3A_64 = arith.constant 0 : i32
        %dma_start3A_65 = tpu.memref_slice %arg3[%add3A_43, %dma_start3A_64] : memref<2560x128xi32, #tpu.memory_space<hbm>> -> memref<40x128xi32, #tpu.memory_space<hbm>>
        %dma_start3A_66 = arith.constant 0 : i32
        %dma_start3A_67 = tpu.memref_slice %arg3[%add3A_43, %dma_start3A_66] : memref<2560x128xi32, #tpu.memory_space<hbm>> -> memref<40x128xi32, #tpu.memory_space<hbm>>
        tpu.enqueue_dma source(%dma_start3A_67 : memref<40x128xi32, #tpu.memory_space<hbm>>) target(%arg7 : memref<40x128xi32, #tpu.memory_space<vmem>>) target_semaphore(%run_scoped3A : memref<!tpu.dma_semaphore, #tpu.memory_space<semaphore_mem>>)
        %dma_wait3A = arith.constant 0 : i32
        %dma_wait3A_68 = tpu.memref_slice %arg3[%add3A_43, %dma_wait3A] : memref<2560x128xi32, #tpu.memory_space<hbm>> -> memref<40x128xi32, #tpu.memory_space<hbm>>
        %dma_wait3A_69 = arith.constant 0 : i32
        %dma_wait3A_70 = tpu.memref_slice %arg3[%add3A_43, %dma_wait3A_69] : memref<2560x128xi32, #tpu.memory_space<hbm>> -> memref<40x128xi32, #tpu.memory_space<hbm>>
        tpu.wait_dma2 semaphore(%run_scoped3A : memref<!tpu.dma_semaphore, #tpu.memory_space<semaphore_mem>>) src(%dma_wait3A_70 : memref<40x128xi32, #tpu.memory_space<hbm>>) dst(%arg7 : memref<40x128xi32, #tpu.memory_space<vmem>>)
        tpu.yield
      }) : () -> ()
      %mul3A_44 = arith.constant 40 : i32
      %mul3A_45 = arith.muli %add3A_40, %mul3A_44 : i32
      %add3A_46 = arith.addi %select_n3A, %mul3A_45 : i32
      "tpu.region"() ({
        %run_scoped3A = tpu.sem_alloc : memref<!tpu.dma_semaphore, #tpu.memory_space<semaphore_mem>>
        %dma_start3A_64 = arith.constant 0 : i32
        %dma_start3A_65 = tpu.memref_slice %arg4[%add3A_46, %dma_start3A_64] : memref<2560x128xi32, #tpu.memory_space<hbm>> -> memref<40x128xi32, #tpu.memory_space<hbm>>
        %dma_start3A_66 = arith.constant 0 : i32
        %dma_start3A_67 = tpu.memref_slice %arg4[%add3A_46, %dma_start3A_66] : memref<2560x128xi32, #tpu.memory_space<hbm>> -> memref<40x128xi32, #tpu.memory_space<hbm>>
        tpu.enqueue_dma source(%dma_start3A_67 : memref<40x128xi32, #tpu.memory_space<hbm>>) target(%arg8 : memref<40x128xi32, #tpu.memory_space<vmem>>) target_semaphore(%run_scoped3A : memref<!tpu.dma_semaphore, #tpu.memory_space<semaphore_mem>>)
        %dma_wait3A = arith.constant 0 : i32
        %dma_wait3A_68 = tpu.memref_slice %arg4[%add3A_46, %dma_wait3A] : memref<2560x128xi32, #tpu.memory_space<hbm>> -> memref<40x128xi32, #tpu.memory_space<hbm>>
        %dma_wait3A_69 = arith.constant 0 : i32
        %dma_wait3A_70 = tpu.memref_slice %arg4[%add3A_46, %dma_wait3A_69] : memref<2560x128xi32, #tpu.memory_space<hbm>> -> memref<40x128xi32, #tpu.memory_space<hbm>>
        tpu.wait_dma2 semaphore(%run_scoped3A : memref<!tpu.dma_semaphore, #tpu.memory_space<semaphore_mem>>) src(%dma_wait3A_70 : memref<40x128xi32, #tpu.memory_space<hbm>>) dst(%arg8 : memref<40x128xi32, #tpu.memory_space<vmem>>)
        tpu.yield
      }) : () -> ()
      %dma_start3A = arith.constant 0 : i32
      %dma_start3A_47 = arith.constant 0 : i32
      %dma_start3A_48 = tpu.memref_slice %arg7[%dma_start3A, %dma_start3A_47] : memref<40x128xi32, #tpu.memory_space<vmem>> -> memref<1x128xi32, #tpu.memory_space<vmem>>
      %dma_start3A_49 = tpu.memref_squeeze %dma_start3A_48 : memref<1x128xi32, #tpu.memory_space<vmem>> -> memref<128xi32, #tpu.memory_space<vmem>>
      %dma_start3A_50 = arith.constant 0 : i32
      %dma_start3A_51 = arith.constant 0 : i32
      %dma_start3A_52 = tpu.memref_slice %arg2[%dma_start3A_50, %dma_start3A_51] : memref<10000x128xf32, #tpu.memory_space<hbm>> -> memref<10000x128xf32, #tpu.memory_space<hbm>>
      tpu.enqueue_indirect_dma source(%dma_start3A_52 : memref<10000x128xf32, #tpu.memory_space<hbm>>) target(%arg9 : memref<128x128xf32, #tpu.memory_space<vmem>>) offsets(%dma_start3A_49 : memref<128xi32, #tpu.memory_space<vmem>>) semaphore(%arg12 : memref<!tpu.dma_semaphore, #tpu.memory_space<semaphore_mem>>)
      %dma_start3A_53 = arith.constant 1 : i32
      %dma_start3A_54 = arith.constant 0 : i32
      %dma_start3A_55 = tpu.memref_slice %arg7[%dma_start3A_53, %dma_start3A_54] : memref<40x128xi32, #tpu.memory_space<vmem>> -> memref<1x128xi32, #tpu.memory_space<vmem>>
      %dma_start3A_56 = tpu.memref_squeeze %dma_start3A_55 : memref<1x128xi32, #tpu.memory_space<vmem>> -> memref<128xi32, #tpu.memory_space<vmem>>
      %dma_start3A_57 = arith.constant 0 : i32
      %dma_start3A_58 = arith.constant 0 : i32
      %dma_start3A_59 = tpu.memref_slice %arg2[%dma_start3A_57, %dma_start3A_58] : memref<10000x128xf32, #tpu.memory_space<hbm>> -> memref<10000x128xf32, #tpu.memory_space<hbm>>
      tpu.enqueue_indirect_dma source(%dma_start3A_59 : memref<10000x128xf32, #tpu.memory_space<hbm>>) target(%arg10 : memref<128x128xf32, #tpu.memory_space<vmem>>) offsets(%dma_start3A_56 : memref<128xi32, #tpu.memory_space<vmem>>) semaphore(%arg13 : memref<!tpu.dma_semaphore, #tpu.memory_space<semaphore_mem>>)
      %scan3A = arith.constant 0 : i32
      %scan3A_60 = arith.constant 20 : i32
      %scan3A_61 = arith.addi %scan3A, %scan3A_60 : i32
      %scan3A_62 = arith.constant 1 : i32
      scf.for %scan3A_64 = %scan3A to %scan3A_61 step %scan3A_62  : i32 {
        %mul3A_65 = arith.constant 2 : i32
        %mul3A_66 = arith.muli %scan3A_64, %mul3A_65 : i32
        %add3A_67 = arith.constant 0 : i32
        %add3A_68 = arith.addi %add3A_67, %mul3A_66 : i32
        %dma_wait3A = arith.constant 0 : i32
        %dma_wait3A_69 = arith.constant 0 : i32
        %dma_wait3A_70 = tpu.memref_slice %arg2[%dma_wait3A, %dma_wait3A_69] : memref<10000x128xf32, #tpu.memory_space<hbm>> -> memref<128x128xf32, #tpu.memory_space<hbm>>
        %dma_wait3A_71 = arith.constant 0 : i32
        %dma_wait3A_72 = arith.constant 0 : i32
        %dma_wait3A_73 = tpu.memref_slice %arg2[%dma_wait3A_71, %dma_wait3A_72] : memref<10000x128xf32, #tpu.memory_space<hbm>> -> memref<128x128xf32, #tpu.memory_space<hbm>>
        tpu.wait_dma2 semaphore(%arg12 : memref<!tpu.dma_semaphore, #tpu.memory_space<semaphore_mem>>) src(%dma_wait3A_73 : memref<128x128xf32, #tpu.memory_space<hbm>>) dst(%arg9 : memref<128x128xf32, #tpu.memory_space<vmem>>)
        "tpu.region"() ({
          %run_scoped3A = tpu.sem_alloc : memref<!tpu.dma_semaphore, #tpu.memory_space<semaphore_mem>>
          %dma_start3A_93 = arith.constant 0 : i32
          %dma_start3A_94 = tpu.memref_slice %arg8[%add3A_68, %dma_start3A_93] : memref<40x128xi32, #tpu.memory_space<vmem>> -> memref<1x128xi32, #tpu.memory_space<vmem>>
          %dma_start3A_95 = tpu.memref_squeeze %dma_start3A_94 : memref<1x128xi32, #tpu.memory_space<vmem>> -> memref<128xi32, #tpu.memory_space<vmem>>
          %dma_start3A_96 = arith.constant 0 : i32
          %dma_start3A_97 = arith.constant 0 : i32
          %dma_start3A_98 = tpu.memref_slice %arg11[%dma_start3A_96, %dma_start3A_97] : memref<10112x128xf32, #tpu.memory_space<vmem_shared>> -> memref<10112x128xf32, #tpu.memory_space<vmem_shared>>
          tpu.enqueue_indirect_dma source(%arg9 : memref<128x128xf32, #tpu.memory_space<vmem>>) target(%dma_start3A_98 : memref<10112x128xf32, #tpu.memory_space<vmem_shared>>) offsets(%dma_start3A_95 : memref<128xi32, #tpu.memory_space<vmem>>) semaphore(%run_scoped3A : memref<!tpu.dma_semaphore, #tpu.memory_space<semaphore_mem>>) {add = true}
          %dma_wait3A_99 = arith.constant 0 : i32
          %dma_wait3A_100 = tpu.memref_slice %arg8[%add3A_68, %dma_wait3A_99] : memref<40x128xi32, #tpu.memory_space<vmem>> -> memref<1x128xi32, #tpu.memory_space<vmem>>
          %dma_wait3A_101 = tpu.memref_squeeze %dma_wait3A_100 : memref<1x128xi32, #tpu.memory_space<vmem>> -> memref<128xi32, #tpu.memory_space<vmem>>
          %dma_wait3A_102 = arith.constant 0 : i32
          %dma_wait3A_103 = arith.constant 0 : i32
          %dma_wait3A_104 = tpu.memref_slice %arg11[%dma_wait3A_102, %dma_wait3A_103] : memref<10112x128xf32, #tpu.memory_space<vmem_shared>> -> memref<10112x128xf32, #tpu.memory_space<vmem_shared>>
          tpu.wait_indirect_dma semaphore(%run_scoped3A : memref<!tpu.dma_semaphore, #tpu.memory_space<semaphore_mem>>) src(%arg9 : memref<128x128xf32, #tpu.memory_space<vmem>>) dst(%dma_wait3A_104 : memref<10112x128xf32, #tpu.memory_space<vmem_shared>>)
          tpu.yield
        }) : () -> ()
        %add3A_74 = arith.constant 2 : i32
        %add3A_75 = arith.addi %add3A_68, %add3A_74 : i32
        %lt3A = arith.constant 40 : i32
        %lt3A_76 = arith.cmpi slt, %add3A_75, %lt3A : i32
        %convert_element_type3A = arith.extui %lt3A_76 : i1 to i32
        %cond3A = arith.constant 0 : i32
        %cond3A_77 = arith.cmpi ne, %convert_element_type3A, %cond3A : i32
        scf.if %cond3A_77 {
          %add3A_93 = arith.constant 2 : i32
          %add3A_94 = arith.addi %add3A_68, %add3A_93 : i32
          %dma_start3A_95 = arith.constant 0 : i32
          %dma_start3A_96 = tpu.memref_slice %arg7[%add3A_94, %dma_start3A_95] : memref<40x128xi32, #tpu.memory_space<vmem>> -> memref<1x128xi32, #tpu.memory_space<vmem>>
          %dma_start3A_97 = tpu.memref_squeeze %dma_start3A_96 : memref<1x128xi32, #tpu.memory_space<vmem>> -> memref<128xi32, #tpu.memory_space<vmem>>
          %dma_start3A_98 = arith.constant 0 : i32
          %dma_start3A_99 = arith.constant 0 : i32
          %dma_start3A_100 = tpu.memref_slice %arg2[%dma_start3A_98, %dma_start3A_99] : memref<10000x128xf32, #tpu.memory_space<hbm>> -> memref<10000x128xf32, #tpu.memory_space<hbm>>
          tpu.enqueue_indirect_dma source(%dma_start3A_100 : memref<10000x128xf32, #tpu.memory_space<hbm>>) target(%arg9 : memref<128x128xf32, #tpu.memory_space<vmem>>) offsets(%dma_start3A_97 : memref<128xi32, #tpu.memory_space<vmem>>) semaphore(%arg12 : memref<!tpu.dma_semaphore, #tpu.memory_space<semaphore_mem>>)
        } else {
        }
        %dma_wait3A_78 = arith.constant 0 : i32
        %dma_wait3A_79 = arith.constant 0 : i32
        %dma_wait3A_80 = tpu.memref_slice %arg2[%dma_wait3A_78, %dma_wait3A_79] : memref<10000x128xf32, #tpu.memory_space<hbm>> -> memref<128x128xf32, #tpu.memory_space<hbm>>
        %dma_wait3A_81 = arith.constant 0 : i32
        %dma_wait3A_82 = arith.constant 0 : i32
        %dma_wait3A_83 = tpu.memref_slice %arg2[%dma_wait3A_81, %dma_wait3A_82] : memref<10000x128xf32, #tpu.memory_space<hbm>> -> memref<128x128xf32, #tpu.memory_space<hbm>>
        tpu.wait_dma2 semaphore(%arg13 : memref<!tpu.dma_semaphore, #tpu.memory_space<semaphore_mem>>) src(%dma_wait3A_83 : memref<128x128xf32, #tpu.memory_space<hbm>>) dst(%arg10 : memref<128x128xf32, #tpu.memory_space<vmem>>)
        %add3A_84 = arith.constant 1 : i32
        %add3A_85 = arith.addi %add3A_68, %add3A_84 : i32
        "tpu.region"() ({
          %run_scoped3A = tpu.sem_alloc : memref<!tpu.dma_semaphore, #tpu.memory_space<semaphore_mem>>
          %dma_start3A_93 = arith.constant 0 : i32
          %dma_start3A_94 = tpu.memref_slice %arg8[%add3A_85, %dma_start3A_93] : memref<40x128xi32, #tpu.memory_space<vmem>> -> memref<1x128xi32, #tpu.memory_space<vmem>>
          %dma_start3A_95 = tpu.memref_squeeze %dma_start3A_94 : memref<1x128xi32, #tpu.memory_space<vmem>> -> memref<128xi32, #tpu.memory_space<vmem>>
          %dma_start3A_96 = arith.constant 0 : i32
          %dma_start3A_97 = arith.constant 0 : i32
          %dma_start3A_98 = tpu.memref_slice %arg11[%dma_start3A_96, %dma_start3A_97] : memref<10112x128xf32, #tpu.memory_space<vmem_shared>> -> memref<10112x128xf32, #tpu.memory_space<vmem_shared>>
          tpu.enqueue_indirect_dma source(%arg10 : memref<128x128xf32, #tpu.memory_space<vmem>>) target(%dma_start3A_98 : memref<10112x128xf32, #tpu.memory_space<vmem_shared>>) offsets(%dma_start3A_95 : memref<128xi32, #tpu.memory_space<vmem>>) semaphore(%run_scoped3A : memref<!tpu.dma_semaphore, #tpu.memory_space<semaphore_mem>>) {add = true}
          %dma_wait3A_99 = arith.constant 0 : i32
          %dma_wait3A_100 = tpu.memref_slice %arg8[%add3A_85, %dma_wait3A_99] : memref<40x128xi32, #tpu.memory_space<vmem>> -> memref<1x128xi32, #tpu.memory_space<vmem>>
          %dma_wait3A_101 = tpu.memref_squeeze %dma_wait3A_100 : memref<1x128xi32, #tpu.memory_space<vmem>> -> memref<128xi32, #tpu.memory_space<vmem>>
          %dma_wait3A_102 = arith.constant 0 : i32
          %dma_wait3A_103 = arith.constant 0 : i32
          %dma_wait3A_104 = tpu.memref_slice %arg11[%dma_wait3A_102, %dma_wait3A_103] : memref<10112x128xf32, #tpu.memory_space<vmem_shared>> -> memref<10112x128xf32, #tpu.memory_space<vmem_shared>>
          tpu.wait_indirect_dma semaphore(%run_scoped3A : memref<!tpu.dma_semaphore, #tpu.memory_space<semaphore_mem>>) src(%arg10 : memref<128x128xf32, #tpu.memory_space<vmem>>) dst(%dma_wait3A_104 : memref<10112x128xf32, #tpu.memory_space<vmem_shared>>)
          tpu.yield
        }) : () -> ()
        %add3A_86 = arith.constant 3 : i32
        %add3A_87 = arith.addi %add3A_68, %add3A_86 : i32
        %lt3A_88 = arith.constant 40 : i32
        %lt3A_89 = arith.cmpi slt, %add3A_87, %lt3A_88 : i32
        %convert_element_type3A_90 = arith.extui %lt3A_89 : i1 to i32
        %cond3A_91 = arith.constant 0 : i32
        %cond3A_92 = arith.cmpi ne, %convert_element_type3A_90, %cond3A_91 : i32
        scf.if %cond3A_92 {
          %add3A_93 = arith.constant 3 : i32
          %add3A_94 = arith.addi %add3A_68, %add3A_93 : i32
          %dma_start3A_95 = arith.constant 0 : i32
          %dma_start3A_96 = tpu.memref_slice %arg7[%add3A_94, %dma_start3A_95] : memref<40x128xi32, #tpu.memory_space<vmem>> -> memref<1x128xi32, #tpu.memory_space<vmem>>
          %dma_start3A_97 = tpu.memref_squeeze %dma_start3A_96 : memref<1x128xi32, #tpu.memory_space<vmem>> -> memref<128xi32, #tpu.memory_space<vmem>>
          %dma_start3A_98 = arith.constant 0 : i32
          %dma_start3A_99 = arith.constant 0 : i32
          %dma_start3A_100 = tpu.memref_slice %arg2[%dma_start3A_98, %dma_start3A_99] : memref<10000x128xf32, #tpu.memory_space<hbm>> -> memref<10000x128xf32, #tpu.memory_space<hbm>>
          tpu.enqueue_indirect_dma source(%dma_start3A_100 : memref<10000x128xf32, #tpu.memory_space<hbm>>) target(%arg10 : memref<128x128xf32, #tpu.memory_space<vmem>>) offsets(%dma_start3A_97 : memref<128xi32, #tpu.memory_space<vmem>>) semaphore(%arg13 : memref<!tpu.dma_semaphore, #tpu.memory_space<semaphore_mem>>)
        } else {
        }
      }
      %scan3A_63 = arith.constant 20 : i32
    }
    %barrier3A_37 = arith.constant 0 : index
    tpu.barrier barrier_id(%barrier3A_37)
    "tpu.region"() ({
      %run_scoped3A = tpu.sem_alloc : memref<!tpu.dma_semaphore, #tpu.memory_space<semaphore_mem>>
      %dma_start3A = arith.constant 0 : i32
      %dma_start3A_38 = arith.constant 0 : i32
      %dma_start3A_39 = tpu.memref_slice %arg6[%arg0, %dma_start3A, %dma_start3A_38] : memref<2x10112x128xf32, #tpu.memory_space<hbm>> -> memref<1x10112x128xf32, #tpu.memory_space<hbm>>
      %dma_start3A_40 = tpu.memref_squeeze %dma_start3A_39 : memref<1x10112x128xf32, #tpu.memory_space<hbm>> -> memref<10112x128xf32, #tpu.memory_space<hbm>>
      %dma_start3A_41 = arith.constant 0 : i32
      %dma_start3A_42 = tpu.memref_slice %dma_start3A_40[%mul3A_0, %dma_start3A_41] : memref<10112x128xf32, #tpu.memory_space<hbm>> -> memref<632x128xf32, #tpu.memory_space<hbm>>
      %dma_start3A_43 = arith.constant 0 : i32
      %dma_start3A_44 = tpu.memref_slice %arg11[%mul3A_0, %dma_start3A_43] : memref<10112x128xf32, #tpu.memory_space<vmem_shared>> -> memref<632x128xf32, #tpu.memory_space<vmem_shared>>
      tpu.enqueue_dma source(%dma_start3A_44 : memref<632x128xf32, #tpu.memory_space<vmem_shared>>) target(%dma_start3A_42 : memref<632x128xf32, #tpu.memory_space<hbm>>) target_semaphore(%run_scoped3A : memref<!tpu.dma_semaphore, #tpu.memory_space<semaphore_mem>>)
      %dma_wait3A = arith.constant 0 : i32
      %dma_wait3A_45 = arith.constant 0 : i32
      %dma_wait3A_46 = tpu.memref_slice %arg6[%arg0, %dma_wait3A, %dma_wait3A_45] : memref<2x10112x128xf32, #tpu.memory_space<hbm>> -> memref<1x10112x128xf32, #tpu.memory_space<hbm>>
      %dma_wait3A_47 = tpu.memref_squeeze %dma_wait3A_46 : memref<1x10112x128xf32, #tpu.memory_space<hbm>> -> memref<10112x128xf32, #tpu.memory_space<hbm>>
      %dma_wait3A_48 = arith.constant 0 : i32
      %dma_wait3A_49 = tpu.memref_slice %dma_wait3A_47[%mul3A_0, %dma_wait3A_48] : memref<10112x128xf32, #tpu.memory_space<hbm>> -> memref<632x128xf32, #tpu.memory_space<hbm>>
      %dma_wait3A_50 = arith.constant 0 : i32
      %dma_wait3A_51 = tpu.memref_slice %arg11[%mul3A_0, %dma_wait3A_50] : memref<10112x128xf32, #tpu.memory_space<vmem_shared>> -> memref<632x128xf32, #tpu.memory_space<vmem_shared>>
      tpu.wait_dma2 semaphore(%run_scoped3A : memref<!tpu.dma_semaphore, #tpu.memory_space<semaphore_mem>>) src(%dma_wait3A_51 : memref<632x128xf32, #tpu.memory_space<vmem_shared>>) dst(%dma_wait3A_49 : memref<632x128xf32, #tpu.memory_space<hbm>>)
      tpu.yield
    }) : () -> ()
    return
  }
}

#map = affine_map<(d0, d1) -> (0, 0)>
#map1 = affine_map<(d0, d1) -> (0, 0, 0)>
module attributes {stable_mosaic.version = 14 : i64} {
  func.func @k(%arg0: i32, %arg1: i32, %arg2: memref<10000x128xf32, #tpu.memory_space<hbm>>, %arg3: memref<2560x128xi32, #tpu.memory_space<hbm>>, %arg4: memref<2560x128xi32, #tpu.memory_space<hbm>>, %arg5: memref<632x128xf32, #tpu.memory_space<hbm>>, %arg6: memref<2x10112x128xf32, #tpu.memory_space<hbm>>, %arg7: memref<40x128xi32, #tpu.memory_space<vmem>>, %arg8: memref<40x128xi32, #tpu.memory_space<vmem>>, %arg9: memref<128x128xf32, #tpu.memory_space<vmem>>, %arg10: memref<128x128xf32, #tpu.memory_space<vmem>>, %arg11: memref<10112x128xf32, #tpu.memory_space<vmem_shared>>, %arg12: memref<!tpu.dma_semaphore, #tpu.memory_space<semaphore_mem>>, %arg13: memref<!tpu.dma_semaphore, #tpu.memory_space<semaphore_mem>>, %arg14: memref<!tpu.dma_semaphore, #tpu.memory_space<semaphore_mem>>) attributes {dimension_semantics = [#tpu.dimension_semantics<core_parallel>, #tpu.dimension_semantics<subcore_parallel>], iteration_bounds = array<i64: 2, 16>, scalar_prefetch = 0 : i64, scratch_operands = 8 : i64, tpu.core_type = #tpu.core_type<sc_vector_subcore>, window_params = [{transform_indices = #map}, {transform_indices = #map}, {transform_indices = #map}, {transform_indices = #map}, {transform_indices = #map1}]} {
    %mul3A = arith.constant 632 : i32
    %mul3A_0 = arith.muli %arg1, %mul3A : i32
    %eq3A = arith.constant 0 : i32
    %eq3A_1 = arith.cmpi eq, %arg0, %eq3A : i32
    %mul3A_2 = arith.constant 80 : i32
    %mul3A_3 = arith.muli %arg1, %mul3A_2 : i32
    %mul3A_4 = arith.constant 80 : i32
    %mul3A_5 = arith.muli %arg1, %mul3A_4 : i32
    %add3A = arith.constant 1280 : i32
    %add3A_6 = arith.addi %add3A, %mul3A_5 : i32
    %select_n3A = arith.select %eq3A_1, %mul3A_3, %add3A_6 : i32
    %eq3A_7 = arith.constant 0 : i32
    %eq3A_8 = arith.cmpi eq, %arg0, %eq3A_7 : i32
    %jit3A = arith.constant 2 : i32
    %jit3A_9 = arith.constant 2 : i32
    %select_n3A_10 = arith.select %eq3A_8, %jit3A, %jit3A_9 : i32
    "tpu.region"() ({
      %run_scoped3A = tpu.sem_alloc : memref<!tpu.dma_semaphore, #tpu.memory_space<semaphore_mem>>
      %dma_start3A = arith.constant 0 : i32
      %dma_start3A_38 = arith.constant 0 : i32
      %dma_start3A_39 = tpu.memref_slice %arg5[%dma_start3A, %dma_start3A_38] : memref<632x128xf32, #tpu.memory_space<hbm>> -> memref<128x128xf32, #tpu.memory_space<hbm>>
      %dma_start3A_40 = arith.constant 0 : i32
      %dma_start3A_41 = arith.constant 0 : i32
      %dma_start3A_42 = tpu.memref_slice %arg5[%dma_start3A_40, %dma_start3A_41] : memref<632x128xf32, #tpu.memory_space<hbm>> -> memref<128x128xf32, #tpu.memory_space<hbm>>
      tpu.enqueue_dma source(%dma_start3A_42 : memref<128x128xf32, #tpu.memory_space<hbm>>) target(%arg9 : memref<128x128xf32, #tpu.memory_space<vmem>>) target_semaphore(%run_scoped3A : memref<!tpu.dma_semaphore, #tpu.memory_space<semaphore_mem>>)
      %dma_wait3A = arith.constant 0 : i32
      %dma_wait3A_43 = arith.constant 0 : i32
      %dma_wait3A_44 = tpu.memref_slice %arg5[%dma_wait3A, %dma_wait3A_43] : memref<632x128xf32, #tpu.memory_space<hbm>> -> memref<128x128xf32, #tpu.memory_space<hbm>>
      %dma_wait3A_45 = arith.constant 0 : i32
      %dma_wait3A_46 = arith.constant 0 : i32
      %dma_wait3A_47 = tpu.memref_slice %arg5[%dma_wait3A_45, %dma_wait3A_46] : memref<632x128xf32, #tpu.memory_space<hbm>> -> memref<128x128xf32, #tpu.memory_space<hbm>>
      tpu.wait_dma2 semaphore(%run_scoped3A : memref<!tpu.dma_semaphore, #tpu.memory_space<semaphore_mem>>) src(%dma_wait3A_47 : memref<128x128xf32, #tpu.memory_space<hbm>>) dst(%arg9 : memref<128x128xf32, #tpu.memory_space<vmem>>)
      tpu.yield
    }) : () -> ()
    %add3A_11 = arith.constant 0 : i32
    %add3A_12 = arith.addi %mul3A_0, %add3A_11 : i32
    "tpu.region"() ({
      %run_scoped3A = tpu.sem_alloc : memref<!tpu.dma_semaphore, #tpu.memory_space<semaphore_mem>>
      %dma_start3A = arith.constant 0 : i32
      %dma_start3A_38 = tpu.memref_slice %arg11[%add3A_12, %dma_start3A] : memref<10112x128xf32, #tpu.memory_space<vmem_shared>> -> memref<128x128xf32, #tpu.memory_space<vmem_shared>>
      %dma_start3A_39 = arith.constant 0 : i32
      %dma_start3A_40 = tpu.memref_slice %arg11[%add3A_12, %dma_start3A_39] : memref<10112x128xf32, #tpu.memory_space<vmem_shared>> -> memref<128x128xf32, #tpu.memory_space<vmem_shared>>
      tpu.enqueue_dma source(%arg9 : memref<128x128xf32, #tpu.memory_space<vmem>>) target(%dma_start3A_40 : memref<128x128xf32, #tpu.memory_space<vmem_shared>>) target_semaphore(%run_scoped3A : memref<!tpu.dma_semaphore, #tpu.memory_space<semaphore_mem>>)
      %dma_wait3A = arith.constant 0 : i32
      %dma_wait3A_41 = tpu.memref_slice %arg11[%add3A_12, %dma_wait3A] : memref<10112x128xf32, #tpu.memory_space<vmem_shared>> -> memref<128x128xf32, #tpu.memory_space<vmem_shared>>
      %dma_wait3A_42 = arith.constant 0 : i32
      %dma_wait3A_43 = tpu.memref_slice %arg11[%add3A_12, %dma_wait3A_42] : memref<10112x128xf32, #tpu.memory_space<vmem_shared>> -> memref<128x128xf32, #tpu.memory_space<vmem_shared>>
      tpu.wait_dma2 semaphore(%run_scoped3A : memref<!tpu.dma_semaphore, #tpu.memory_space<semaphore_mem>>) src(%arg9 : memref<128x128xf32, #tpu.memory_space<vmem>>) dst(%dma_wait3A_43 : memref<128x128xf32, #tpu.memory_space<vmem_shared>>)
      tpu.yield
    }) : () -> ()
    %add3A_13 = arith.constant 128 : i32
    %add3A_14 = arith.addi %mul3A_0, %add3A_13 : i32
    "tpu.region"() ({
      %run_scoped3A = tpu.sem_alloc : memref<!tpu.dma_semaphore, #tpu.memory_space<semaphore_mem>>
      %dma_start3A = arith.constant 0 : i32
      %dma_start3A_38 = tpu.memref_slice %arg11[%add3A_14, %dma_start3A] : memref<10112x128xf32, #tpu.memory_space<vmem_shared>> -> memref<128x128xf32, #tpu.memory_space<vmem_shared>>
      %dma_start3A_39 = arith.constant 0 : i32
      %dma_start3A_40 = tpu.memref_slice %arg11[%add3A_14, %dma_start3A_39] : memref<10112x128xf32, #tpu.memory_space<vmem_shared>> -> memref<128x128xf32, #tpu.memory_space<vmem_shared>>
      tpu.enqueue_dma source(%arg9 : memref<128x128xf32, #tpu.memory_space<vmem>>) target(%dma_start3A_40 : memref<128x128xf32, #tpu.memory_space<vmem_shared>>) target_semaphore(%run_scoped3A : memref<!tpu.dma_semaphore, #tpu.memory_space<semaphore_mem>>)
      %dma_wait3A = arith.constant 0 : i32
      %dma_wait3A_41 = tpu.memref_slice %arg11[%add3A_14, %dma_wait3A] : memref<10112x128xf32, #tpu.memory_space<vmem_shared>> -> memref<128x128xf32, #tpu.memory_space<vmem_shared>>
      %dma_wait3A_42 = arith.constant 0 : i32
      %dma_wait3A_43 = tpu.memref_slice %arg11[%add3A_14, %dma_wait3A_42] : memref<10112x128xf32, #tpu.memory_space<vmem_shared>> -> memref<128x128xf32, #tpu.memory_space<vmem_shared>>
      tpu.wait_dma2 semaphore(%run_scoped3A : memref<!tpu.dma_semaphore, #tpu.memory_space<semaphore_mem>>) src(%arg9 : memref<128x128xf32, #tpu.memory_space<vmem>>) dst(%dma_wait3A_43 : memref<128x128xf32, #tpu.memory_space<vmem_shared>>)
      tpu.yield
    }) : () -> ()
    %add3A_15 = arith.constant 256 : i32
    %add3A_16 = arith.addi %mul3A_0, %add3A_15 : i32
    "tpu.region"() ({
      %run_scoped3A = tpu.sem_alloc : memref<!tpu.dma_semaphore, #tpu.memory_space<semaphore_mem>>
      %dma_start3A = arith.constant 0 : i32
      %dma_start3A_38 = tpu.memref_slice %arg11[%add3A_16, %dma_start3A] : memref<10112x128xf32, #tpu.memory_space<vmem_shared>> -> memref<128x128xf32, #tpu.memory_space<vmem_shared>>
      %dma_start3A_39 = arith.constant 0 : i32
      %dma_start3A_40 = tpu.memref_slice %arg11[%add3A_16, %dma_start3A_39] : memref<10112x128xf32, #tpu.memory_space<vmem_shared>> -> memref<128x128xf32, #tpu.memory_space<vmem_shared>>
      tpu.enqueue_dma source(%arg9 : memref<128x128xf32, #tpu.memory_space<vmem>>) target(%dma_start3A_40 : memref<128x128xf32, #tpu.memory_space<vmem_shared>>) target_semaphore(%run_scoped3A : memref<!tpu.dma_semaphore, #tpu.memory_space<semaphore_mem>>)
      %dma_wait3A = arith.constant 0 : i32
      %dma_wait3A_41 = tpu.memref_slice %arg11[%add3A_16, %dma_wait3A] : memref<10112x128xf32, #tpu.memory_space<vmem_shared>> -> memref<128x128xf32, #tpu.memory_space<vmem_shared>>
      %dma_wait3A_42 = arith.constant 0 : i32
      %dma_wait3A_43 = tpu.memref_slice %arg11[%add3A_16, %dma_wait3A_42] : memref<10112x128xf32, #tpu.memory_space<vmem_shared>> -> memref<128x128xf32, #tpu.memory_space<vmem_shared>>
      tpu.wait_dma2 semaphore(%run_scoped3A : memref<!tpu.dma_semaphore, #tpu.memory_space<semaphore_mem>>) src(%arg9 : memref<128x128xf32, #tpu.memory_space<vmem>>) dst(%dma_wait3A_43 : memref<128x128xf32, #tpu.memory_space<vmem_shared>>)
      tpu.yield
    }) : () -> ()
    %add3A_17 = arith.constant 384 : i32
    %add3A_18 = arith.addi %mul3A_0, %add3A_17 : i32
    "tpu.region"() ({
      %run_scoped3A = tpu.sem_alloc : memref<!tpu.dma_semaphore, #tpu.memory_space<semaphore_mem>>
      %dma_start3A = arith.constant 0 : i32
      %dma_start3A_38 = tpu.memref_slice %arg11[%add3A_18, %dma_start3A] : memref<10112x128xf32, #tpu.memory_space<vmem_shared>> -> memref<128x128xf32, #tpu.memory_space<vmem_shared>>
      %dma_start3A_39 = arith.constant 0 : i32
      %dma_start3A_40 = tpu.memref_slice %arg11[%add3A_18, %dma_start3A_39] : memref<10112x128xf32, #tpu.memory_space<vmem_shared>> -> memref<128x128xf32, #tpu.memory_space<vmem_shared>>
      tpu.enqueue_dma source(%arg9 : memref<128x128xf32, #tpu.memory_space<vmem>>) target(%dma_start3A_40 : memref<128x128xf32, #tpu.memory_space<vmem_shared>>) target_semaphore(%run_scoped3A : memref<!tpu.dma_semaphore, #tpu.memory_space<semaphore_mem>>)
      %dma_wait3A = arith.constant 0 : i32
      %dma_wait3A_41 = tpu.memref_slice %arg11[%add3A_18, %dma_wait3A] : memref<10112x128xf32, #tpu.memory_space<vmem_shared>> -> memref<128x128xf32, #tpu.memory_space<vmem_shared>>
      %dma_wait3A_42 = arith.constant 0 : i32
      %dma_wait3A_43 = tpu.memref_slice %arg11[%add3A_18, %dma_wait3A_42] : memref<10112x128xf32, #tpu.memory_space<vmem_shared>> -> memref<128x128xf32, #tpu.memory_space<vmem_shared>>
      tpu.wait_dma2 semaphore(%run_scoped3A : memref<!tpu.dma_semaphore, #tpu.memory_space<semaphore_mem>>) src(%arg9 : memref<128x128xf32, #tpu.memory_space<vmem>>) dst(%dma_wait3A_43 : memref<128x128xf32, #tpu.memory_space<vmem_shared>>)
      tpu.yield
    }) : () -> ()
    %add3A_19 = arith.constant 512 : i32
    %add3A_20 = arith.addi %mul3A_0, %add3A_19 : i32
    "tpu.region"() ({
      %run_scoped3A = tpu.sem_alloc : memref<!tpu.dma_semaphore, #tpu.memory_space<semaphore_mem>>
      %dma_start3A = arith.constant 0 : i32
      %dma_start3A_38 = arith.constant 0 : i32
      %dma_start3A_39 = tpu.memref_slice %arg9[%dma_start3A, %dma_start3A_38] : memref<128x128xf32, #tpu.memory_space<vmem>> -> memref<120x128xf32, #tpu.memory_space<vmem>>
      %dma_start3A_40 = arith.constant 0 : i32
      %dma_start3A_41 = tpu.memref_slice %arg11[%add3A_20, %dma_start3A_40] : memref<10112x128xf32, #tpu.memory_space<vmem_shared>> -> memref<120x128xf32, #tpu.memory_space<vmem_shared>>
      %dma_start3A_42 = arith.constant 0 : i32
      %dma_start3A_43 = tpu.memref_slice %arg11[%add3A_20, %dma_start3A_42] : memref<10112x128xf32, #tpu.memory_space<vmem_shared>> -> memref<120x128xf32, #tpu.memory_space<vmem_shared>>
      %dma_start3A_44 = arith.constant 0 : i32
      %dma_start3A_45 = arith.constant 0 : i32
      %dma_start3A_46 = tpu.memref_slice %arg9[%dma_start3A_44, %dma_start3A_45] : memref<128x128xf32, #tpu.memory_space<vmem>> -> memref<120x128xf32, #tpu.memory_space<vmem>>
      tpu.enqueue_dma source(%dma_start3A_46 : memref<120x128xf32, #tpu.memory_space<vmem>>) target(%dma_start3A_43 : memref<120x128xf32, #tpu.memory_space<vmem_shared>>) target_semaphore(%run_scoped3A : memref<!tpu.dma_semaphore, #tpu.memory_space<semaphore_mem>>)
      %dma_wait3A = arith.constant 0 : i32
      %dma_wait3A_47 = arith.constant 0 : i32
      %dma_wait3A_48 = tpu.memref_slice %arg9[%dma_wait3A, %dma_wait3A_47] : memref<128x128xf32, #tpu.memory_space<vmem>> -> memref<120x128xf32, #tpu.memory_space<vmem>>
      %dma_wait3A_49 = arith.constant 0 : i32
      %dma_wait3A_50 = tpu.memref_slice %arg11[%add3A_20, %dma_wait3A_49] : memref<10112x128xf32, #tpu.memory_space<vmem_shared>> -> memref<120x128xf32, #tpu.memory_space<vmem_shared>>
      %dma_wait3A_51 = arith.constant 0 : i32
      %dma_wait3A_52 = tpu.memref_slice %arg11[%add3A_20, %dma_wait3A_51] : memref<10112x128xf32, #tpu.memory_space<vmem_shared>> -> memref<120x128xf32, #tpu.memory_space<vmem_shared>>
      %dma_wait3A_53 = arith.constant 0 : i32
      %dma_wait3A_54 = arith.constant 0 : i32
      %dma_wait3A_55 = tpu.memref_slice %arg9[%dma_wait3A_53, %dma_wait3A_54] : memref<128x128xf32, #tpu.memory_space<vmem>> -> memref<120x128xf32, #tpu.memory_space<vmem>>
      tpu.wait_dma2 semaphore(%run_scoped3A : memref<!tpu.dma_semaphore, #tpu.memory_space<semaphore_mem>>) src(%dma_wait3A_55 : memref<120x128xf32, #tpu.memory_space<vmem>>) dst(%dma_wait3A_52 : memref<120x128xf32, #tpu.memory_space<vmem_shared>>)
      tpu.yield
    }) : () -> ()
    %barrier3A = arith.constant 0 : index
    tpu.barrier barrier_id(%barrier3A)
    %sub3A = arith.constant 0 : i32
    %sub3A_21 = arith.subi %select_n3A_10, %sub3A : i32
    %sub3A_22 = arith.constant 1 : i32
    %sub3A_23 = arith.constant 1 : i32
    %sub3A_24 = arith.subi %sub3A_22, %sub3A_23 : i32
    %add3A_25 = arith.addi %sub3A_21, %sub3A_24 : i32
    %div3A = arith.constant 1 : i32
    %div3A_26 = arith.divsi %add3A_25, %div3A : i32
    %while3A = arith.constant 1 : i32
    %while3A_27 = arith.constant 0 : i32
    %while3A_28 = arith.constant 0 : i32
    %while3A_29 = arith.subi %div3A_26, %while3A_28 : i32
    %while3A_30 = arith.addi %while3A_28, %while3A_29 : i32
    %while3A_31 = arith.constant 1 : i32
    %while3A_32 = arith.divsi %while3A_29, %while3A_31 : i32
    %while3A_33 = arith.muli %while3A_32, %while3A_31 : i32
    %while3A_34 = arith.addi %while3A_28, %while3A_33 : i32
    %while3A_35 = arith.constant 1 : i32
    scf.for %while3A_38 = %while3A_28 to %while3A_34 step %while3A_35  : i32 {
      %mul3A_39 = arith.muli %while3A_38, %while3A : i32
      %add3A_40 = arith.addi %while3A_27, %mul3A_39 : i32
      %mul3A_41 = arith.constant 40 : i32
      %mul3A_42 = arith.muli %add3A_40, %mul3A_41 : i32
      %add3A_43 = arith.addi %select_n3A, %mul3A_42 : i32
      "tpu.region"() ({
        %run_scoped3A = tpu.sem_alloc : memref<!tpu.dma_semaphore, #tpu.memory_space<semaphore_mem>>
        %dma_start3A_64 = arith.constant 0 : i32
        %dma_start3A_65 = tpu.memref_slice %arg3[%add3A_43, %dma_start3A_64] : memref<2560x128xi32, #tpu.memory_space<hbm>> -> memref<40x128xi32, #tpu.memory_space<hbm>>
        %dma_start3A_66 = arith.constant 0 : i32
        %dma_start3A_67 = tpu.memref_slice %arg3[%add3A_43, %dma_start3A_66] : memref<2560x128xi32, #tpu.memory_space<hbm>> -> memref<40x128xi32, #tpu.memory_space<hbm>>
        tpu.enqueue_dma source(%dma_start3A_67 : memref<40x128xi32, #tpu.memory_space<hbm>>) target(%arg7 : memref<40x128xi32, #tpu.memory_space<vmem>>) target_semaphore(%run_scoped3A : memref<!tpu.dma_semaphore, #tpu.memory_space<semaphore_mem>>)
        %dma_wait3A = arith.constant 0 : i32
        %dma_wait3A_68 = tpu.memref_slice %arg3[%add3A_43, %dma_wait3A] : memref<2560x128xi32, #tpu.memory_space<hbm>> -> memref<40x128xi32, #tpu.memory_space<hbm>>
        %dma_wait3A_69 = arith.constant 0 : i32
        %dma_wait3A_70 = tpu.memref_slice %arg3[%add3A_43, %dma_wait3A_69] : memref<2560x128xi32, #tpu.memory_space<hbm>> -> memref<40x128xi32, #tpu.memory_space<hbm>>
        tpu.wait_dma2 semaphore(%run_scoped3A : memref<!tpu.dma_semaphore, #tpu.memory_space<semaphore_mem>>) src(%dma_wait3A_70 : memref<40x128xi32, #tpu.memory_space<hbm>>) dst(%arg7 : memref<40x128xi32, #tpu.memory_space<vmem>>)
        tpu.yield
      }) : () -> ()
      %mul3A_44 = arith.constant 40 : i32
      %mul3A_45 = arith.muli %add3A_40, %mul3A_44 : i32
      %add3A_46 = arith.addi %select_n3A, %mul3A_45 : i32
      "tpu.region"() ({
        %run_scoped3A = tpu.sem_alloc : memref<!tpu.dma_semaphore, #tpu.memory_space<semaphore_mem>>
        %dma_start3A_64 = arith.constant 0 : i32
        %dma_start3A_65 = tpu.memref_slice %arg4[%add3A_46, %dma_start3A_64] : memref<2560x128xi32, #tpu.memory_space<hbm>> -> memref<40x128xi32, #tpu.memory_space<hbm>>
        %dma_start3A_66 = arith.constant 0 : i32
        %dma_start3A_67 = tpu.memref_slice %arg4[%add3A_46, %dma_start3A_66] : memref<2560x128xi32, #tpu.memory_space<hbm>> -> memref<40x128xi32, #tpu.memory_space<hbm>>
        tpu.enqueue_dma source(%dma_start3A_67 : memref<40x128xi32, #tpu.memory_space<hbm>>) target(%arg8 : memref<40x128xi32, #tpu.memory_space<vmem>>) target_semaphore(%run_scoped3A : memref<!tpu.dma_semaphore, #tpu.memory_space<semaphore_mem>>)
        %dma_wait3A = arith.constant 0 : i32
        %dma_wait3A_68 = tpu.memref_slice %arg4[%add3A_46, %dma_wait3A] : memref<2560x128xi32, #tpu.memory_space<hbm>> -> memref<40x128xi32, #tpu.memory_space<hbm>>
        %dma_wait3A_69 = arith.constant 0 : i32
        %dma_wait3A_70 = tpu.memref_slice %arg4[%add3A_46, %dma_wait3A_69] : memref<2560x128xi32, #tpu.memory_space<hbm>> -> memref<40x128xi32, #tpu.memory_space<hbm>>
        tpu.wait_dma2 semaphore(%run_scoped3A : memref<!tpu.dma_semaphore, #tpu.memory_space<semaphore_mem>>) src(%dma_wait3A_70 : memref<40x128xi32, #tpu.memory_space<hbm>>) dst(%arg8 : memref<40x128xi32, #tpu.memory_space<vmem>>)
        tpu.yield
      }) : () -> ()
      %dma_start3A = arith.constant 0 : i32
      %dma_start3A_47 = arith.constant 0 : i32
      %dma_start3A_48 = tpu.memref_slice %arg7[%dma_start3A, %dma_start3A_47] : memref<40x128xi32, #tpu.memory_space<vmem>> -> memref<1x128xi32, #tpu.memory_space<vmem>>
      %dma_start3A_49 = tpu.memref_squeeze %dma_start3A_48 : memref<1x128xi32, #tpu.memory_space<vmem>> -> memref<128xi32, #tpu.memory_space<vmem>>
      %dma_start3A_50 = arith.constant 0 : i32
      %dma_start3A_51 = arith.constant 0 : i32
      %dma_start3A_52 = tpu.memref_slice %arg2[%dma_start3A_50, %dma_start3A_51] : memref<10000x128xf32, #tpu.memory_space<hbm>> -> memref<10000x128xf32, #tpu.memory_space<hbm>>
      tpu.enqueue_indirect_dma source(%dma_start3A_52 : memref<10000x128xf32, #tpu.memory_space<hbm>>) target(%arg9 : memref<128x128xf32, #tpu.memory_space<vmem>>) offsets(%dma_start3A_49 : memref<128xi32, #tpu.memory_space<vmem>>) semaphore(%arg12 : memref<!tpu.dma_semaphore, #tpu.memory_space<semaphore_mem>>)
      %dma_start3A_53 = arith.constant 1 : i32
      %dma_start3A_54 = arith.constant 0 : i32
      %dma_start3A_55 = tpu.memref_slice %arg7[%dma_start3A_53, %dma_start3A_54] : memref<40x128xi32, #tpu.memory_space<vmem>> -> memref<1x128xi32, #tpu.memory_space<vmem>>
      %dma_start3A_56 = tpu.memref_squeeze %dma_start3A_55 : memref<1x128xi32, #tpu.memory_space<vmem>> -> memref<128xi32, #tpu.memory_space<vmem>>
      %dma_start3A_57 = arith.constant 0 : i32
      %dma_start3A_58 = arith.constant 0 : i32
      %dma_start3A_59 = tpu.memref_slice %arg2[%dma_start3A_57, %dma_start3A_58] : memref<10000x128xf32, #tpu.memory_space<hbm>> -> memref<10000x128xf32, #tpu.memory_space<hbm>>
      tpu.enqueue_indirect_dma source(%dma_start3A_59 : memref<10000x128xf32, #tpu.memory_space<hbm>>) target(%arg10 : memref<128x128xf32, #tpu.memory_space<vmem>>) offsets(%dma_start3A_56 : memref<128xi32, #tpu.memory_space<vmem>>) semaphore(%arg13 : memref<!tpu.dma_semaphore, #tpu.memory_space<semaphore_mem>>)
      %scan3A = arith.constant 0 : i32
      %scan3A_60 = arith.constant 20 : i32
      %scan3A_61 = arith.addi %scan3A, %scan3A_60 : i32
      %scan3A_62 = arith.constant 1 : i32
      scf.for %scan3A_64 = %scan3A to %scan3A_61 step %scan3A_62  : i32 {
        %mul3A_65 = arith.constant 2 : i32
        %mul3A_66 = arith.muli %scan3A_64, %mul3A_65 : i32
        %add3A_67 = arith.constant 0 : i32
        %add3A_68 = arith.addi %add3A_67, %mul3A_66 : i32
        %dma_wait3A = arith.constant 0 : i32
        %dma_wait3A_69 = arith.constant 0 : i32
        %dma_wait3A_70 = tpu.memref_slice %arg2[%dma_wait3A, %dma_wait3A_69] : memref<10000x128xf32, #tpu.memory_space<hbm>> -> memref<128x128xf32, #tpu.memory_space<hbm>>
        %dma_wait3A_71 = arith.constant 0 : i32
        %dma_wait3A_72 = arith.constant 0 : i32
        %dma_wait3A_73 = tpu.memref_slice %arg2[%dma_wait3A_71, %dma_wait3A_72] : memref<10000x128xf32, #tpu.memory_space<hbm>> -> memref<128x128xf32, #tpu.memory_space<hbm>>
        tpu.wait_dma2 semaphore(%arg12 : memref<!tpu.dma_semaphore, #tpu.memory_space<semaphore_mem>>) src(%dma_wait3A_73 : memref<128x128xf32, #tpu.memory_space<hbm>>) dst(%arg9 : memref<128x128xf32, #tpu.memory_space<vmem>>)
        "tpu.region"() ({
          %run_scoped3A = tpu.sem_alloc : memref<!tpu.dma_semaphore, #tpu.memory_space<semaphore_mem>>
          %dma_start3A_93 = arith.constant 0 : i32
          %dma_start3A_94 = tpu.memref_slice %arg8[%add3A_68, %dma_start3A_93] : memref<40x128xi32, #tpu.memory_space<vmem>> -> memref<1x128xi32, #tpu.memory_space<vmem>>
          %dma_start3A_95 = tpu.memref_squeeze %dma_start3A_94 : memref<1x128xi32, #tpu.memory_space<vmem>> -> memref<128xi32, #tpu.memory_space<vmem>>
          %dma_start3A_96 = arith.constant 0 : i32
          %dma_start3A_97 = arith.constant 0 : i32
          %dma_start3A_98 = tpu.memref_slice %arg11[%dma_start3A_96, %dma_start3A_97] : memref<10112x128xf32, #tpu.memory_space<vmem_shared>> -> memref<10112x128xf32, #tpu.memory_space<vmem_shared>>
          tpu.enqueue_indirect_dma source(%arg9 : memref<128x128xf32, #tpu.memory_space<vmem>>) target(%dma_start3A_98 : memref<10112x128xf32, #tpu.memory_space<vmem_shared>>) offsets(%dma_start3A_95 : memref<128xi32, #tpu.memory_space<vmem>>) semaphore(%run_scoped3A : memref<!tpu.dma_semaphore, #tpu.memory_space<semaphore_mem>>) {add = true}
          %dma_wait3A_99 = arith.constant 0 : i32
          %dma_wait3A_100 = tpu.memref_slice %arg8[%add3A_68, %dma_wait3A_99] : memref<40x128xi32, #tpu.memory_space<vmem>> -> memref<1x128xi32, #tpu.memory_space<vmem>>
          %dma_wait3A_101 = tpu.memref_squeeze %dma_wait3A_100 : memref<1x128xi32, #tpu.memory_space<vmem>> -> memref<128xi32, #tpu.memory_space<vmem>>
          %dma_wait3A_102 = arith.constant 0 : i32
          %dma_wait3A_103 = arith.constant 0 : i32
          %dma_wait3A_104 = tpu.memref_slice %arg11[%dma_wait3A_102, %dma_wait3A_103] : memref<10112x128xf32, #tpu.memory_space<vmem_shared>> -> memref<10112x128xf32, #tpu.memory_space<vmem_shared>>
          tpu.wait_indirect_dma semaphore(%run_scoped3A : memref<!tpu.dma_semaphore, #tpu.memory_space<semaphore_mem>>) src(%arg9 : memref<128x128xf32, #tpu.memory_space<vmem>>) dst(%dma_wait3A_104 : memref<10112x128xf32, #tpu.memory_space<vmem_shared>>)
          tpu.yield
        }) : () -> ()
        %add3A_74 = arith.constant 2 : i32
        %add3A_75 = arith.addi %add3A_68, %add3A_74 : i32
        %lt3A = arith.constant 40 : i32
        %lt3A_76 = arith.cmpi slt, %add3A_75, %lt3A : i32
        %convert_element_type3A = arith.extui %lt3A_76 : i1 to i32
        %cond3A = arith.constant 0 : i32
        %cond3A_77 = arith.cmpi ne, %convert_element_type3A, %cond3A : i32
        scf.if %cond3A_77 {
          %add3A_93 = arith.constant 2 : i32
          %add3A_94 = arith.addi %add3A_68, %add3A_93 : i32
          %dma_start3A_95 = arith.constant 0 : i32
          %dma_start3A_96 = tpu.memref_slice %arg7[%add3A_94, %dma_start3A_95] : memref<40x128xi32, #tpu.memory_space<vmem>> -> memref<1x128xi32, #tpu.memory_space<vmem>>
          %dma_start3A_97 = tpu.memref_squeeze %dma_start3A_96 : memref<1x128xi32, #tpu.memory_space<vmem>> -> memref<128xi32, #tpu.memory_space<vmem>>
          %dma_start3A_98 = arith.constant 0 : i32
          %dma_start3A_99 = arith.constant 0 : i32
          %dma_start3A_100 = tpu.memref_slice %arg2[%dma_start3A_98, %dma_start3A_99] : memref<10000x128xf32, #tpu.memory_space<hbm>> -> memref<10000x128xf32, #tpu.memory_space<hbm>>
          tpu.enqueue_indirect_dma source(%dma_start3A_100 : memref<10000x128xf32, #tpu.memory_space<hbm>>) target(%arg9 : memref<128x128xf32, #tpu.memory_space<vmem>>) offsets(%dma_start3A_97 : memref<128xi32, #tpu.memory_space<vmem>>) semaphore(%arg12 : memref<!tpu.dma_semaphore, #tpu.memory_space<semaphore_mem>>)
        } else {
        }
        %dma_wait3A_78 = arith.constant 0 : i32
        %dma_wait3A_79 = arith.constant 0 : i32
        %dma_wait3A_80 = tpu.memref_slice %arg2[%dma_wait3A_78, %dma_wait3A_79] : memref<10000x128xf32, #tpu.memory_space<hbm>> -> memref<128x128xf32, #tpu.memory_space<hbm>>
        %dma_wait3A_81 = arith.constant 0 : i32
        %dma_wait3A_82 = arith.constant 0 : i32
        %dma_wait3A_83 = tpu.memref_slice %arg2[%dma_wait3A_81, %dma_wait3A_82] : memref<10000x128xf32, #tpu.memory_space<hbm>> -> memref<128x128xf32, #tpu.memory_space<hbm>>
        tpu.wait_dma2 semaphore(%arg13 : memref<!tpu.dma_semaphore, #tpu.memory_space<semaphore_mem>>) src(%dma_wait3A_83 : memref<128x128xf32, #tpu.memory_space<hbm>>) dst(%arg10 : memref<128x128xf32, #tpu.memory_space<vmem>>)
        %add3A_84 = arith.constant 1 : i32
        %add3A_85 = arith.addi %add3A_68, %add3A_84 : i32
        "tpu.region"() ({
          %run_scoped3A = tpu.sem_alloc : memref<!tpu.dma_semaphore, #tpu.memory_space<semaphore_mem>>
          %dma_start3A_93 = arith.constant 0 : i32
          %dma_start3A_94 = tpu.memref_slice %arg8[%add3A_85, %dma_start3A_93] : memref<40x128xi32, #tpu.memory_space<vmem>> -> memref<1x128xi32, #tpu.memory_space<vmem>>
          %dma_start3A_95 = tpu.memref_squeeze %dma_start3A_94 : memref<1x128xi32, #tpu.memory_space<vmem>> -> memref<128xi32, #tpu.memory_space<vmem>>
          %dma_start3A_96 = arith.constant 0 : i32
          %dma_start3A_97 = arith.constant 0 : i32
          %dma_start3A_98 = tpu.memref_slice %arg11[%dma_start3A_96, %dma_start3A_97] : memref<10112x128xf32, #tpu.memory_space<vmem_shared>> -> memref<10112x128xf32, #tpu.memory_space<vmem_shared>>
          tpu.enqueue_indirect_dma source(%arg10 : memref<128x128xf32, #tpu.memory_space<vmem>>) target(%dma_start3A_98 : memref<10112x128xf32, #tpu.memory_space<vmem_shared>>) offsets(%dma_start3A_95 : memref<128xi32, #tpu.memory_space<vmem>>) semaphore(%run_scoped3A : memref<!tpu.dma_semaphore, #tpu.memory_space<semaphore_mem>>) {add = true}
          %dma_wait3A_99 = arith.constant 0 : i32
          %dma_wait3A_100 = tpu.memref_slice %arg8[%add3A_85, %dma_wait3A_99] : memref<40x128xi32, #tpu.memory_space<vmem>> -> memref<1x128xi32, #tpu.memory_space<vmem>>
          %dma_wait3A_101 = tpu.memref_squeeze %dma_wait3A_100 : memref<1x128xi32, #tpu.memory_space<vmem>> -> memref<128xi32, #tpu.memory_space<vmem>>
          %dma_wait3A_102 = arith.constant 0 : i32
          %dma_wait3A_103 = arith.constant 0 : i32
          %dma_wait3A_104 = tpu.memref_slice %arg11[%dma_wait3A_102, %dma_wait3A_103] : memref<10112x128xf32, #tpu.memory_space<vmem_shared>> -> memref<10112x128xf32, #tpu.memory_space<vmem_shared>>
          tpu.wait_indirect_dma semaphore(%run_scoped3A : memref<!tpu.dma_semaphore, #tpu.memory_space<semaphore_mem>>) src(%arg10 : memref<128x128xf32, #tpu.memory_space<vmem>>) dst(%dma_wait3A_104 : memref<10112x128xf32, #tpu.memory_space<vmem_shared>>)
          tpu.yield
        }) : () -> ()
        %add3A_86 = arith.constant 3 : i32
        %add3A_87 = arith.addi %add3A_68, %add3A_86 : i32
        %lt3A_88 = arith.constant 40 : i32
        %lt3A_89 = arith.cmpi slt, %add3A_87, %lt3A_88 : i32
        %convert_element_type3A_90 = arith.extui %lt3A_89 : i1 to i32
        %cond3A_91 = arith.constant 0 : i32
        %cond3A_92 = arith.cmpi ne, %convert_element_type3A_90, %cond3A_91 : i32
        scf.if %cond3A_92 {
          %add3A_93 = arith.constant 3 : i32
          %add3A_94 = arith.addi %add3A_68, %add3A_93 : i32
          %dma_start3A_95 = arith.constant 0 : i32
          %dma_start3A_96 = tpu.memref_slice %arg7[%add3A_94, %dma_start3A_95] : memref<40x128xi32, #tpu.memory_space<vmem>> -> memref<1x128xi32, #tpu.memory_space<vmem>>
          %dma_start3A_97 = tpu.memref_squeeze %dma_start3A_96 : memref<1x128xi32, #tpu.memory_space<vmem>> -> memref<128xi32, #tpu.memory_space<vmem>>
          %dma_start3A_98 = arith.constant 0 : i32
          %dma_start3A_99 = arith.constant 0 : i32
          %dma_start3A_100 = tpu.memref_slice %arg2[%dma_start3A_98, %dma_start3A_99] : memref<10000x128xf32, #tpu.memory_space<hbm>> -> memref<10000x128xf32, #tpu.memory_space<hbm>>
          tpu.enqueue_indirect_dma source(%dma_start3A_100 : memref<10000x128xf32, #tpu.memory_space<hbm>>) target(%arg10 : memref<128x128xf32, #tpu.memory_space<vmem>>) offsets(%dma_start3A_97 : memref<128xi32, #tpu.memory_space<vmem>>) semaphore(%arg13 : memref<!tpu.dma_semaphore, #tpu.memory_space<semaphore_mem>>)
        } else {
        }
      }
      %scan3A_63 = arith.constant 20 : i32
    }
    %while3A_36 = arith.constant 1 : i32
    scf.for %while3A_38 = %while3A_34 to %while3A_30 step %while3A_36  : i32 {
      %mul3A_39 = arith.muli %while3A_38, %while3A : i32
      %add3A_40 = arith.addi %while3A_27, %mul3A_39 : i32
      %mul3A_41 = arith.constant 40 : i32
      %mul3A_42 = arith.muli %add3A_40, %mul3A_41 : i32
      %add3A_43 = arith.addi %select_n3A, %mul3A_42 : i32
      "tpu.region"() ({
        %run_scoped3A = tpu.sem_alloc : memref<!tpu.dma_semaphore, #tpu.memory_space<semaphore_mem>>
        %dma_start3A_64 = arith.constant 0 : i32
        %dma_start3A_65 = tpu.memref_slice %arg3[%add3A_43, %dma_start3A_64] : memref<2560x128xi32, #tpu.memory_space<hbm>> -> memref<40x128xi32, #tpu.memory_space<hbm>>
        %dma_start3A_66 = arith.constant 0 : i32
        %dma_start3A_67 = tpu.memref_slice %arg3[%add3A_43, %dma_start3A_66] : memref<2560x128xi32, #tpu.memory_space<hbm>> -> memref<40x128xi32, #tpu.memory_space<hbm>>
        tpu.enqueue_dma source(%dma_start3A_67 : memref<40x128xi32, #tpu.memory_space<hbm>>) target(%arg7 : memref<40x128xi32, #tpu.memory_space<vmem>>) target_semaphore(%run_scoped3A : memref<!tpu.dma_semaphore, #tpu.memory_space<semaphore_mem>>)
        %dma_wait3A = arith.constant 0 : i32
        %dma_wait3A_68 = tpu.memref_slice %arg3[%add3A_43, %dma_wait3A] : memref<2560x128xi32, #tpu.memory_space<hbm>> -> memref<40x128xi32, #tpu.memory_space<hbm>>
        %dma_wait3A_69 = arith.constant 0 : i32
        %dma_wait3A_70 = tpu.memref_slice %arg3[%add3A_43, %dma_wait3A_69] : memref<2560x128xi32, #tpu.memory_space<hbm>> -> memref<40x128xi32, #tpu.memory_space<hbm>>
        tpu.wait_dma2 semaphore(%run_scoped3A : memref<!tpu.dma_semaphore, #tpu.memory_space<semaphore_mem>>) src(%dma_wait3A_70 : memref<40x128xi32, #tpu.memory_space<hbm>>) dst(%arg7 : memref<40x128xi32, #tpu.memory_space<vmem>>)
        tpu.yield
      }) : () -> ()
      %mul3A_44 = arith.constant 40 : i32
      %mul3A_45 = arith.muli %add3A_40, %mul3A_44 : i32
      %add3A_46 = arith.addi %select_n3A, %mul3A_45 : i32
      "tpu.region"() ({
        %run_scoped3A = tpu.sem_alloc : memref<!tpu.dma_semaphore, #tpu.memory_space<semaphore_mem>>
        %dma_start3A_64 = arith.constant 0 : i32
        %dma_start3A_65 = tpu.memref_slice %arg4[%add3A_46, %dma_start3A_64] : memref<2560x128xi32, #tpu.memory_space<hbm>> -> memref<40x128xi32, #tpu.memory_space<hbm>>
        %dma_start3A_66 = arith.constant 0 : i32
        %dma_start3A_67 = tpu.memref_slice %arg4[%add3A_46, %dma_start3A_66] : memref<2560x128xi32, #tpu.memory_space<hbm>> -> memref<40x128xi32, #tpu.memory_space<hbm>>
        tpu.enqueue_dma source(%dma_start3A_67 : memref<40x128xi32, #tpu.memory_space<hbm>>) target(%arg8 : memref<40x128xi32, #tpu.memory_space<vmem>>) target_semaphore(%run_scoped3A : memref<!tpu.dma_semaphore, #tpu.memory_space<semaphore_mem>>)
        %dma_wait3A = arith.constant 0 : i32
        %dma_wait3A_68 = tpu.memref_slice %arg4[%add3A_46, %dma_wait3A] : memref<2560x128xi32, #tpu.memory_space<hbm>> -> memref<40x128xi32, #tpu.memory_space<hbm>>
        %dma_wait3A_69 = arith.constant 0 : i32
        %dma_wait3A_70 = tpu.memref_slice %arg4[%add3A_46, %dma_wait3A_69] : memref<2560x128xi32, #tpu.memory_space<hbm>> -> memref<40x128xi32, #tpu.memory_space<hbm>>
        tpu.wait_dma2 semaphore(%run_scoped3A : memref<!tpu.dma_semaphore, #tpu.memory_space<semaphore_mem>>) src(%dma_wait3A_70 : memref<40x128xi32, #tpu.memory_space<hbm>>) dst(%arg8 : memref<40x128xi32, #tpu.memory_space<vmem>>)
        tpu.yield
      }) : () -> ()
      %dma_start3A = arith.constant 0 : i32
      %dma_start3A_47 = arith.constant 0 : i32
      %dma_start3A_48 = tpu.memref_slice %arg7[%dma_start3A, %dma_start3A_47] : memref<40x128xi32, #tpu.memory_space<vmem>> -> memref<1x128xi32, #tpu.memory_space<vmem>>
      %dma_start3A_49 = tpu.memref_squeeze %dma_start3A_48 : memref<1x128xi32, #tpu.memory_space<vmem>> -> memref<128xi32, #tpu.memory_space<vmem>>
      %dma_start3A_50 = arith.constant 0 : i32
      %dma_start3A_51 = arith.constant 0 : i32
      %dma_start3A_52 = tpu.memref_slice %arg2[%dma_start3A_50, %dma_start3A_51] : memref<10000x128xf32, #tpu.memory_space<hbm>> -> memref<10000x128xf32, #tpu.memory_space<hbm>>
      tpu.enqueue_indirect_dma source(%dma_start3A_52 : memref<10000x128xf32, #tpu.memory_space<hbm>>) target(%arg9 : memref<128x128xf32, #tpu.memory_space<vmem>>) offsets(%dma_start3A_49 : memref<128xi32, #tpu.memory_space<vmem>>) semaphore(%arg12 : memref<!tpu.dma_semaphore, #tpu.memory_space<semaphore_mem>>)
      %dma_start3A_53 = arith.constant 1 : i32
      %dma_start3A_54 = arith.constant 0 : i32
      %dma_start3A_55 = tpu.memref_slice %arg7[%dma_start3A_53, %dma_start3A_54] : memref<40x128xi32, #tpu.memory_space<vmem>> -> memref<1x128xi32, #tpu.memory_space<vmem>>
      %dma_start3A_56 = tpu.memref_squeeze %dma_start3A_55 : memref<1x128xi32, #tpu.memory_space<vmem>> -> memref<128xi32, #tpu.memory_space<vmem>>
      %dma_start3A_57 = arith.constant 0 : i32
      %dma_start3A_58 = arith.constant 0 : i32
      %dma_start3A_59 = tpu.memref_slice %arg2[%dma_start3A_57, %dma_start3A_58] : memref<10000x128xf32, #tpu.memory_space<hbm>> -> memref<10000x128xf32, #tpu.memory_space<hbm>>
      tpu.enqueue_indirect_dma source(%dma_start3A_59 : memref<10000x128xf32, #tpu.memory_space<hbm>>) target(%arg10 : memref<128x128xf32, #tpu.memory_space<vmem>>) offsets(%dma_start3A_56 : memref<128xi32, #tpu.memory_space<vmem>>) semaphore(%arg13 : memref<!tpu.dma_semaphore, #tpu.memory_space<semaphore_mem>>)
      %scan3A = arith.constant 0 : i32
      %scan3A_60 = arith.constant 20 : i32
      %scan3A_61 = arith.addi %scan3A, %scan3A_60 : i32
      %scan3A_62 = arith.constant 1 : i32
      scf.for %scan3A_64 = %scan3A to %scan3A_61 step %scan3A_62  : i32 {
        %mul3A_65 = arith.constant 2 : i32
        %mul3A_66 = arith.muli %scan3A_64, %mul3A_65 : i32
        %add3A_67 = arith.constant 0 : i32
        %add3A_68 = arith.addi %add3A_67, %mul3A_66 : i32
        %dma_wait3A = arith.constant 0 : i32
        %dma_wait3A_69 = arith.constant 0 : i32
        %dma_wait3A_70 = tpu.memref_slice %arg2[%dma_wait3A, %dma_wait3A_69] : memref<10000x128xf32, #tpu.memory_space<hbm>> -> memref<128x128xf32, #tpu.memory_space<hbm>>
        %dma_wait3A_71 = arith.constant 0 : i32
        %dma_wait3A_72 = arith.constant 0 : i32
        %dma_wait3A_73 = tpu.memref_slice %arg2[%dma_wait3A_71, %dma_wait3A_72] : memref<10000x128xf32, #tpu.memory_space<hbm>> -> memref<128x128xf32, #tpu.memory_space<hbm>>
        tpu.wait_dma2 semaphore(%arg12 : memref<!tpu.dma_semaphore, #tpu.memory_space<semaphore_mem>>) src(%dma_wait3A_73 : memref<128x128xf32, #tpu.memory_space<hbm>>) dst(%arg9 : memref<128x128xf32, #tpu.memory_space<vmem>>)
        "tpu.region"() ({
          %run_scoped3A = tpu.sem_alloc : memref<!tpu.dma_semaphore, #tpu.memory_space<semaphore_mem>>
          %dma_start3A_93 = arith.constant 0 : i32
          %dma_start3A_94 = tpu.memref_slice %arg8[%add3A_68, %dma_start3A_93] : memref<40x128xi32, #tpu.memory_space<vmem>> -> memref<1x128xi32, #tpu.memory_space<vmem>>
          %dma_start3A_95 = tpu.memref_squeeze %dma_start3A_94 : memref<1x128xi32, #tpu.memory_space<vmem>> -> memref<128xi32, #tpu.memory_space<vmem>>
          %dma_start3A_96 = arith.constant 0 : i32
          %dma_start3A_97 = arith.constant 0 : i32
          %dma_start3A_98 = tpu.memref_slice %arg11[%dma_start3A_96, %dma_start3A_97] : memref<10112x128xf32, #tpu.memory_space<vmem_shared>> -> memref<10112x128xf32, #tpu.memory_space<vmem_shared>>
          tpu.enqueue_indirect_dma source(%arg9 : memref<128x128xf32, #tpu.memory_space<vmem>>) target(%dma_start3A_98 : memref<10112x128xf32, #tpu.memory_space<vmem_shared>>) offsets(%dma_start3A_95 : memref<128xi32, #tpu.memory_space<vmem>>) semaphore(%run_scoped3A : memref<!tpu.dma_semaphore, #tpu.memory_space<semaphore_mem>>) {add = true}
          %dma_wait3A_99 = arith.constant 0 : i32
          %dma_wait3A_100 = tpu.memref_slice %arg8[%add3A_68, %dma_wait3A_99] : memref<40x128xi32, #tpu.memory_space<vmem>> -> memref<1x128xi32, #tpu.memory_space<vmem>>
          %dma_wait3A_101 = tpu.memref_squeeze %dma_wait3A_100 : memref<1x128xi32, #tpu.memory_space<vmem>> -> memref<128xi32, #tpu.memory_space<vmem>>
          %dma_wait3A_102 = arith.constant 0 : i32
          %dma_wait3A_103 = arith.constant 0 : i32
          %dma_wait3A_104 = tpu.memref_slice %arg11[%dma_wait3A_102, %dma_wait3A_103] : memref<10112x128xf32, #tpu.memory_space<vmem_shared>> -> memref<10112x128xf32, #tpu.memory_space<vmem_shared>>
          tpu.wait_indirect_dma semaphore(%run_scoped3A : memref<!tpu.dma_semaphore, #tpu.memory_space<semaphore_mem>>) src(%arg9 : memref<128x128xf32, #tpu.memory_space<vmem>>) dst(%dma_wait3A_104 : memref<10112x128xf32, #tpu.memory_space<vmem_shared>>)
          tpu.yield
        }) : () -> ()
        %add3A_74 = arith.constant 2 : i32
        %add3A_75 = arith.addi %add3A_68, %add3A_74 : i32
        %lt3A = arith.constant 40 : i32
        %lt3A_76 = arith.cmpi slt, %add3A_75, %lt3A : i32
        %convert_element_type3A = arith.extui %lt3A_76 : i1 to i32
        %cond3A = arith.constant 0 : i32
        %cond3A_77 = arith.cmpi ne, %convert_element_type3A, %cond3A : i32
        scf.if %cond3A_77 {
          %add3A_93 = arith.constant 2 : i32
          %add3A_94 = arith.addi %add3A_68, %add3A_93 : i32
          %dma_start3A_95 = arith.constant 0 : i32
          %dma_start3A_96 = tpu.memref_slice %arg7[%add3A_94, %dma_start3A_95] : memref<40x128xi32, #tpu.memory_space<vmem>> -> memref<1x128xi32, #tpu.memory_space<vmem>>
          %dma_start3A_97 = tpu.memref_squeeze %dma_start3A_96 : memref<1x128xi32, #tpu.memory_space<vmem>> -> memref<128xi32, #tpu.memory_space<vmem>>
          %dma_start3A_98 = arith.constant 0 : i32
          %dma_start3A_99 = arith.constant 0 : i32
          %dma_start3A_100 = tpu.memref_slice %arg2[%dma_start3A_98, %dma_start3A_99] : memref<10000x128xf32, #tpu.memory_space<hbm>> -> memref<10000x128xf32, #tpu.memory_space<hbm>>
          tpu.enqueue_indirect_dma source(%dma_start3A_100 : memref<10000x128xf32, #tpu.memory_space<hbm>>) target(%arg9 : memref<128x128xf32, #tpu.memory_space<vmem>>) offsets(%dma_start3A_97 : memref<128xi32, #tpu.memory_space<vmem>>) semaphore(%arg12 : memref<!tpu.dma_semaphore, #tpu.memory_space<semaphore_mem>>)
        } else {
        }
        %dma_wait3A_78 = arith.constant 0 : i32
        %dma_wait3A_79 = arith.constant 0 : i32
        %dma_wait3A_80 = tpu.memref_slice %arg2[%dma_wait3A_78, %dma_wait3A_79] : memref<10000x128xf32, #tpu.memory_space<hbm>> -> memref<128x128xf32, #tpu.memory_space<hbm>>
        %dma_wait3A_81 = arith.constant 0 : i32
        %dma_wait3A_82 = arith.constant 0 : i32
        %dma_wait3A_83 = tpu.memref_slice %arg2[%dma_wait3A_81, %dma_wait3A_82] : memref<10000x128xf32, #tpu.memory_space<hbm>> -> memref<128x128xf32, #tpu.memory_space<hbm>>
        tpu.wait_dma2 semaphore(%arg13 : memref<!tpu.dma_semaphore, #tpu.memory_space<semaphore_mem>>) src(%dma_wait3A_83 : memref<128x128xf32, #tpu.memory_space<hbm>>) dst(%arg10 : memref<128x128xf32, #tpu.memory_space<vmem>>)
        %add3A_84 = arith.constant 1 : i32
        %add3A_85 = arith.addi %add3A_68, %add3A_84 : i32
        "tpu.region"() ({
          %run_scoped3A = tpu.sem_alloc : memref<!tpu.dma_semaphore, #tpu.memory_space<semaphore_mem>>
          %dma_start3A_93 = arith.constant 0 : i32
          %dma_start3A_94 = tpu.memref_slice %arg8[%add3A_85, %dma_start3A_93] : memref<40x128xi32, #tpu.memory_space<vmem>> -> memref<1x128xi32, #tpu.memory_space<vmem>>
          %dma_start3A_95 = tpu.memref_squeeze %dma_start3A_94 : memref<1x128xi32, #tpu.memory_space<vmem>> -> memref<128xi32, #tpu.memory_space<vmem>>
          %dma_start3A_96 = arith.constant 0 : i32
          %dma_start3A_97 = arith.constant 0 : i32
          %dma_start3A_98 = tpu.memref_slice %arg11[%dma_start3A_96, %dma_start3A_97] : memref<10112x128xf32, #tpu.memory_space<vmem_shared>> -> memref<10112x128xf32, #tpu.memory_space<vmem_shared>>
          tpu.enqueue_indirect_dma source(%arg10 : memref<128x128xf32, #tpu.memory_space<vmem>>) target(%dma_start3A_98 : memref<10112x128xf32, #tpu.memory_space<vmem_shared>>) offsets(%dma_start3A_95 : memref<128xi32, #tpu.memory_space<vmem>>) semaphore(%run_scoped3A : memref<!tpu.dma_semaphore, #tpu.memory_space<semaphore_mem>>) {add = true}
          %dma_wait3A_99 = arith.constant 0 : i32
          %dma_wait3A_100 = tpu.memref_slice %arg8[%add3A_85, %dma_wait3A_99] : memref<40x128xi32, #tpu.memory_space<vmem>> -> memref<1x128xi32, #tpu.memory_space<vmem>>
          %dma_wait3A_101 = tpu.memref_squeeze %dma_wait3A_100 : memref<1x128xi32, #tpu.memory_space<vmem>> -> memref<128xi32, #tpu.memory_space<vmem>>
          %dma_wait3A_102 = arith.constant 0 : i32
          %dma_wait3A_103 = arith.constant 0 : i32
          %dma_wait3A_104 = tpu.memref_slice %arg11[%dma_wait3A_102, %dma_wait3A_103] : memref<10112x128xf32, #tpu.memory_space<vmem_shared>> -> memref<10112x128xf32, #tpu.memory_space<vmem_shared>>
          tpu.wait_indirect_dma semaphore(%run_scoped3A : memref<!tpu.dma_semaphore, #tpu.memory_space<semaphore_mem>>) src(%arg10 : memref<128x128xf32, #tpu.memory_space<vmem>>) dst(%dma_wait3A_104 : memref<10112x128xf32, #tpu.memory_space<vmem_shared>>)
          tpu.yield
        }) : () -> ()
        %add3A_86 = arith.constant 3 : i32
        %add3A_87 = arith.addi %add3A_68, %add3A_86 : i32
        %lt3A_88 = arith.constant 40 : i32
        %lt3A_89 = arith.cmpi slt, %add3A_87, %lt3A_88 : i32
        %convert_element_type3A_90 = arith.extui %lt3A_89 : i1 to i32
        %cond3A_91 = arith.constant 0 : i32
        %cond3A_92 = arith.cmpi ne, %convert_element_type3A_90, %cond3A_91 : i32
        scf.if %cond3A_92 {
          %add3A_93 = arith.constant 3 : i32
          %add3A_94 = arith.addi %add3A_68, %add3A_93 : i32
          %dma_start3A_95 = arith.constant 0 : i32
          %dma_start3A_96 = tpu.memref_slice %arg7[%add3A_94, %dma_start3A_95] : memref<40x128xi32, #tpu.memory_space<vmem>> -> memref<1x128xi32, #tpu.memory_space<vmem>>
          %dma_start3A_97 = tpu.memref_squeeze %dma_start3A_96 : memref<1x128xi32, #tpu.memory_space<vmem>> -> memref<128xi32, #tpu.memory_space<vmem>>
          %dma_start3A_98 = arith.constant 0 : i32
          %dma_start3A_99 = arith.constant 0 : i32
          %dma_start3A_100 = tpu.memref_slice %arg2[%dma_start3A_98, %dma_start3A_99] : memref<10000x128xf32, #tpu.memory_space<hbm>> -> memref<10000x128xf32, #tpu.memory_space<hbm>>
          tpu.enqueue_indirect_dma source(%dma_start3A_100 : memref<10000x128xf32, #tpu.memory_space<hbm>>) target(%arg10 : memref<128x128xf32, #tpu.memory_space<vmem>>) offsets(%dma_start3A_97 : memref<128xi32, #tpu.memory_space<vmem>>) semaphore(%arg13 : memref<!tpu.dma_semaphore, #tpu.memory_space<semaphore_mem>>)
        } else {
        }
      }
      %scan3A_63 = arith.constant 20 : i32
    }
    %barrier3A_37 = arith.constant 0 : index
    tpu.barrier barrier_id(%barrier3A_37)
    "tpu.region"() ({
      %run_scoped3A = tpu.sem_alloc : memref<!tpu.dma_semaphore, #tpu.memory_space<semaphore_mem>>
      %dma_start3A = arith.constant 0 : i32
      %dma_start3A_38 = arith.constant 0 : i32
      %dma_start3A_39 = tpu.memref_slice %arg6[%arg0, %dma_start3A, %dma_start3A_38] : memref<2x10112x128xf32, #tpu.memory_space<hbm>> -> memref<1x10112x128xf32, #tpu.memory_space<hbm>>
      %dma_start3A_40 = tpu.memref_squeeze %dma_start3A_39 : memref<1x10112x128xf32, #tpu.memory_space<hbm>> -> memref<10112x128xf32, #tpu.memory_space<hbm>>
      %dma_start3A_41 = arith.constant 0 : i32
      %dma_start3A_42 = tpu.memref_slice %dma_start3A_40[%mul3A_0, %dma_start3A_41] : memref<10112x128xf32, #tpu.memory_space<hbm>> -> memref<632x128xf32, #tpu.memory_space<hbm>>
      %dma_start3A_43 = arith.constant 0 : i32
      %dma_start3A_44 = tpu.memref_slice %arg11[%mul3A_0, %dma_start3A_43] : memref<10112x128xf32, #tpu.memory_space<vmem_shared>> -> memref<632x128xf32, #tpu.memory_space<vmem_shared>>
      tpu.enqueue_dma source(%dma_start3A_44 : memref<632x128xf32, #tpu.memory_space<vmem_shared>>) target(%dma_start3A_42 : memref<632x128xf32, #tpu.memory_space<hbm>>) target_semaphore(%run_scoped3A : memref<!tpu.dma_semaphore, #tpu.memory_space<semaphore_mem>>)
      %dma_wait3A = arith.constant 0 : i32
      %dma_wait3A_45 = arith.constant 0 : i32
      %dma_wait3A_46 = tpu.memref_slice %arg6[%arg0, %dma_wait3A, %dma_wait3A_45] : memref<2x10112x128xf32, #tpu.memory_space<hbm>> -> memref<1x10112x128xf32, #tpu.memory_space<hbm>>
      %dma_wait3A_47 = tpu.memref_squeeze %dma_wait3A_46 : memref<1x10112x128xf32, #tpu.memory_space<hbm>> -> memref<10112x128xf32, #tpu.memory_space<hbm>>
      %dma_wait3A_48 = arith.constant 0 : i32
      %dma_wait3A_49 = tpu.memref_slice %dma_wait3A_47[%mul3A_0, %dma_wait3A_48] : memref<10112x128xf32, #tpu.memory_space<hbm>> -> memref<632x128xf32, #tpu.memory_space<hbm>>
      %dma_wait3A_50 = arith.constant 0 : i32
      %dma_wait3A_51 = tpu.memref_slice %arg11[%mul3A_0, %dma_wait3A_50] : memref<10112x128xf32, #tpu.memory_space<vmem_shared>> -> memref<632x128xf32, #tpu.memory_space<vmem_shared>>
      tpu.wait_dma2 semaphore(%run_scoped3A : memref<!tpu.dma_semaphore, #tpu.memory_space<semaphore_mem>>) src(%dma_wait3A_51 : memref<632x128xf32, #tpu.memory_space<vmem_shared>>) dst(%dma_wait3A_49 : memref<632x128xf32, #tpu.memory_space<hbm>>)
      tpu.yield
    }) : () -> ()
    return
  }
}

module attributes {stable_mosaic.version = 14 : i64} {
  func.func @_tc_pre_body(%arg0: i32, %arg1: memref<1000x128xf32, #tpu.memory_space<vmem>>, %arg2: memref<128x128xf32, #tpu.memory_space<vmem>>, %arg3: memref<2x1000x16xf32, #tpu.memory_space<vmem>>, %arg4: memref<1000x128xf32, #tpu.memory_space<vmem>>) attributes {dimension_semantics = [#tpu.dimension_semantics<arbitrary>], iteration_bounds = array<i64: 10>, scalar_prefetch = 0 : i64, scratch_operands = 0 : i64, tpu.core_type = #tpu.core_type<tc>, window_params = [{transform_indices = @transform_0, window_bounds = array<i64: 1000, 128>}, {pipeline_mode = #tpu.pipeline_mode<synchronous>, transform_indices = @transform_1, window_bounds = array<i64: 128, 128>}, {transform_indices = @transform_2, window_bounds = array<i64: 2, 1000, 16>}, {transform_indices = @transform_3, window_bounds = array<i64: 1000, 128>}]} {
    %get3A = arith.constant 0 : index
    %get3A_0 = arith.constant 0 : index
    %get3A_1 = arith.constant 0 : index
    %get3A_2 = vector.load %arg3[%get3A, %get3A_0, %get3A_1] : memref<2x1000x16xf32, #tpu.memory_space<vmem>>, vector<2x1000x16xf32>
    %slice3A = vector.extract_strided_slice %get3A_2 {offsets = [0, 0, 0], sizes = [1, 1000, 1], strides = [1, 1, 1]} : vector<2x1000x16xf32> to vector<1x1000x1xf32>
    %squeeze3A = vector.shape_cast %slice3A : vector<1x1000x1xf32> to vector<1000x1xf32>
    %slice3A_3 = vector.extract_strided_slice %get3A_2 {offsets = [1, 0, 0], sizes = [1, 1000, 1], strides = [1, 1, 1]} : vector<2x1000x16xf32> to vector<1x1000x1xf32>
    %squeeze3A_4 = vector.shape_cast %slice3A_3 : vector<1x1000x1xf32> to vector<1000x1xf32>
    %add3A = arith.addf %squeeze3A, %squeeze3A_4 : vector<1000x1xf32>
    %add3A_5 = arith.constant 1.000000e+00 : f32
    %add3A_6 = vector.broadcast %add3A_5 : f32 to vector<1000x1xf32>
    %add3A_7 = arith.addf %add3A, %add3A_6 : vector<1000x1xf32>
    %rsqrt3A = math.rsqrt %add3A_7 : vector<1000x1xf32>
    %get3A_8 = arith.constant 0 : index
    %get3A_9 = arith.constant 0 : index
    %get3A_10 = vector.load %arg1[%get3A_8, %get3A_9] : memref<1000x128xf32, #tpu.memory_space<vmem>>, vector<1000x128xf32>
    %get3A_11 = arith.constant 0 : index
    %get3A_12 = arith.constant 0 : index
    %get3A_13 = vector.load %arg2[%get3A_11, %get3A_12] : memref<128x128xf32, #tpu.memory_space<vmem>>, vector<128x128xf32>
    %dot_general3A = arith.constant dense<0.000000e+00> : vector<1000x128xf32>
    %dot_general3A_14 = tpu.matmul %get3A_10, %get3A_13, %dot_general3A {dimension_numbers = #tpu.dot_dimension_numbers<[1], [0], [0], [1], [0, 0, 1, 1], [], []>, precision = #tpu.contract_precision<fp32>, transpose_lhs_hint = false} : vector<1000x128xf32>, vector<128x128xf32>, vector<1000x128xf32> -> vector<1000x128xf32>
    %mul3A = vector.broadcast %rsqrt3A : vector<1000x1xf32> to vector<1000x128xf32>
    %mul3A_15 = arith.mulf %dot_general3A_14, %mul3A : vector<1000x128xf32>
    %swap3A = arith.constant 0 : index
    %swap3A_16 = arith.constant 0 : index
    %swap3A_17 = vector.load %arg4[%swap3A, %swap3A_16] : memref<1000x128xf32, #tpu.memory_space<vmem>>, vector<1000x128xf32>
    tpu.vector_store %arg4[%swap3A, %swap3A_16], %mul3A_15 {strides = array<i32>} : memref<1000x128xf32, #tpu.memory_space<vmem>>, vector<1000x128xf32>,
    return
  }
  func.func @transform_0(%arg0: i32) -> (i32, i32) {
    %c0_i32 = arith.constant 0 : i32
    %c0_i32_0 = arith.constant 0 : i32
    return %arg0, %c0_i32 : i32, i32
  }
  func.func @transform_1(%arg0: i32) -> (i32, i32) {
    %c0_i32 = arith.constant 0 : i32
    %c0_i32_0 = arith.constant 0 : i32
    %c0_i32_1 = arith.constant 0 : i32
    return %c0_i32, %c0_i32_0 : i32, i32
  }
  func.func @transform_2(%arg0: i32) -> (i32, i32, i32) {
    %c0_i32 = arith.constant 0 : i32
    %c0_i32_0 = arith.constant 0 : i32
    %c0_i32_1 = arith.constant 0 : i32
    return %c0_i32, %arg0, %c0_i32_0 : i32, i32, i32
  }
  func.func @transform_3(%arg0: i32) -> (i32, i32) {
    %c0_i32 = arith.constant 0 : i32
    %c0_i32_0 = arith.constant 0 : i32
    return %arg0, %c0_i32 : i32, i32
  }
}

module attributes {stable_mosaic.version = 14 : i64} {
  func.func @_tc_mid_body(%arg0: i32, %arg1: memref<2x1000x128xf32, #tpu.memory_space<vmem>>, %arg2: memref<1000x128xf32, #tpu.memory_space<vmem>>, %arg3: memref<2x1000x16xf32, #tpu.memory_space<vmem>>, %arg4: memref<1x128xf32, #tpu.memory_space<vmem>>, %arg5: memref<128x128xf32, #tpu.memory_space<vmem>>, %arg6: memref<1000x128xf32, #tpu.memory_space<vmem>>) attributes {dimension_semantics = [#tpu.dimension_semantics<arbitrary>], iteration_bounds = array<i64: 10>, scalar_prefetch = 0 : i64, scratch_operands = 0 : i64, tpu.core_type = #tpu.core_type<tc>, window_params = [{transform_indices = @transform_0, window_bounds = array<i64: 2, 1000, 128>}, {transform_indices = @transform_1, window_bounds = array<i64: 1000, 128>}, {transform_indices = @transform_2, window_bounds = array<i64: 2, 1000, 16>}, {pipeline_mode = #tpu.pipeline_mode<synchronous>, transform_indices = @transform_3, window_bounds = array<i64: 1, 128>}, {pipeline_mode = #tpu.pipeline_mode<synchronous>, transform_indices = @transform_4, window_bounds = array<i64: 128, 128>}, {transform_indices = @transform_5, window_bounds = array<i64: 1000, 128>}]} {
    %get3A = arith.constant 0 : index
    %get3A_0 = arith.constant 0 : index
    %get3A_1 = arith.constant 0 : index
    %get3A_2 = vector.load %arg3[%get3A, %get3A_0, %get3A_1] : memref<2x1000x16xf32, #tpu.memory_space<vmem>>, vector<2x1000x16xf32>
    %slice3A = vector.extract_strided_slice %get3A_2 {offsets = [0, 0, 0], sizes = [1, 1000, 1], strides = [1, 1, 1]} : vector<2x1000x16xf32> to vector<1x1000x1xf32>
    %squeeze3A = vector.shape_cast %slice3A : vector<1x1000x1xf32> to vector<1000x1xf32>
    %slice3A_3 = vector.extract_strided_slice %get3A_2 {offsets = [1, 0, 0], sizes = [1, 1000, 1], strides = [1, 1, 1]} : vector<2x1000x16xf32> to vector<1x1000x1xf32>
    %squeeze3A_4 = vector.shape_cast %slice3A_3 : vector<1x1000x1xf32> to vector<1000x1xf32>
    %add3A = arith.addf %squeeze3A, %squeeze3A_4 : vector<1000x1xf32>
    %add3A_5 = arith.constant 1.000000e+00 : f32
    %add3A_6 = vector.broadcast %add3A_5 : f32 to vector<1000x1xf32>
    %add3A_7 = arith.addf %add3A, %add3A_6 : vector<1000x1xf32>
    %rsqrt3A = math.rsqrt %add3A_7 : vector<1000x1xf32>
    %get3A_8 = arith.constant 0 : index
    %get3A_9 = arith.constant 0 : index
    %get3A_10 = arith.constant 0 : index
    %get3A_11 = vector.load %arg1[%get3A_8, %get3A_9, %get3A_10] : memref<2x1000x128xf32, #tpu.memory_space<vmem>>, vector<1x1000x128xf32>
    %get3A_12 = vector.shape_cast %get3A_11 : vector<1x1000x128xf32> to vector<1000x128xf32>
    %get3A_13 = arith.constant 1 : index
    %get3A_14 = arith.constant 0 : index
    %get3A_15 = arith.constant 0 : index
    %get3A_16 = vector.load %arg1[%get3A_13, %get3A_14, %get3A_15] : memref<2x1000x128xf32, #tpu.memory_space<vmem>>, vector<1x1000x128xf32>
    %get3A_17 = vector.shape_cast %get3A_16 : vector<1x1000x128xf32> to vector<1000x128xf32>
    %add3A_18 = arith.addf %get3A_12, %get3A_17 : vector<1000x128xf32>
    %get3A_19 = arith.constant 0 : index
    %get3A_20 = arith.constant 0 : index
    %get3A_21 = vector.load %arg2[%get3A_19, %get3A_20] : memref<1000x128xf32, #tpu.memory_space<vmem>>, vector<1000x128xf32>
    %add3A_22 = arith.addf %add3A_18, %get3A_21 : vector<1000x128xf32>
    %mul3A = vector.broadcast %rsqrt3A : vector<1000x1xf32> to vector<1000x128xf32>
    %mul3A_23 = arith.mulf %add3A_22, %mul3A : vector<1000x128xf32>
    %get3A_24 = arith.constant 0 : index
    %get3A_25 = arith.constant 0 : index
    %get3A_26 = vector.load %arg4[%get3A_24, %get3A_25] : memref<1x128xf32, #tpu.memory_space<vmem>>, vector<1x128xf32>
    %add3A_27 = vector.broadcast %get3A_26 : vector<1x128xf32> to vector<1000x128xf32>
    %add3A_28 = arith.addf %mul3A_23, %add3A_27 : vector<1000x128xf32>
    %max3A = arith.constant 0.000000e+00 : f32
    %max3A_29 = vector.broadcast %max3A : f32 to vector<1000x128xf32>
    %max3A_30 = arith.maximumf %add3A_28, %max3A_29 : vector<1000x128xf32>
    %get3A_31 = arith.constant 0 : index
    %get3A_32 = arith.constant 0 : index
    %get3A_33 = vector.load %arg5[%get3A_31, %get3A_32] : memref<128x128xf32, #tpu.memory_space<vmem>>, vector<128x128xf32>
    %dot_general3A = arith.constant dense<0.000000e+00> : vector<1000x128xf32>
    %dot_general3A_34 = tpu.matmul %max3A_30, %get3A_33, %dot_general3A {dimension_numbers = #tpu.dot_dimension_numbers<[1], [0], [0], [1], [0, 0, 1, 1], [], []>, precision = #tpu.contract_precision<fp32>, transpose_lhs_hint = false} : vector<1000x128xf32>, vector<128x128xf32>, vector<1000x128xf32> -> vector<1000x128xf32>
    %mul3A_35 = vector.broadcast %rsqrt3A : vector<1000x1xf32> to vector<1000x128xf32>
    %mul3A_36 = arith.mulf %dot_general3A_34, %mul3A_35 : vector<1000x128xf32>
    %swap3A = arith.constant 0 : index
    %swap3A_37 = arith.constant 0 : index
    %swap3A_38 = vector.load %arg6[%swap3A, %swap3A_37] : memref<1000x128xf32, #tpu.memory_space<vmem>>, vector<1000x128xf32>
    tpu.vector_store %arg6[%swap3A, %swap3A_37], %mul3A_36 {strides = array<i32>} : memref<1000x128xf32, #tpu.memory_space<vmem>>, vector<1000x128xf32>,
    return
  }
  func.func @transform_0(%arg0: i32) -> (i32, i32, i32) {
    %c0_i32 = arith.constant 0 : i32
    %c0_i32_0 = arith.constant 0 : i32
    %c0_i32_1 = arith.constant 0 : i32
    return %c0_i32, %arg0, %c0_i32_0 : i32, i32, i32
  }
  func.func @transform_1(%arg0: i32) -> (i32, i32) {
    %c0_i32 = arith.constant 0 : i32
    %c0_i32_0 = arith.constant 0 : i32
    return %arg0, %c0_i32 : i32, i32
  }
  func.func @transform_2(%arg0: i32) -> (i32, i32, i32) {
    %c0_i32 = arith.constant 0 : i32
    %c0_i32_0 = arith.constant 0 : i32
    %c0_i32_1 = arith.constant 0 : i32
    return %c0_i32, %arg0, %c0_i32_0 : i32, i32, i32
  }
  func.func @transform_3(%arg0: i32) -> (i32, i32) {
    %c0_i32 = arith.constant 0 : i32
    %c0_i32_0 = arith.constant 0 : i32
    %c0_i32_1 = arith.constant 0 : i32
    return %c0_i32, %c0_i32_0 : i32, i32
  }
  func.func @transform_4(%arg0: i32) -> (i32, i32) {
    %c0_i32 = arith.constant 0 : i32
    %c0_i32_0 = arith.constant 0 : i32
    %c0_i32_1 = arith.constant 0 : i32
    return %c0_i32, %c0_i32_0 : i32, i32
  }
  func.func @transform_5(%arg0: i32) -> (i32, i32) {
    %c0_i32 = arith.constant 0 : i32
    %c0_i32_0 = arith.constant 0 : i32
    return %arg0, %c0_i32 : i32, i32
  }
}

module attributes {stable_mosaic.version = 14 : i64} {
  func.func @_tc_final_body(%arg0: i32, %arg1: memref<2x1000x128xf32, #tpu.memory_space<vmem>>, %arg2: memref<1000x128xf32, #tpu.memory_space<vmem>>, %arg3: memref<2x1000x16xf32, #tpu.memory_space<vmem>>, %arg4: memref<1x128xf32, #tpu.memory_space<vmem>>, %arg5: memref<1x1x1000xi32, #tpu.memory_space<vmem>>, %arg6: memref<128x128xf32, #tpu.memory_space<vmem>>, %arg7: memref<1x128xf32, #tpu.memory_space<vmem>>, %arg8: memref<64x128xf32, #tpu.memory_space<vmem>>, %arg9: memref<64x128xf32, #tpu.memory_space<vmem>>, %arg10: memref<64x128xf32, #tpu.memory_space<vmem>>) attributes {dimension_semantics = [#tpu.dimension_semantics<arbitrary>], iteration_bounds = array<i64: 10>, scalar_prefetch = 0 : i64, scratch_operands = 2 : i64, tpu.core_type = #tpu.core_type<tc>, window_params = [{transform_indices = @transform_0, window_bounds = array<i64: 2, 1000, 128>}, {transform_indices = @transform_1, window_bounds = array<i64: 1000, 128>}, {transform_indices = @transform_2, window_bounds = array<i64: 2, 1000, 16>}, {pipeline_mode = #tpu.pipeline_mode<synchronous>, transform_indices = @transform_3, window_bounds = array<i64: 1, 128>}, {transform_indices = @transform_4, window_bounds = array<i64: 1, 1, 1000>}, {pipeline_mode = #tpu.pipeline_mode<synchronous>, transform_indices = @transform_5, window_bounds = array<i64: 128, 128>}, {pipeline_mode = #tpu.pipeline_mode<synchronous>, transform_indices = @transform_6, window_bounds = array<i64: 1, 128>}, {pipeline_mode = #tpu.pipeline_mode<synchronous>, transform_indices = @transform_7, window_bounds = array<i64: 64, 128>}]} {
    %eq3A = arith.constant 0 : i32
    %eq3A_0 = arith.cmpi eq, %arg0, %eq3A : i32
    %convert_element_type3A = arith.extui %eq3A_0 : i1 to i32
    %cond3A = arith.constant 0 : i32
    %cond3A_1 = arith.cmpi ne, %convert_element_type3A, %cond3A : i32
    scf.if %cond3A_1 {
      %broadcast_in_dim3A_65 = arith.constant 0.000000e+00 : f32
      %broadcast_in_dim3A_66 = vector.broadcast %broadcast_in_dim3A_65 : f32 to vector<64x128xf32>
      %swap3A_67 = arith.constant 0 : index
      %swap3A_68 = arith.constant 0 : index
      %swap3A_69 = vector.load %arg9[%swap3A_67, %swap3A_68] : memref<64x128xf32, #tpu.memory_space<vmem>>, vector<64x128xf32>
      tpu.vector_store %arg9[%swap3A_67, %swap3A_68], %broadcast_in_dim3A_66 {strides = array<i32>} : memref<64x128xf32, #tpu.memory_space<vmem>>, vector<64x128xf32>,
      %broadcast_in_dim3A_70 = arith.constant 0.000000e+00 : f32
      %broadcast_in_dim3A_71 = vector.broadcast %broadcast_in_dim3A_70 : f32 to vector<64x128xf32>
      %swap3A_72 = arith.constant 0 : index
      %swap3A_73 = arith.constant 0 : index
      %swap3A_74 = vector.load %arg10[%swap3A_72, %swap3A_73] : memref<64x128xf32, #tpu.memory_space<vmem>>, vector<64x128xf32>
      tpu.vector_store %arg10[%swap3A_72, %swap3A_73], %broadcast_in_dim3A_71 {strides = array<i32>} : memref<64x128xf32, #tpu.memory_space<vmem>>, vector<64x128xf32>,
    } else {
    }
    %get3A = arith.constant 0 : index
    %get3A_2 = arith.constant 0 : index
    %get3A_3 = arith.constant 0 : index
    %get3A_4 = vector.load %arg3[%get3A, %get3A_2, %get3A_3] : memref<2x1000x16xf32, #tpu.memory_space<vmem>>, vector<2x1000x16xf32>
    %slice3A = vector.extract_strided_slice %get3A_4 {offsets = [0, 0, 0], sizes = [1, 1000, 1], strides = [1, 1, 1]} : vector<2x1000x16xf32> to vector<1x1000x1xf32>
    %squeeze3A = vector.shape_cast %slice3A : vector<1x1000x1xf32> to vector<1000x1xf32>
    %slice3A_5 = vector.extract_strided_slice %get3A_4 {offsets = [1, 0, 0], sizes = [1, 1000, 1], strides = [1, 1, 1]} : vector<2x1000x16xf32> to vector<1x1000x1xf32>
    %squeeze3A_6 = vector.shape_cast %slice3A_5 : vector<1x1000x1xf32> to vector<1000x1xf32>
    %add3A = arith.addf %squeeze3A, %squeeze3A_6 : vector<1000x1xf32>
    %add3A_7 = arith.constant 1.000000e+00 : f32
    %add3A_8 = vector.broadcast %add3A_7 : f32 to vector<1000x1xf32>
    %add3A_9 = arith.addf %add3A, %add3A_8 : vector<1000x1xf32>
    %rsqrt3A = math.rsqrt %add3A_9 : vector<1000x1xf32>
    %get3A_10 = arith.constant 0 : index
    %get3A_11 = arith.constant 0 : index
    %get3A_12 = arith.constant 0 : index
    %get3A_13 = vector.load %arg1[%get3A_10, %get3A_11, %get3A_12] : memref<2x1000x128xf32, #tpu.memory_space<vmem>>, vector<1x1000x128xf32>
    %get3A_14 = vector.shape_cast %get3A_13 : vector<1x1000x128xf32> to vector<1000x128xf32>
    %get3A_15 = arith.constant 1 : index
    %get3A_16 = arith.constant 0 : index
    %get3A_17 = arith.constant 0 : index
    %get3A_18 = vector.load %arg1[%get3A_15, %get3A_16, %get3A_17] : memref<2x1000x128xf32, #tpu.memory_space<vmem>>, vector<1x1000x128xf32>
    %get3A_19 = vector.shape_cast %get3A_18 : vector<1x1000x128xf32> to vector<1000x128xf32>
    %add3A_20 = arith.addf %get3A_14, %get3A_19 : vector<1000x128xf32>
    %get3A_21 = arith.constant 0 : index
    %get3A_22 = arith.constant 0 : index
    %get3A_23 = vector.load %arg2[%get3A_21, %get3A_22] : memref<1000x128xf32, #tpu.memory_space<vmem>>, vector<1000x128xf32>
    %add3A_24 = arith.addf %add3A_20, %get3A_23 : vector<1000x128xf32>
    %mul3A = vector.broadcast %rsqrt3A : vector<1000x1xf32> to vector<1000x128xf32>
    %mul3A_25 = arith.mulf %add3A_24, %mul3A : vector<1000x128xf32>
    %get3A_26 = arith.constant 0 : index
    %get3A_27 = arith.constant 0 : index
    %get3A_28 = vector.load %arg4[%get3A_26, %get3A_27] : memref<1x128xf32, #tpu.memory_space<vmem>>, vector<1x128xf32>
    %add3A_29 = vector.broadcast %get3A_28 : vector<1x128xf32> to vector<1000x128xf32>
    %add3A_30 = arith.addf %mul3A_25, %add3A_29 : vector<1000x128xf32>
    %max3A = arith.constant 0.000000e+00 : f32
    %max3A_31 = vector.broadcast %max3A : f32 to vector<1000x128xf32>
    %max3A_32 = arith.maximumf %add3A_30, %max3A_31 : vector<1000x128xf32>
    %get3A_33 = arith.constant 0 : index
    %get3A_34 = arith.constant 0 : index
    %get3A_35 = arith.constant 0 : index
    %get3A_36 = vector.load %arg5[%get3A_33, %get3A_34, %get3A_35] : memref<1x1x1000xi32, #tpu.memory_space<vmem>>, vector<1x1x1000xi32>
    %get3A_37 = vector.shape_cast %get3A_36 : vector<1x1x1000xi32> to vector<1000xi32>
    %iota3A = tpu.iota {dimensions = array<i32: 0>} : vector<64x1000xi32>
    %broadcast_in_dim3A = vector.shape_cast %get3A_37 : vector<1000xi32> to vector<1x1000xi32>
    %eq3A_38 = vector.broadcast %broadcast_in_dim3A : vector<1x1000xi32> to vector<64x1000xi32>
    %eq3A_39 = arith.cmpi eq, %iota3A, %eq3A_38 : vector<64x1000xi32>
    %convert_element_type3A_40 = arith.extui %eq3A_39 : vector<64x1000xi1> to vector<64x1000xi32>
    %convert_element_type3A_41 = arith.sitofp %convert_element_type3A_40 : vector<64x1000xi32> to vector<64x1000xf32>
    %get3A_42 = arith.constant 0 : index
    %get3A_43 = arith.constant 0 : index
    %get3A_44 = vector.load %arg9[%get3A_42, %get3A_43] : memref<64x128xf32, #tpu.memory_space<vmem>>, vector<64x128xf32>
    %dot_general3A = arith.constant dense<0.000000e+00> : vector<64x128xf32>
    %dot_general3A_45 = tpu.matmul %convert_element_type3A_41, %max3A_32, %dot_general3A {dimension_numbers = #tpu.dot_dimension_numbers<[1], [0], [0], [1], [0, 0, 1, 1], [], []>, precision = #tpu.contract_precision<fp32>, transpose_lhs_hint = false} : vector<64x1000xf32>, vector<1000x128xf32>, vector<64x128xf32> -> vector<64x128xf32>
    %add3A_46 = arith.addf %get3A_44, %dot_general3A_45 : vector<64x128xf32>
    %swap3A = arith.constant 0 : index
    %swap3A_47 = arith.constant 0 : index
    %swap3A_48 = vector.load %arg9[%swap3A, %swap3A_47] : memref<64x128xf32, #tpu.memory_space<vmem>>, vector<64x128xf32>
    tpu.vector_store %arg9[%swap3A, %swap3A_47], %add3A_46 {strides = array<i32>} : memref<64x128xf32, #tpu.memory_space<vmem>>, vector<64x128xf32>,
    %get3A_49 = arith.constant 0 : index
    %get3A_50 = arith.constant 0 : index
    %get3A_51 = vector.load %arg10[%get3A_49, %get3A_50] : memref<64x128xf32, #tpu.memory_space<vmem>>, vector<64x128xf32>
    %reduce_sum3A = arith.constant dense<0.000000e+00> : vector<64xf32>
    %reduce_sum3A_52 = vector.multi_reduction <add>, %convert_element_type3A_41, %reduce_sum3A [1] : vector<64x1000xf32> to vector<64xf32>
    %broadcast_in_dim3A_53 = vector.shape_cast %reduce_sum3A_52 : vector<64xf32> to vector<64x1xf32>
    %broadcast_in_dim3A_54 = vector.shape_cast %broadcast_in_dim3A_53 : vector<64x1xf32> to vector<64x1xf32>
    %broadcast_in_dim3A_55 = vector.broadcast %broadcast_in_dim3A_54 : vector<64x1xf32> to vector<64x128xf32>
    %add3A_56 = arith.addf %get3A_51, %broadcast_in_dim3A_55 : vector<64x128xf32>
    %swap3A_57 = arith.constant 0 : index
    %swap3A_58 = arith.constant 0 : index
    %swap3A_59 = vector.load %arg10[%swap3A_57, %swap3A_58] : memref<64x128xf32, #tpu.memory_space<vmem>>, vector<64x128xf32>
    tpu.vector_store %arg10[%swap3A_57, %swap3A_58], %add3A_56 {strides = array<i32>} : memref<64x128xf32, #tpu.memory_space<vmem>>, vector<64x128xf32>,
    %eq3A_60 = arith.constant 9 : i32
    %eq3A_61 = arith.cmpi eq, %arg0, %eq3A_60 : i32
    %convert_element_type3A_62 = arith.extui %eq3A_61 : i1 to i32
    %cond3A_63 = arith.constant 0 : i32
    %cond3A_64 = arith.cmpi ne, %convert_element_type3A_62, %cond3A_63 : i32
    scf.if %cond3A_64 {
      %get3A_65 = arith.constant 0 : index
      %get3A_66 = arith.constant 0 : index
      %get3A_67 = vector.load %arg9[%get3A_65, %get3A_66] : memref<64x128xf32, #tpu.memory_space<vmem>>, vector<64x128xf32>
      %get3A_68 = arith.constant 0 : index
      %get3A_69 = arith.constant 0 : index
      %get3A_70 = vector.load %arg10[%get3A_68, %get3A_69] : memref<64x128xf32, #tpu.memory_space<vmem>>, vector<64x128xf32>
      %max3A_71 = arith.constant 1.000000e+00 : f32
      %max3A_72 = vector.broadcast %max3A_71 : f32 to vector<64x128xf32>
      %max3A_73 = arith.maximumf %get3A_70, %max3A_72 : vector<64x128xf32>
      %div3A = arith.divf %get3A_67, %max3A_73 : vector<64x128xf32>
      %get3A_74 = arith.constant 0 : index
      %get3A_75 = arith.constant 0 : index
      %get3A_76 = vector.load %arg6[%get3A_74, %get3A_75] : memref<128x128xf32, #tpu.memory_space<vmem>>, vector<128x128xf32>
      %dot_general3A_77 = arith.constant dense<0.000000e+00> : vector<64x128xf32>
      %dot_general3A_78 = tpu.matmul %div3A, %get3A_76, %dot_general3A_77 {dimension_numbers = #tpu.dot_dimension_numbers<[1], [0], [0], [1], [0, 0, 1, 1], [], []>, precision = #tpu.contract_precision<fp32>, transpose_lhs_hint = false} : vector<64x128xf32>, vector<128x128xf32>, vector<64x128xf32> -> vector<64x128xf32>
      %get3A_79 = arith.constant 0 : index
      %get3A_80 = arith.constant 0 : index
      %get3A_81 = vector.load %arg7[%get3A_79, %get3A_80] : memref<1x128xf32, #tpu.memory_space<vmem>>, vector<1x128xf32>
      %add3A_82 = vector.broadcast %get3A_81 : vector<1x128xf32> to vector<64x128xf32>
      %add3A_83 = arith.addf %dot_general3A_78, %add3A_82 : vector<64x128xf32>
      %reduce_max3A = arith.constant dense<0xFF800000> : vector<64xf32>
      %reduce_max3A_84 = vector.multi_reduction <maximumf>, %add3A_83, %reduce_max3A [1] : vector<64x128xf32> to vector<64xf32>
      %broadcast_in_dim3A_85 = vector.shape_cast %reduce_max3A_84 : vector<64xf32> to vector<64x1xf32>
      %sub3A = vector.broadcast %broadcast_in_dim3A_85 : vector<64x1xf32> to vector<64x128xf32>
      %sub3A_86 = arith.subf %add3A_83, %sub3A : vector<64x128xf32>
      %exp3A = math.exp %sub3A_86 : vector<64x128xf32>
      %reduce_sum3A_87 = arith.constant dense<0.000000e+00> : vector<64xf32>
      %reduce_sum3A_88 = vector.multi_reduction <add>, %exp3A, %reduce_sum3A_87 [1] : vector<64x128xf32> to vector<64xf32>
      %broadcast_in_dim3A_89 = vector.shape_cast %reduce_sum3A_88 : vector<64xf32> to vector<64x1xf32>
      %log3A = math.log %broadcast_in_dim3A_89 : vector<64x1xf32>
      %add3A_90 = arith.addf %log3A, %broadcast_in_dim3A_85 : vector<64x1xf32>
      %sub3A_91 = vector.broadcast %add3A_90 : vector<64x1xf32> to vector<64x128xf32>
      %sub3A_92 = arith.subf %add3A_83, %sub3A_91 : vector<64x128xf32>
      %swap3A_93 = arith.constant 0 : index
      %swap3A_94 = arith.constant 0 : index
      %swap3A_95 = vector.load %arg8[%swap3A_93, %swap3A_94] : memref<64x128xf32, #tpu.memory_space<vmem>>, vector<64x128xf32>
      tpu.vector_store %arg8[%swap3A_93, %swap3A_94], %sub3A_92 {strides = array<i32>} : memref<64x128xf32, #tpu.memory_space<vmem>>, vector<64x128xf32>,
    } else {
    }
    return
  }
  func.func @transform_0(%arg0: i32) -> (i32, i32, i32) {
    %c0_i32 = arith.constant 0 : i32
    %c0_i32_0 = arith.constant 0 : i32
    %c0_i32_1 = arith.constant 0 : i32
    return %c0_i32, %arg0, %c0_i32_0 : i32, i32, i32
  }
  func.func @transform_1(%arg0: i32) -> (i32, i32) {
    %c0_i32 = arith.constant 0 : i32
    %c0_i32_0 = arith.constant 0 : i32
    return %arg0, %c0_i32 : i32, i32
  }
  func.func @transform_2(%arg0: i32) -> (i32, i32, i32) {
    %c0_i32 = arith.constant 0 : i32
    %c0_i32_0 = arith.constant 0 : i32
    %c0_i32_1 = arith.constant 0 : i32
    return %c0_i32, %arg0, %c0_i32_0 : i32, i32, i32
  }
  func.func @transform_3(%arg0: i32) -> (i32, i32) {
    %c0_i32 = arith.constant 0 : i32
    %c0_i32_0 = arith.constant 0 : i32
    %c0_i32_1 = arith.constant 0 : i32
    return %c0_i32, %c0_i32_0 : i32, i32
  }
  func.func @transform_4(%arg0: i32) -> (i32, i32, i32) {
    %c0_i32 = arith.constant 0 : i32
    %c0_i32_0 = arith.constant 0 : i32
    %c0_i32_1 = arith.constant 0 : i32
    return %arg0, %c0_i32, %c0_i32_0 : i32, i32, i32
  }
  func.func @transform_5(%arg0: i32) -> (i32, i32) {
    %c0_i32 = arith.constant 0 : i32
    %c0_i32_0 = arith.constant 0 : i32
    %c0_i32_1 = arith.constant 0 : i32
    return %c0_i32, %c0_i32_0 : i32, i32
  }
  func.func @transform_6(%arg0: i32) -> (i32, i32) {
    %c0_i32 = arith.constant 0 : i32
    %c0_i32_0 = arith.constant 0 : i32
    %c0_i32_1 = arith.constant 0 : i32
    return %c0_i32, %c0_i32_0 : i32, i32
  }
  func.func @transform_7(%arg0: i32) -> (i32, i32) {
    %c0_i32 = arith.constant 0 : i32
    %c0_i32_0 = arith.constant 0 : i32
    %c0_i32_1 = arith.constant 0 : i32
    return %c0_i32, %c0_i32_0 : i32, i32
  }
}

</mosaic_0001>

<sc_bundles>
// kernel: kernel.10.cloned.1.call-start
scs
__scs_entry_jumppad:
0x0: {  	(pc) =	sbr.rel $0x88, $3  }
0x1: {  	(tag) =	ssettag $0x0;
	lr =	simm.s32 $0x1  }
0x2: {  	[smem:$0x3F96] =	sst lr;
	_ =	strace $0xD0000000  }
0x3: {  	_ = 	snop  }
0x4: {  	_ = 	snop  }
0x5: {  	_ = 	snop  }
0x6: {  	_ = 	snop  }
0x7: {  	_ = 	snop  }
__scs_overlays_trampoline_lowered:
0x8: {  	[smem:$0x3FA5] =	sst s0  }
0x9: {  	[smem:$0x3FA6] =	sst s1  }
0xa: {  	[smem:$0x3FA7] =	sst s2  }
0xb: {  	[smem:$0x3FA8] =	sst s3  }
0xc: {  	[smem:$0x3FA9] =	sst s4  }
0xd: {  	[smem:$0x3FAA] =	sst s5  }
0xe: {  	[smem:$0x3FAB] =	sst s6  }
0xf: {  	[smem:$0x3FAC] =	sst s7  }
0x10: {  	[smem:$0x3FAD] =	sst s8  }
0x11: {  	[smem:$0x3FAE] =	sst s9;
	s0 =	simm.s32 @!p0 $0x0  }
0x12: {  	s1 =	sld [smem:$0x3F94];
	s0 =	simm.s32 @p0 $0x1  }
0x13: {  	[smem:$0x3FAF] =	sst s0;
	s0 =	simm.s32 @!p1 $0x0  }
0x14: {  	s2 =	sld [smem:$0x3F93];
	s0 =	simm.s32 @p1 $0x1  }
0x15: {  	[smem:$0x3FB0] =	sst s0;
	s0 =	simm.s32 @!p2 $0x0  }
0x16: {  	s3 =	sld [smem:$0x3FDB];
	s0 =	simm.s32 @p2 $0x1  }
0x17: {  	s4 =	simm.s32 $0x1BF5;
	[smem:$0x3FB2] =	sst s0  }
0x18: {  	s0 =	sld [smem:$0x3F95];
	_ =	swait.ge [sflag:s4], $0x0  }
0x19: {  	s7 =	sld [smem:$0x3F96]  }
0x1a: {  	s8 =	sadd.s32 $0xFFFFE003, lr  }
0x1b: {  	s9 =	sadd.s32 $0xFFFFFEF7, lr;
	s5 =	simm.s32 $0xFFFFFFFF;
	p2 =	slt.u32 s8, $0xFFFFF086  }
0x1c: {  	p1 =	slt.u32 s9, $0xF7A;
	s5 =	simm.s32 @!p2 $0x0  }
0x1d: {  	s5 =	simm.s32 @p1 $0x1;
	p0 =	seq.s32 s7, s2  }
0x1e: {  	s7 =	smul.u32 @!p0 $0xF7A, s2;
	p2 =	seq.s32 @!p0 s5, $0x0  }
0x1f: {  	s9 =	smul.u32 $0xF7A, s1;
	s8 =	simm.s32 @!p0 $0x1BF5;
	p2 =	por !p2, p0  }
0x20: {  	[sflag:s8] =	ssyncset.s32 @!p0 $0xFFFFF086;
	s6 =	sadd.s32 @!p0 s3, s7;
	s7 =	simm.s32 @!p0 $0x108  }
0x21: {  	s3 =	sadd.s32 s3, s9;
	s6 =	sadd.s32 @!p0 $0x88, s6;
	s7 =	simm.s32 @p2 $0x1082  }
0x22: {  	[simem:s7], [sflag:s8] =	dma.local @!p0 [hbm:s6], $0xF7A  }
0x23: {  	s9 =	sor.u32 $0xD0000000, s2;
	s6 =	simm.s32 $0x108;
	_ =	swait.ge @!p0 [sflag:s8], $0x0  }
0x24: {  	s3 =	sadd.s32 $0x88, s3;
	s6 =	simm.s32 @!p1 $0x1082;
	[sflag:s4] =	ssyncset.s32 $0xFFFFF086  }
0x25: {  	[simem:s6], [sflag:s4] =	dma.local [hbm:s3], $0xF7A  }
0x26: {  	[smem:$0x3F96] =	sst s1;
	(tag) =	ssettag s2;
	_ =	strace s9  }
0x27: {  	s1 =	sld [smem:$0x3FA6]  }
0x28: {  	s2 =	sld [smem:$0x3FA7]  }
0x29: {  	s4 =	sld [smem:$0x3FA9]  }
0x2a: {  	p0 =	seq.s32 s5, $0x0;
	s5 =	sld [smem:$0x3FAA]  }
0x2b: {  	s6 =	sld [smem:$0x3FAB]  }
0x2c: {  	s7 =	sld [smem:$0x3FAC]  }
0x2d: {  	s3 =	simm.s32 $0x108;
	s8 =	sld [smem:$0x3FAD]  }
0x2e: {  	s3 =	simm.s32 @!p0 $0x1082;
	s9 =	sld [smem:$0x3FAE]  }
0x2f: {  	lr =	sadd.s32 s0, s3;
	s0 =	sld [smem:$0x3FA5]  }
0x30: {  	s3 =	sld [smem:$0x3FA8]  }
0x31: {  	[smem:$0x3FB1] =	sst s10  }
0x32: {  	s10 =	sld [smem:$0x3FAF];
	_ =	sdelay $0x3  }
0x33: {  	p0 =	seq.s32 s10, $0x1;
	s10 =	sld [smem:$0x3FB1];
	_ =	sdelay $0x3  }
0x34: {  	[smem:$0x3FB1] =	sst s10  }
0x35: {  	s10 =	sld [smem:$0x3FB0];
	_ =	sdelay $0x3  }
0x36: {  	p1 =	seq.s32 s10, $0x1;
	s10 =	sld [smem:$0x3FB1];
	_ =	sdelay $0x3  }
0x37: {  	[smem:$0x3FB1] =	sst s10  }
0x38: {  	s10 =	sld [smem:$0x3FB2]  }
0x39: {  	_ = 	snop;
	(pc) =	sbr.ind lr, $3  }
0x3a: {  	_ = 	snop  }
0x3b: {  	_ = 	snop  }
0x3c: {  	p2 =	seq.s32 s10, $0x1;
	s10 =	sld [smem:$0x3FB1]  }
0x3d: {  	_ =	shalt  }
0x3e: {  	_ =	shalt  }
0x3f: {  	_ =	shalt  }
0x40: {  	_ =	shalt  }
0x41: {  	_ =	shalt  }
0x42: {  	_ =	shalt  }
0x43: {  	_ =	shalt  }
0x44: {  	_ =	shalt  }
0x45: {  	_ =	shalt  }
0x46: {  	_ =	shalt  }
0x47: {  	_ =	shalt  }
0x48: {  	_ =	shalt  }
0x49: {  	_ =	shalt  }
0x4a: {  	_ =	shalt  }
0x4b: {  	_ =	shalt  }
0x4c: {  	_ =	shalt  }
0x4d: {  	_ =	shalt  }
0x4e: {  	_ =	shalt  }
0x4f: {  	_ =	shalt  }
0x50: {  	_ =	shalt  }
0x51: {  	_ =	shalt  }
0x52: {  	_ =	shalt  }
0x53: {  	_ =	shalt  }
0x54: {  	_ =	shalt  }
0x55: {  	_ =	shalt  }
0x56: {  	_ =	shalt  }
0x57: {  	_ =	shalt  }
0x58: {  	_ =	shalt  }
0x59: {  	_ =	shalt  }
0x5a: {  	_ =	shalt  }
0x5b: {  	_ =	shalt  }
0x5c: {  	_ =	shalt  }
0x5d: {  	_ =	shalt  }
0x5e: {  	_ =	shalt  }
0x5f: {  	_ =	shalt  }
0x60: {  	_ =	shalt  }
0x61: {  	_ =	shalt  }
0x62: {  	_ =	shalt  }
0x63: {  	_ =	shalt  }
0x64: {  	_ =	shalt  }
0x65: {  	_ =	shalt  }
0x66: {  	_ =	shalt  }
0x67: {  	_ =	shalt  }
0x68: {  	_ =	shalt  }
0x69: {  	_ =	shalt  }
0x6a: {  	_ =	shalt  }
0x6b: {  	_ =	shalt  }
0x6c: {  	_ =	shalt  }
0x6d: {  	_ =	shalt  }
0x6e: {  	_ =	shalt  }
0x6f: {  	_ =	shalt  }
0x70: {  	_ =	shalt  }
0x71: {  	_ =	shalt  }
0x72: {  	_ =	shalt  }
0x73: {  	_ =	shalt  }
0x74: {  	_ =	shalt  }
0x75: {  	_ =	shalt  }
0x76: {  	_ =	shalt  }
0x77: {  	_ =	shalt  }
0x78: {  	_ =	shalt  }
0x79: {  	_ =	shalt  }
0x7a: {  	_ =	shalt  }
0x7b: {  	_ =	shalt  }
0x7c: {  	_ =	shalt  }
0x7d: {  	_ =	shalt  }
0x7e: {  	_ =	shalt  }
0x7f: {  	_ =	shalt  }
0x80: {  	_ =	shalt  }
0x81: {  	_ =	shalt  }
0x82: {  	_ =	shalt  }
0x83: {  	_ =	shalt  }
0x84: {  	_ =	shalt  }
0x85: {  	_ =	shalt  }
0x86: {  	_ =	shalt  }
0x87: {  	_ =	shalt  }
.Lfunc_end0:
.L_simem_size_0:
called_computation_lowered:
.L_overlay_start_0:
0x88: {  	s2 =	sld [smem:$0x3FD9]  }
0x89: {  	s3 =	sld [smem:$0x3FFE];
	_ =	sdelay $0x1  }
0x8a: {  	s1 =	srdreg.scid  }
0x8b: {  	s0 =	sand.u32 $0x1, s1  }
0x8c: {  	s17 =	sshll.u32 s0, $0xA;
	s2 =	sadd.s32 s3, s2  }
0x8d: {  	s2 =	sadd.s32 s2, s17  }
0x8e: {  	[smem:$0x3FBD] =	sst s2  }
0x8f: {  	_ = 	snop  }
0x90: {  	s2 =	sld [smem:$0x3FD0];
	(tm) =	ssettm $0x1  }
0x91: {  	s18 =	sld [smem:$0x3FFB];
	_ =	sdelay $0x3  }
0x92: {  	_ =	strace s18  }
0x93: {  	s3 =	sld [smem:$0x3FFC];
	_ =	sdelay $0x3  }
0x94: {  	_ =	strace s3  }
0x95: {  	s3 =	sld [smem:$0x3FFD];
	_ =	sdelay $0x3  }
0x96: {  	_ =	strace s3  }
0x97: {  	_ =	strace $0x8FFFFFFF  }
0x98: {  	s19 =	sld [smem:$0x3FDB];
	_ =	sdelay $0x1  }
0x99: {  	s4 =	simm.s32 $_scs_section_size  }
0x9a: {  	s5 =	simm.s32 $_size__tile_overlayer_lowered;
	s6 =	simm.s32 $_tile_overlayer_lowered  }
0x9b: {  	s22 =	simm.s32 $0x1BFF;
	s21 =	sshll.u32 s6, $0x1;
	s3 =	sadd.s32 s4, s19  }
0x9c: {  	s7 =	simm.s32 $0x0;
	s20 =	sshll.u32 s5, $0x1;
	s5 =	sadd.s32 s21, s3  }
0x9d: {  	[timem:s7], [sflag:s22] =	dma.local [hbm:s5], s20  }
0x9e: {  	_ =	swait.ge [sflag:s22], s20  }
0x9f: {  	s4 =	ssub.s32 $0x0, s20;
	[sflag:s22] =	ssyncset.done $0x0  }
0xa0: {  	[sflag:s22] =	ssyncadd.s32 s4;
	_ =	sdelay $0x1  }
0xa1: {  	s23 =	simm.s32 $0x1B8B  }
0xa2: {  	_ =	swait.ge [sflag:s23], $0x1  }
0xa3: {  	[sflag:s23] =	ssyncset.done $0x0  }
0xa4: {  	s25 =	simm.s32 $0x1B8E;
	s24 =	sld [smem:$0x3FFE];
	[sflag:s23] =	ssyncadd.s32 $0xFFFFFFFF  }
0xa5: {  	s26 =	simm.s32 $execute0_lowered;
	[smem:$0x3FD2] =	sst s25  }
0xa6: {  	s5 =	sshll.u32 s26, $0x1;
	_ =	strace $0x80000046;
	[dreg:$0x1] =	wrdreg $0xFFFFFFFF  }
0xa7: {  	s28 =	simm.s32 $_size_execute0_lowered;
	s3 =	sadd.s32 s3, s5;
	[dreg:$0x0] =	wrdreg $0x0  }
0xa8: {  	s5 =	sshll.u32 s28, $0x1;
	[dreg:$0x2] =	wrdreg s3  }
0xa9: {  	[dreg:$0x3] =	wrdreg s5  }
0xaa: {  	[dreg:$0x4] =	wrdreg $0xC0  }
0xab: {  	_ =	task [dreg:s7], $0x5FFFF  }
0xac: {  	[dreg:$0x1] =	wrdreg $0xFFFFFFFF  }
0xad: {  	[dreg:$0x0] =	wrdreg $0x60  }
0xae: {  	[dreg:$0x2] =	wrdreg s24  }
0xaf: {  	[dreg:$0x3] =	wrdreg s2  }
0xb0: {  	[dreg:$0x4] =	wrdreg $0x30000  }
0xb1: {  	[dreg:$0x5] =	wrdreg $0x9  }
0xb2: {  	_ =	task.clear_ibuf [dreg:s7], $0x6FFFF;
	_ =	strace $0x90000046  }
0xb3: {  	s29 =	simm.s32 $0x9;
	_ =	strace $0x80000048  }
0xb4: {  	_ =	swait.ge [sflag:s29], $0x1  }
0xb5: {  	[sflag:s29] =	ssyncadd.s32 $0xFFFFFFFF  }
0xb6: {  	_ =	strace $0x90000048  }
0xb7: {  	_ =	sfence  }
0xb8: {  	s30 =	sld [smem:$0x0];
	_ =	sdelay $0x2  }
0xb9: {  	s31 =	sshll.u32 s1, $0xD;
	s1 =	sshrl.u32 s1, $0x2  }
0xba: {  	s3 =	sand.u32 $0x4000, s31;
	s1 =	sadd.s32 s1, s30  }
0xbb: {  	s0 =	sor.u32 s3, s0;
	s1 =	sshll.u32 s1, $0x11  }
0xbc: {  	s0 =	sor.u32 s1, s0  }
0xbd: {  	s0 =	sadd.s32 $0x8F2B, s0  }
0xbe: {  	[sflag:s0] =	ssyncadd.remote.s32 $0x1  }
0xbf: {  	_ =	sfence.sel $0xFFFF  }
0xc0: {  	[dreg:$0x0] =	wrdreg $0xFFFFFFFF;
	(pc) =	sbr.abs _section_cstart, $3  }
0xc1: {  	[dreg:$0x1] =	wrdreg $0xFFFFFFFF  }
0xc2: {  	_ =	task.clear_ibuf [dreg:s7], $0x2FFFF;
	_ =	strace $0x9FFFFFFF  }
0xc3: {  	(tm) =	ssettm $0x7FFFFFFF  }
tec
execute0_lowered:
.L_overlay_start_1:
0x0: {  	(tag) =	ssettag $0x1  }
0x1: {  	s6 =	rddreg [dreg:$0x0]  }
0x2: {  	s0 =	srdreg.scid;
	s2 =	rddreg [dreg:$0x1]  }
0x3: {  	s3 =	rddreg [dreg:$0x2];
	s4 =	simm.s32 $0x0;
	s13 =	simm.s32 $0x80  }
0x4: {  	s7 =	sand.u32 $0x1, s0;
	s0 =	stileid.u32;
	[smem:$0x7FF] =	sst s4  }
0x5: {  	s1 =	sshll.u32 s7, $0x4;
	s9 =	smul.u32 $0x4F00, s7;
	s7 =	ssub.s32 $0x2, s7  }
0x6: {  	s10 =	smul.u32 $0x2780, s0;
	s15 =	sshll.u32 s0, $0x6;
	s5 =	sor.u32 s0, s1  }
0x7: {  	s1 =	rddreg [dreg:$0x3];
	_ =	strace $0x80000047;
	s31 =	sshrl.u32 s7, $0x1  }
0x8: {  	s5 =	smul.u32 $0x500, s5;
	s9 =	sadd.s32 s9, s6;
	s11 =	ssub.s32 s7, s31  }
0x9: {  	s12 =	sadd.s32 s10, s3;
	s16 =	sshrl.u32 s10, $0x3;
	s10 =	simm.s32 $0x1  }
0xa: {  	s14 =	sadd.s32 $0xE200, s9;
	s9 =	sshrl.u32 s12, $0x3;
	s12 =	simm.s32 $0x2800  }
0xb: {  	s8 =	sadd.s32 s5, s6;
	s5 =	sadd.s32 $0xDC00, s6;
	s6 =	sor.u32 $0x1C01, s15  }
0xc: {  	s14 =	sadd.s32 s16, s14;
	s15 =	sor.u32 $0x1C02, s15;
	s16 =	simm.s32 $0x0  }
0xd: {  	s7 =	sadd.s32 $0x3C00, s8;
	s8 =	smax.u32 s11, $0x1;
	s11 =	simm.s32 $0x2  }
.LBB2_1:
0xe: {  	[spmem:s9], [sflag:s6] =	dma.local [hbm:s5], $0x4F0  }
0xf: {  	_ =	swait.ge [sflag:s10], $0x4F0  }
0x10: {  	[sflag:s10] =	ssyncset.done $0x0  }
0x11: {  	[sflag:s10] =	ssyncadd.s32 $0xFFFFFB10  }
0x12: {  	[tilespmem:s4], [sflag:$0x2] =	stream.linear.gather [hbm4b:s7+s4], $0x2800, $0x38;
	[tilespmem:$0x5780] =	vst v63  }
0x13: {  	_ =	swait.ge [sflag:s11], $0x2800  }
0x14: {  	[sflag:s11] =	ssyncset.done $0x0  }
0x15: {  	[sflag:s11] =	ssyncadd.s32 $0xFFFFD800  }
0x16: {  	[tilespmem:s12], [sflag:$0x2] =	stream.linear.gather [hbm4b:s2+s4], $0x800, $0x38;
	[tilespmem:$0x5780] =	vst v63  }
0x17: {  	_ =	swait.ge [sflag:s11], $0x800  }
0x18: {  	[sflag:s11] =	ssyncset.done $0x0  }
0x19: {  	[sflag:s11] =	ssyncadd.s32 $0xFFFFF800  }
0x1a: {  	s17 =	simm.s32 $0x0;
	[bflag:$0x0] =	sbarrier.arrive $0xFFFF  }
0x1b: {  	[spmem:s3] =	stream.indirect.scatter.add.f32 [tilespmem:s12], [sflag:$0x2], $0x10, s17, s13, $0xb8;
	[tilespmem:$0x5780] =	vst v63  }
0x1c: {  	_ =	swait.ge [sflag:s11], $0x800  }
0x1d: {  	s17 =	simm.s32 $0x200;
	[sflag:s11] =	ssyncset.done $0x0  }
.LBB2_2:
0x1e: {  	s18 =	sshra.s32 s17, $0x2;
	[sflag:s11] =	ssyncadd.s32 $0xFFFFF800;
	p0 =	sne.s32 s17, $0x9E00  }
0x1f: {  	[spmem:s3] =	stream.indirect.scatter.add.f32 [tilespmem:s12], [sflag:$0x2], $0x10, s18, s13, $0xb8;
	[tilespmem:$0x5780] =	vst v63  }
.Ltmp0:
0x20: {  	_ = 	snop;
	(pc) =	sbr.rel @p0 .LBB2_2-.Ltmp0, $4  }
0x21: {  	_ = 	snop  }
0x22: {  	s17 =	sadd.s32 $0x200, s17  }
0x23: {  	_ =	swait.ge [sflag:s11], $0x800  }
0x24: {  	[sflag:s11] =	ssyncset.done $0x0  }
0x25: {  	s16 =	sadd.s32 $0x1, s16  }
0x26: {  	[sflag:s11] =	ssyncadd.s32 $0xFFFFF800;
	p0 =	sne.s32 s16, s8  }
.Ltmp1:
0x27: {  	[bflag:$0x0] =	sbarrier.arrive $0xFFFF;
	(pc) =	sbr.rel @p0 .LBB2_1-.Ltmp1, $4  }
0x28: {  	[hbm:s14], [sflag:s15] =	dma.local [spmem:s9], $0x4F0  }
0x29: {  	_ =	swait.ge [sflag:s11], $0x4F0  }
0x2a: {  	[sflag:s11] =	ssyncset.done $0x0  }
0x2b: {  	[sflag:s11] =	ssyncadd.s32 $0xFFFFFB10  }
0x2c: {  	_ =	sfence.sel $0x180000  }
0x2d: {  	[bflag:$0x0] =	sbarrier.arrive $0xFFFF  }
0x2e: {  	p0 =	sne.s32 s0, $0x0;
	_ =	strace $0x90000047  }
0x2f: {  	s0 =	sadd.s32 @!p0 $0x100000, s1;
	[bflag:$0x2] =	sbarrier.arrive $0xFFFF  }
0x30: {  	[sflag:s0] =	ssyncadd.tile.s32 @!p0 $0x1;
	_ =	shalt  }
.Lfunc_end2:
_tile_overlayer_lowered:
.L_overlay_start_2:
0x31: {  	(tag) =	ssettag $0x2  }
0x32: {  	s0 =	rddreg [dreg:$0x0];
	s2 =	stileid.u32  }
0x33: {  	s1 =	rddreg [dreg:$0x1];
	p0 =	sne.s32 s2, $0x0  }
0x34: {  	s3 =	rddreg [dreg:$0x2];
	[bflag:$0x3] =	sbarrier.arrive $0xFFFF;
	s2 =	simm.s32 @!p0 $0x1C02  }
0x35: {  	[timem:s3], [sflag:s2] =	dma.local @!p0 [hbm:s0], s1  }
0x36: {  	s0 =	simm.s32 @!p0 $0x2  }
0x37: {  	_ =	swait.ge @!p0 [sflag:s0], s1  }
0x38: {  	s1 =	ssub.s32 @!p0 $0x0, s1;
	[sflag:s0] =	ssyncset.done @!p0 $0x0  }
0x39: {  	[sflag:s0] =	ssyncadd.s32 @!p0 s1  }
0x3a: {  	[bflag:$0x3] =	sbarrier.arrive $0xFFFF  }
0x3b: {  	_ =	shalt  }

// kernel: kernel.13.cloned.1.call-start
scs
__scs_entry_jumppad:
0x0: {  	(pc) =	sbr.rel $0x88, $3  }
0x1: {  	(tag) =	ssettag $0x0;
	lr =	simm.s32 $0x1  }
0x2: {  	[smem:$0x3F96] =	sst lr;
	_ =	strace $0xD0000000  }
0x3: {  	_ = 	snop  }
0x4: {  	_ = 	snop  }
0x5: {  	_ = 	snop  }
0x6: {  	_ = 	snop  }
0x7: {  	_ = 	snop  }
__scs_overlays_trampoline_lowered:
0x8: {  	[smem:$0x3FA5] =	sst s0  }
0x9: {  	[smem:$0x3FA6] =	sst s1  }
0xa: {  	[smem:$0x3FA7] =	sst s2  }
0xb: {  	[smem:$0x3FA8] =	sst s3  }
0xc: {  	[smem:$0x3FA9] =	sst s4  }
0xd: {  	[smem:$0x3FAA] =	sst s5  }
0xe: {  	[smem:$0x3FAB] =	sst s6  }
0xf: {  	[smem:$0x3FAC] =	sst s7  }
0x10: {  	[smem:$0x3FAD] =	sst s8  }
0x11: {  	[smem:$0x3FAE] =	sst s9;
	s0 =	simm.s32 @!p0 $0x0  }
0x12: {  	s1 =	sld [smem:$0x3F94];
	s0 =	simm.s32 @p0 $0x1  }
0x13: {  	[smem:$0x3FAF] =	sst s0;
	s0 =	simm.s32 @!p1 $0x0  }
0x14: {  	s2 =	sld [smem:$0x3F93];
	s0 =	simm.s32 @p1 $0x1  }
0x15: {  	[smem:$0x3FB0] =	sst s0;
	s0 =	simm.s32 @!p2 $0x0  }
0x16: {  	s3 =	sld [smem:$0x3FDB];
	s0 =	simm.s32 @p2 $0x1  }
0x17: {  	s4 =	simm.s32 $0x1BF5;
	[smem:$0x3FB2] =	sst s0  }
0x18: {  	s0 =	sld [smem:$0x3F95];
	_ =	swait.ge [sflag:s4], $0x0  }
0x19: {  	s7 =	sld [smem:$0x3F96]  }
0x1a: {  	s8 =	sadd.s32 $0xFFFFE003, lr  }
0x1b: {  	s9 =	sadd.s32 $0xFFFFFEF7, lr;
	s5 =	simm.s32 $0xFFFFFFFF;
	p2 =	slt.u32 s8, $0xFFFFF086  }
0x1c: {  	p1 =	slt.u32 s9, $0xF7A;
	s5 =	simm.s32 @!p2 $0x0  }
0x1d: {  	s5 =	simm.s32 @p1 $0x1;
	p0 =	seq.s32 s7, s2  }
0x1e: {  	s7 =	smul.u32 @!p0 $0xF7A, s2;
	p2 =	seq.s32 @!p0 s5, $0x0  }
0x1f: {  	s9 =	smul.u32 $0xF7A, s1;
	s8 =	simm.s32 @!p0 $0x1BF5;
	p2 =	por !p2, p0  }
0x20: {  	[sflag:s8] =	ssyncset.s32 @!p0 $0xFFFFF086;
	s6 =	sadd.s32 @!p0 s3, s7;
	s7 =	simm.s32 @!p0 $0x108  }
0x21: {  	s3 =	sadd.s32 s3, s9;
	s6 =	sadd.s32 @!p0 $0x88, s6;
	s7 =	simm.s32 @p2 $0x1082  }
0x22: {  	[simem:s7], [sflag:s8] =	dma.local @!p0 [hbm:s6], $0xF7A  }
0x23: {  	s9 =	sor.u32 $0xD0000000, s2;
	s6 =	simm.s32 $0x108;
	_ =	swait.ge @!p0 [sflag:s8], $0x0  }
0x24: {  	s3 =	sadd.s32 $0x88, s3;
	s6 =	simm.s32 @!p1 $0x1082;
	[sflag:s4] =	ssyncset.s32 $0xFFFFF086  }
0x25: {  	[simem:s6], [sflag:s4] =	dma.local [hbm:s3], $0xF7A  }
0x26: {  	[smem:$0x3F96] =	sst s1;
	(tag) =	ssettag s2;
	_ =	strace s9  }
0x27: {  	s1 =	sld [smem:$0x3FA6]  }
0x28: {  	s2 =	sld [smem:$0x3FA7]  }
0x29: {  	s4 =	sld [smem:$0x3FA9]  }
0x2a: {  	p0 =	seq.s32 s5, $0x0;
	s5 =	sld [smem:$0x3FAA]  }
0x2b: {  	s6 =	sld [smem:$0x3FAB]  }
0x2c: {  	s7 =	sld [smem:$0x3FAC]  }
0x2d: {  	s3 =	simm.s32 $0x108;
	s8 =	sld [smem:$0x3FAD]  }
0x2e: {  	s3 =	simm.s32 @!p0 $0x1082;
	s9 =	sld [smem:$0x3FAE]  }
0x2f: {  	lr =	sadd.s32 s0, s3;
	s0 =	sld [smem:$0x3FA5]  }
0x30: {  	s3 =	sld [smem:$0x3FA8]  }
0x31: {  	[smem:$0x3FB1] =	sst s10  }
0x32: {  	s10 =	sld [smem:$0x3FAF];
	_ =	sdelay $0x3  }
0x33: {  	p0 =	seq.s32 s10, $0x1;
	s10 =	sld [smem:$0x3FB1];
	_ =	sdelay $0x3  }
0x34: {  	[smem:$0x3FB1] =	sst s10  }
0x35: {  	s10 =	sld [smem:$0x3FB0];
	_ =	sdelay $0x3  }
0x36: {  	p1 =	seq.s32 s10, $0x1;
	s10 =	sld [smem:$0x3FB1];
	_ =	sdelay $0x3  }
0x37: {  	[smem:$0x3FB1] =	sst s10  }
0x38: {  	s10 =	sld [smem:$0x3FB2]  }
0x39: {  	_ = 	snop;
	(pc) =	sbr.ind lr, $3  }
0x3a: {  	_ = 	snop  }
0x3b: {  	_ = 	snop  }
0x3c: {  	p2 =	seq.s32 s10, $0x1;
	s10 =	sld [smem:$0x3FB1]  }
0x3d: {  	_ =	shalt  }
0x3e: {  	_ =	shalt  }
0x3f: {  	_ =	shalt  }
0x40: {  	_ =	shalt  }
0x41: {  	_ =	shalt  }
0x42: {  	_ =	shalt  }
0x43: {  	_ =	shalt  }
0x44: {  	_ =	shalt  }
0x45: {  	_ =	shalt  }
0x46: {  	_ =	shalt  }
0x47: {  	_ =	shalt  }
0x48: {  	_ =	shalt  }
0x49: {  	_ =	shalt  }
0x4a: {  	_ =	shalt  }
0x4b: {  	_ =	shalt  }
0x4c: {  	_ =	shalt  }
0x4d: {  	_ =	shalt  }
0x4e: {  	_ =	shalt  }
0x4f: {  	_ =	shalt  }
0x50: {  	_ =	shalt  }
0x51: {  	_ =	shalt  }
0x52: {  	_ =	shalt  }
0x53: {  	_ =	shalt  }
0x54: {  	_ =	shalt  }
0x55: {  	_ =	shalt  }
0x56: {  	_ =	shalt  }
0x57: {  	_ =	shalt  }
0x58: {  	_ =	shalt  }
0x59: {  	_ =	shalt  }
0x5a: {  	_ =	shalt  }
0x5b: {  	_ =	shalt  }
0x5c: {  	_ =	shalt  }
0x5d: {  	_ =	shalt  }
0x5e: {  	_ =	shalt  }
0x5f: {  	_ =	shalt  }
0x60: {  	_ =	shalt  }
0x61: {  	_ =	shalt  }
0x62: {  	_ =	shalt  }
0x63: {  	_ =	shalt  }
0x64: {  	_ =	shalt  }
0x65: {  	_ =	shalt  }
0x66: {  	_ =	shalt  }
0x67: {  	_ =	shalt  }
0x68: {  	_ =	shalt  }
0x69: {  	_ =	shalt  }
0x6a: {  	_ =	shalt  }
0x6b: {  	_ =	shalt  }
0x6c: {  	_ =	shalt  }
0x6d: {  	_ =	shalt  }
0x6e: {  	_ =	shalt  }
0x6f: {  	_ =	shalt  }
0x70: {  	_ =	shalt  }
0x71: {  	_ =	shalt  }
0x72: {  	_ =	shalt  }
0x73: {  	_ =	shalt  }
0x74: {  	_ =	shalt  }
0x75: {  	_ =	shalt  }
0x76: {  	_ =	shalt  }
0x77: {  	_ =	shalt  }
0x78: {  	_ =	shalt  }
0x79: {  	_ =	shalt  }
0x7a: {  	_ =	shalt  }
0x7b: {  	_ =	shalt  }
0x7c: {  	_ =	shalt  }
0x7d: {  	_ =	shalt  }
0x7e: {  	_ =	shalt  }
0x7f: {  	_ =	shalt  }
0x80: {  	_ =	shalt  }
0x81: {  	_ =	shalt  }
0x82: {  	_ =	shalt  }
0x83: {  	_ =	shalt  }
0x84: {  	_ =	shalt  }
0x85: {  	_ =	shalt  }
0x86: {  	_ =	shalt  }
0x87: {  	_ =	shalt  }
.Lfunc_end0:
.L_simem_size_0:
called_computation.1_lowered:
.L_overlay_start_0:
0x88: {  	s2 =	sld [smem:$0x3FD9]  }
0x89: {  	s3 =	sld [smem:$0x3FFE];
	_ =	sdelay $0x1  }
0x8a: {  	s1 =	srdreg.scid  }
0x8b: {  	s0 =	sand.u32 $0x1, s1  }
0x8c: {  	s16 =	sshll.u32 s0, $0xA;
	s2 =	sadd.s32 s3, s2  }
0x8d: {  	s2 =	sadd.s32 s2, s16  }
0x8e: {  	[smem:$0x3FBD] =	sst s2  }
0x8f: {  	_ = 	snop  }
0x90: {  	(tm) =	ssettm $0x1  }
0x91: {  	s17 =	sld [smem:$0x3FFB];
	_ =	sdelay $0x3  }
0x92: {  	_ =	strace s17  }
0x93: {  	s2 =	sld [smem:$0x3FFC];
	_ =	sdelay $0x3  }
0x94: {  	_ =	strace s2  }
0x95: {  	s2 =	sld [smem:$0x3FFD];
	_ =	sdelay $0x3  }
0x96: {  	_ =	strace s2  }
0x97: {  	_ =	strace $0x8FFFFFFF  }
0x98: {  	s18 =	sld [smem:$0x3FDB];
	_ =	sdelay $0x1  }
0x99: {  	s19 =	simm.s32 $_scs_section_size  }
0x9a: {  	s4 =	simm.s32 $_size__tile_overlayer_lowered;
	s5 =	simm.s32 $_tile_overlayer_lowered  }
0x9b: {  	s22 =	simm.s32 $0x1BFF;
	s21 =	sshll.u32 s5, $0x1;
	s2 =	sadd.s32 s19, s18  }
0x9c: {  	s6 =	simm.s32 $0x0;
	s20 =	sshll.u32 s4, $0x1;
	s4 =	sadd.s32 s21, s2  }
0x9d: {  	[timem:s6], [sflag:s22] =	dma.local [hbm:s4], s20  }
0x9e: {  	_ =	swait.ge [sflag:s22], s20  }
0x9f: {  	s3 =	ssub.s32 $0x0, s20;
	[sflag:s22] =	ssyncset.done $0x0  }
0xa0: {  	[sflag:s22] =	ssyncadd.s32 s3;
	_ =	sdelay $0x1  }
0xa1: {  	s23 =	simm.s32 $0x1B8B  }
0xa2: {  	_ =	swait.ge [sflag:s23], $0x1  }
0xa3: {  	[sflag:s23] =	ssyncset.done $0x0  }
0xa4: {  	s25 =	simm.s32 $0x1B8E;
	s24 =	sld [smem:$0x3FFE];
	[sflag:s23] =	ssyncadd.s32 $0xFFFFFFFF  }
0xa5: {  	s26 =	simm.s32 $execute0_lowered;
	[smem:$0x3FD2] =	sst s25  }
0xa6: {  	s4 =	sshll.u32 s26, $0x1;
	_ =	strace $0x80000049;
	[dreg:$0x1] =	wrdreg $0xFFFFFFFF  }
0xa7: {  	s28 =	simm.s32 $_size_execute0_lowered;
	s2 =	sadd.s32 s2, s4;
	[dreg:$0x0] =	wrdreg $0x0  }
0xa8: {  	s4 =	sshll.u32 s28, $0x1;
	[dreg:$0x2] =	wrdreg s2  }
0xa9: {  	[dreg:$0x3] =	wrdreg s4  }
0xaa: {  	[dreg:$0x4] =	wrdreg $0xC0  }
0xab: {  	_ =	task [dreg:s6], $0x5FFFF  }
0xac: {  	[dreg:$0x1] =	wrdreg $0xFFFFFFFF  }
0xad: {  	[dreg:$0x0] =	wrdreg $0x60  }
0xae: {  	[dreg:$0x2] =	wrdreg s24  }
0xaf: {  	[dreg:$0x3] =	wrdreg $0xA8000  }
0xb0: {  	[dreg:$0x4] =	wrdreg $0x9  }
0xb1: {  	_ =	task.clear_ibuf [dreg:s6], $0x5FFFF;
	_ =	strace $0x90000049  }
0xb2: {  	s29 =	simm.s32 $0x9;
	_ =	strace $0x8000004B  }
0xb3: {  	_ =	swait.ge [sflag:s29], $0x1  }
0xb4: {  	[sflag:s29] =	ssyncadd.s32 $0xFFFFFFFF  }
0xb5: {  	_ =	strace $0x9000004B  }
0xb6: {  	_ =	sfence  }
0xb7: {  	s30 =	sld [smem:$0x0];
	_ =	sdelay $0x2  }
0xb8: {  	s31 =	sshll.u32 s1, $0xD;
	s1 =	sshrl.u32 s1, $0x2  }
0xb9: {  	s3 =	sand.u32 $0x4000, s31;
	s1 =	sadd.s32 s1, s30  }
0xba: {  	s0 =	sor.u32 s3, s0;
	s1 =	sshll.u32 s1, $0x11  }
0xbb: {  	s0 =	sor.u32 s1, s0  }
0xbc: {  	s0 =	sadd.s32 $0x8F2B, s0  }
0xbd: {  	[sflag:s0] =	ssyncadd.remote.s32 $0x1  }
0xbe: {  	_ =	sfence.sel $0xFFFF  }
0xbf: {  	[dreg:$0x0] =	wrdreg $0xFFFFFFFF;
	(pc) =	sbr.abs _section_cstart, $3  }
0xc0: {  	[dreg:$0x1] =	wrdreg $0xFFFFFFFF  }
0xc1: {  	_ =	task.clear_ibuf [dreg:s6], $0x2FFFF;
	_ =	strace $0x9FFFFFFF  }
0xc2: {  	(tm) =	ssettm $0x7FFFFFFF  }
0xc3: {  	_ =	shalt  }
tec
execute0_lowered:
.L_overlay_start_1:
0x0: {  	(tag) =	ssettag $0x1  }
0x1: {  	s6 =	rddreg [dreg:$0x0]  }
0x2: {  	s1 =	rddreg [dreg:$0x1]  }
0x3: {  	s0 =	rddreg [dreg:$0x2]  }
0x4: {  	s2 =	simm.s32 $0x0;
	s3 =	srdreg.scid;
	s18 =	simm.s32 $0x1400  }
0x5: {  	s19 =	simm.s32 $0x80;
	s20 =	simm.s32 $0x6800;
	s21 =	simm.s32 $0x1  }
0x6: {  	s22 =	simm.s32 $0x2;
	s23 =	simm.s32 $0x2700;
	s26 =	simm.s32 $0x0  }
0x7: {  	[smem:$0x7FF] =	sst s2;
	s7 =	sand.u32 $0x1, s3;
	s3 =	stileid.u32  }
0x8: {  	s4 =	sadd.s32 $0x7B000, s6;
	s14 =	sadd.s32 $0x22000, s6;
	s8 =	smul.u32 $0x27800, s7  }
0x9: {  	s15 =	sadd.s32 $0x18000, s6;
	s5 =	sadd.s32 $0x3C00, s6;
	s9 =	smul.u32 $0x4F000, s3  }
0xa: {  	_ =	strace $0x8000004A;
	s29 =	ssub.s32 $0x2, s7;
	s12 =	smul.u32 $0x500, s3  }
0xb: {  	p0 =	seq.s32 s7, $0x0;
	s25 =	smul.u32 $0x2780, s3;
	s31 =	sshrl.u32 s29, $0x1  }
0xc: {  	s11 =	sadd.s32 s8, s6;
	s30 =	sshrl.u32 s9, $0x2;
	s13 =	ssub.s32 s29, s31  }
0xd: {  	s16 =	sadd.s32 $0x5000, s12;
	s6 =	sadd.s32 s30, s1;
	s24 =	sadd.s32 $0xA2200, s11  }
0xe: {  	s16 =	smov.u32 @p0 s12;
	s11 =	smax.u32 s13, $0x1;
	s7 =	sadd.s32 $0x4000, s6  }
0xf: {  	s8 =	sadd.s32 $0x8000, s6;
	s9 =	sadd.s32 $0xC000, s6;
	s10 =	sadd.s32 $0x10000, s6  }
0x10: {  	s17 =	sadd.s32 $0x280, s16;
	s12 =	sadd.s32 s14, s16;
	s13 =	sadd.s32 s15, s16  }
0x11: {  	s16 =	simm.s32 $0x2800;
	s24 =	sadd.s32 s25, s24;
	s25 =	simm.s32 $0x2780  }
0x12: {  	s14 =	sadd.s32 s14, s17;
	s15 =	sadd.s32 s15, s17;
	s17 =	simm.s32 $0x3  }
.LBB2_1:
0x13: {  	[tilespmem:s16], [sflag:$0x3] =	stream.linear.gather [hbm4b:s5+s2], $0x4000, $0x38;
	[tilespmem:$0x1E400] =	vst v63  }
0x14: {  	_ =	swait.ge [sflag:s17], $0x4000  }
0x15: {  	[sflag:s17] =	ssyncset.done $0x0  }
0x16: {  	[sflag:s17] =	ssyncadd.s32 $0xFFFFC000  }
0x17: {  	[spmem:s6] =	stream.linear.scatter [tilespmem:s16], [sflag:$0x3], $0x4000, $0x38;
	[tilespmem:$0x1E400] =	vst v63  }
0x18: {  	_ =	swait.ge [sflag:s17], $0x4000  }
0x19: {  	[sflag:s17] =	ssyncset.done $0x0  }
0x1a: {  	[sflag:s17] =	ssyncadd.s32 $0xFFFFC000  }
0x1b: {  	[spmem:s7] =	stream.linear.scatter [tilespmem:s16], [sflag:$0x3], $0x4000, $0x38;
	[tilespmem:$0x1E400] =	vst v63  }
0x1c: {  	_ =	swait.ge [sflag:s17], $0x4000  }
0x1d: {  	[sflag:s17] =	ssyncset.done $0x0  }
0x1e: {  	[sflag:s17] =	ssyncadd.s32 $0xFFFFC000  }
0x1f: {  	[spmem:s8] =	stream.linear.scatter [tilespmem:s16], [sflag:$0x3], $0x4000, $0x38;
	[tilespmem:$0x1E400] =	vst v63  }
0x20: {  	_ =	swait.ge [sflag:s17], $0x4000  }
0x21: {  	[sflag:s17] =	ssyncset.done $0x0  }
0x22: {  	[sflag:s17] =	ssyncadd.s32 $0xFFFFC000  }
0x23: {  	[spmem:s9] =	stream.linear.scatter [tilespmem:s16], [sflag:$0x3], $0x4000, $0x38;
	[tilespmem:$0x1E400] =	vst v63  }
0x24: {  	_ =	swait.ge [sflag:s17], $0x4000  }
0x25: {  	[sflag:s17] =	ssyncset.done $0x0  }
0x26: {  	[sflag:s17] =	ssyncadd.s32 $0xFFFFC000  }
0x27: {  	[spmem:s10] =	stream.linear.scatter [tilespmem:s16], [sflag:$0x3], $0x3C00, $0x38;
	[tilespmem:$0x1E400] =	vst v63  }
0x28: {  	_ =	swait.ge [sflag:s17], $0x3C00  }
0x29: {  	[sflag:s17] =	ssyncset.done $0x0  }
0x2a: {  	[sflag:s17] =	ssyncadd.s32 $0xFFFFC400  }
0x2b: {  	[bflag:$0x0] =	sbarrier.arrive $0xFFFF  }
0x2c: {  	[tilespmem:s2], [sflag:$0x3] =	stream.linear.gather [hbm4b:s12+s2], $0x1400, $0x38;
	[tilespmem:$0x1E400] =	vst v63  }
0x2d: {  	_ =	swait.ge [sflag:s17], $0x1400  }
0x2e: {  	[sflag:s17] =	ssyncset.done $0x0  }
0x2f: {  	[sflag:s17] =	ssyncadd.s32 $0xFFFFEC00  }
0x30: {  	[tilespmem:s18], [sflag:$0x3] =	stream.linear.gather [hbm4b:s13+s2], $0x1400, $0x38;
	[tilespmem:$0x1E400] =	vst v63  }
0x31: {  	_ =	swait.ge [sflag:s17], $0x1400  }
0x32: {  	[sflag:s17] =	ssyncset.done $0x0  }
0x33: {  	[sflag:s17] =	ssyncadd.s32 $0xFFFFEC00  }
0x34: {  	[tilespmem:s16], [sflag:$0x1] =	stream.indirect.gather [hbm4b:s4+s19], $0x80, s2, s19, $0xb8;
	[tilespmem:$0x1E400] =	vst v63  }
0x35: {  	_ = 	snop  }
0x36: {  	[tilespmem:s20], [sflag:$0x2] =	stream.indirect.gather [hbm4b:s4+s19], $0x80, s19, s19, $0xb8;
	[tilespmem:$0x1E400] =	vst v63  }
0x37: {  	_ =	swait.ge [sflag:s21], $0x4000  }
0x38: {  	[sflag:s21] =	ssyncset.done $0x0  }
0x39: {  	s28 =	simm.s32 $0x1400;
	[sflag:s21] =	ssyncadd.s32 $0xFFFFC000  }
0x3a: {  	[spmem:s1] =	stream.indirect.scatter.add.f32 [tilespmem:s16], [sflag:$0x3], $0x80, s28, s19, $0xb8;
	[tilespmem:$0x1E400] =	vst v63  }
0x3b: {  	_ =	swait.ge [sflag:s17], $0x4000  }
0x3c: {  	[sflag:s17] =	ssyncset.done $0x0  }
0x3d: {  	s28 =	simm.s32 $0x100;
	[sflag:s17] =	ssyncadd.s32 $0xFFFFC000  }
0x3e: {  	[tilespmem:s16], [sflag:$0x1] =	stream.indirect.gather [hbm4b:s4+s19], $0x80, s28, s19, $0xb8;
	[tilespmem:$0x1E400] =	vst v63  }
0x3f: {  	_ =	swait.ge [sflag:s22], $0x4000  }
0x40: {  	[sflag:s22] =	ssyncset.done $0x0  }
0x41: {  	s28 =	simm.s32 $0x1480;
	[sflag:s22] =	ssyncadd.s32 $0xFFFFC000  }
0x42: {  	[spmem:s1] =	stream.indirect.scatter.add.f32 [tilespmem:s20], [sflag:$0x3], $0x80, s28, s19, $0xb8;
	[tilespmem:$0x1E400] =	vst v63  }
0x43: {  	_ =	swait.ge [sflag:s17], $0x4000  }
0x44: {  	[sflag:s17] =	ssyncset.done $0x0  }
0x45: {  	s29 =	simm.s32 $0x180;
	s28 =	simm.s32 $0x400;
	[sflag:s17] =	ssyncadd.s32 $0xFFFFC000  }
.LBB2_2:
0x46: {  	[tilespmem:s20], [sflag:$0x2] =	stream.indirect.gather [hbm4b:s4+s19], $0x80, s29, s19, $0xb8;
	[tilespmem:$0x1E400] =	vst v63  }
0x47: {  	s29 =	smov.u32 s28  }
0x48: {  	p0 =	sne.s32 s28, $0x4800;
	s28 =	sadd.s32 $0x400, s28;
	_ =	swait.ge [sflag:s21], $0x4000  }
0x49: {  	s29 =	sshra.s32 s29, $0x2;
	[sflag:s21] =	ssyncset.done $0x0  }
0x4a: {  	s30 =	sadd.s32 $0x1400, s29;
	[sflag:s21] =	ssyncadd.s32 $0xFFFFC000  }
0x4b: {  	[spmem:s1] =	stream.indirect.scatter.add.f32 [tilespmem:s16], [sflag:$0x3], $0x80, s30, s19, $0xb8;
	[tilespmem:$0x1E400] =	vst v63  }
0x4c: {  	_ =	swait.ge [sflag:s17], $0x4000  }
0x4d: {  	[sflag:s17] =	ssyncset.done $0x0  }
0x4e: {  	s30 =	sadd.s32 $0x100, s29;
	[sflag:s17] =	ssyncadd.s32 $0xFFFFC000  }
0x4f: {  	[tilespmem:s16], [sflag:$0x1] =	stream.indirect.gather [hbm4b:s4+s19], $0x80, s30, s19, $0xb8;
	[tilespmem:$0x1E400] =	vst v63  }
0x50: {  	_ =	swait.ge [sflag:s22], $0x4000  }
0x51: {  	[sflag:s22] =	ssyncset.done $0x0  }
.Ltmp0:
0x52: {  	s30 =	sadd.s32 $0x1480, s29;
	[sflag:s22] =	ssyncadd.s32 $0xFFFFC000;
	(pc) =	sbr.rel @p0 .LBB2_2-.Ltmp0, $4  }
0x53: {  	[spmem:s1] =	stream.indirect.scatter.add.f32 [tilespmem:s20], [sflag:$0x3], $0x80, s30, s19, $0xb8;
	[tilespmem:$0x1E400] =	vst v63  }
0x54: {  	_ =	swait.ge [sflag:s17], $0x4000  }
0x55: {  	[sflag:s17] =	ssyncset.done $0x0  }
0x56: {  	s29 =	sadd.s32 $0x180, s29;
	[sflag:s17] =	ssyncadd.s32 $0xFFFFC000  }
0x57: {  	[tilespmem:s20], [sflag:$0x2] =	stream.indirect.gather [hbm4b:s4+s19], $0x80, s29, s19, $0xb8;
	[tilespmem:$0x1E400] =	vst v63  }
0x58: {  	_ =	swait.ge [sflag:s21], $0x4000  }
0x59: {  	[sflag:s21] =	ssyncset.done $0x0  }
0x5a: {  	[sflag:s21] =	ssyncadd.s32 $0xFFFFC000  }
0x5b: {  	[spmem:s1] =	stream.indirect.scatter.add.f32 [tilespmem:s16], [sflag:$0x3], $0x80, s23, s19, $0xb8;
	[tilespmem:$0x1E400] =	vst v63  }
0x5c: {  	_ =	swait.ge [sflag:s17], $0x4000  }
0x5d: {  	[sflag:s17] =	ssyncset.done $0x0  }
0x5e: {  	[sflag:s17] =	ssyncadd.s32 $0xFFFFC000  }
0x5f: {  	_ =	swait.ge [sflag:s22], $0x4000  }
0x60: {  	[sflag:s22] =	ssyncset.done $0x0  }
0x61: {  	[sflag:s22] =	ssyncadd.s32 $0xFFFFC000  }
0x62: {  	[spmem:s1] =	stream.indirect.scatter.add.f32 [tilespmem:s20], [sflag:$0x3], $0x80, s25, s19, $0xb8;
	[tilespmem:$0x1E400] =	vst v63  }
0x63: {  	_ =	swait.ge [sflag:s17], $0x4000  }
0x64: {  	[sflag:s17] =	ssyncset.done $0x0  }
0x65: {  	s28 =	simm.s32 $0x0;
	[sflag:s17] =	ssyncadd.s32 $0xFFFFC000  }
0x66: {  	[tilespmem:s28], [sflag:$0x3] =	stream.linear.gather [hbm4b:s14+s28], $0x1400, $0x38;
	[tilespmem:$0x1E400] =	vst v63  }
0x67: {  	_ =	swait.ge [sflag:s17], $0x1400  }
0x68: {  	[sflag:s17] =	ssyncset.done $0x0  }
0x69: {  	[sflag:s17] =	ssyncadd.s32 $0xFFFFEC00  }
0x6a: {  	[tilespmem:s18], [sflag:$0x3] =	stream.linear.gather [hbm4b:s15+s28], $0x1400, $0x38;
	[tilespmem:$0x1E400] =	vst v63  }
0x6b: {  	_ =	swait.ge [sflag:s17], $0x1400  }
0x6c: {  	[sflag:s17] =	ssyncset.done $0x0  }
0x6d: {  	[sflag:s17] =	ssyncadd.s32 $0xFFFFEC00  }
0x6e: {  	[tilespmem:s16], [sflag:$0x1] =	stream.indirect.gather [hbm4b:s4+s19], $0x80, s28, s19, $0xb8;
	[tilespmem:$0x1E400] =	vst v63  }
0x6f: {  	_ = 	snop  }
0x70: {  	[tilespmem:s20], [sflag:$0x2] =	stream.indirect.gather [hbm4b:s4+s19], $0x80, s19, s19, $0xb8;
	[tilespmem:$0x1E400] =	vst v63  }
0x71: {  	_ =	swait.ge [sflag:s21], $0x4000  }
0x72: {  	[sflag:s21] =	ssyncset.done $0x0  }
0x73: {  	s28 =	simm.s32 $0x1400;
	[sflag:s21] =	ssyncadd.s32 $0xFFFFC000  }
0x74: {  	[spmem:s1] =	stream.indirect.scatter.add.f32 [tilespmem:s16], [sflag:$0x3], $0x80, s28, s19, $0xb8;
	[tilespmem:$0x1E400] =	vst v63  }
0x75: {  	_ =	swait.ge [sflag:s17], $0x4000  }
0x76: {  	[sflag:s17] =	ssyncset.done $0x0  }
0x77: {  	s28 =	simm.s32 $0x100;
	[sflag:s17] =	ssyncadd.s32 $0xFFFFC000  }
0x78: {  	[tilespmem:s16], [sflag:$0x1] =	stream.indirect.gather [hbm4b:s4+s19], $0x80, s28, s19, $0xb8;
	[tilespmem:$0x1E400] =	vst v63  }
0x79: {  	_ =	swait.ge [sflag:s22], $0x4000  }
0x7a: {  	[sflag:s22] =	ssyncset.done $0x0  }
0x7b: {  	s28 =	simm.s32 $0x1480;
	[sflag:s22] =	ssyncadd.s32 $0xFFFFC000  }
0x7c: {  	[spmem:s1] =	stream.indirect.scatter.add.f32 [tilespmem:s20], [sflag:$0x3], $0x80, s28, s19, $0xb8;
	[tilespmem:$0x1E400] =	vst v63  }
0x7d: {  	_ =	swait.ge [sflag:s17], $0x4000  }
0x7e: {  	[sflag:s17] =	ssyncset.done $0x0  }
0x7f: {  	s29 =	simm.s32 $0x180;
	s28 =	simm.s32 $0x400;
	[sflag:s17] =	ssyncadd.s32 $0xFFFFC000  }
.LBB2_4:
0x80: {  	[tilespmem:s20], [sflag:$0x2] =	stream.indirect.gather [hbm4b:s4+s19], $0x80, s29, s19, $0xb8;
	[tilespmem:$0x1E400] =	vst v63  }
0x81: {  	s29 =	smov.u32 s28  }
0x82: {  	p0 =	sne.s32 s28, $0x4800;
	s28 =	sadd.s32 $0x400, s28;
	_ =	swait.ge [sflag:s21], $0x4000  }
0x83: {  	s29 =	sshra.s32 s29, $0x2;
	[sflag:s21] =	ssyncset.done $0x0  }
0x84: {  	s30 =	sadd.s32 $0x1400, s29;
	[sflag:s21] =	ssyncadd.s32 $0xFFFFC000  }
0x85: {  	[spmem:s1] =	stream.indirect.scatter.add.f32 [tilespmem:s16], [sflag:$0x3], $0x80, s30, s19, $0xb8;
	[tilespmem:$0x1E400] =	vst v63  }
0x86: {  	_ =	swait.ge [sflag:s17], $0x4000  }
0x87: {  	[sflag:s17] =	ssyncset.done $0x0  }
0x88: {  	s30 =	sadd.s32 $0x100, s29;
	[sflag:s17] =	ssyncadd.s32 $0xFFFFC000  }
0x89: {  	[tilespmem:s16], [sflag:$0x1] =	stream.indirect.gather [hbm4b:s4+s19], $0x80, s30, s19, $0xb8;
	[tilespmem:$0x1E400] =	vst v63  }
0x8a: {  	_ =	swait.ge [sflag:s22], $0x4000  }
0x8b: {  	[sflag:s22] =	ssyncset.done $0x0  }
.Ltmp1:
0x8c: {  	s30 =	sadd.s32 $0x1480, s29;
	[sflag:s22] =	ssyncadd.s32 $0xFFFFC000;
	(pc) =	sbr.rel @p0 .LBB2_4-.Ltmp1, $4  }
0x8d: {  	[spmem:s1] =	stream.indirect.scatter.add.f32 [tilespmem:s20], [sflag:$0x3], $0x80, s30, s19, $0xb8;
	[tilespmem:$0x1E400] =	vst v63  }
0x8e: {  	_ =	swait.ge [sflag:s17], $0x4000  }
0x8f: {  	[sflag:s17] =	ssyncset.done $0x0  }
0x90: {  	s29 =	sadd.s32 $0x180, s29;
	[sflag:s17] =	ssyncadd.s32 $0xFFFFC000  }
0x91: {  	[tilespmem:s20], [sflag:$0x2] =	stream.indirect.gather [hbm4b:s4+s19], $0x80, s29, s19, $0xb8;
	[tilespmem:$0x1E400] =	vst v63  }
0x92: {  	_ =	swait.ge [sflag:s21], $0x4000  }
0x93: {  	[sflag:s21] =	ssyncset.done $0x0  }
0x94: {  	[sflag:s21] =	ssyncadd.s32 $0xFFFFC000  }
0x95: {  	[spmem:s1] =	stream.indirect.scatter.add.f32 [tilespmem:s16], [sflag:$0x3], $0x80, s23, s19, $0xb8;
	[tilespmem:$0x1E400] =	vst v63  }
0x96: {  	_ =	swait.ge [sflag:s17], $0x4000  }
0x97: {  	[sflag:s17] =	ssyncset.done $0x0  }
0x98: {  	[sflag:s17] =	ssyncadd.s32 $0xFFFFC000  }
0x99: {  	_ =	swait.ge [sflag:s22], $0x4000  }
0x9a: {  	[sflag:s22] =	ssyncset.done $0x0  }
0x9b: {  	[sflag:s22] =	ssyncadd.s32 $0xFFFFC000  }
0x9c: {  	[spmem:s1] =	stream.indirect.scatter.add.f32 [tilespmem:s20], [sflag:$0x3], $0x80, s25, s19, $0xb8;
	[tilespmem:$0x1E400] =	vst v63  }
0x9d: {  	_ =	swait.ge [sflag:s17], $0x4000  }
0x9e: {  	s28 =	sshll.u32 s3, $0x6;
	s26 =	sadd.s32 $0x1, s26;
	[sflag:s17] =	ssyncset.done $0x0  }
0x9f: {  	s31 =	sshrl.u32 s6, $0x3;
	p0 =	sne.s32 s26, s11;
	[sflag:s17] =	ssyncadd.s32 $0xFFFFC000  }
.Ltmp2:
0xa0: {  	s28 =	sor.u32 $0x1C03, s28;
	[bflag:$0x0] =	sbarrier.arrive $0xFFFF;
	(pc) =	sbr.rel @p0 .LBB2_1-.Ltmp2, $4  }
0xa1: {  	[hbm:s24], [sflag:s28] =	dma.local [spmem:s31], $0x2780  }
0xa2: {  	_ =	swait.ge [sflag:s17], $0x2780  }
0xa3: {  	[sflag:s17] =	ssyncset.done $0x0  }
0xa4: {  	[sflag:s17] =	ssyncadd.s32 $0xFFFFD880  }
0xa5: {  	_ =	sfence.sel $0x180000  }
0xa6: {  	[bflag:$0x0] =	sbarrier.arrive $0xFFFF  }
0xa7: {  	p0 =	sne.s32 s3, $0x0;
	_ =	strace $0x9000004A  }
0xa8: {  	s0 =	sadd.s32 @!p0 $0x100000, s0;
	[bflag:$0x2] =	sbarrier.arrive $0xFFFF  }
0xa9: {  	[sflag:s0] =	ssyncadd.tile.s32 @!p0 $0x1;
	_ =	shalt  }
.Lfunc_end2:
_tile_overlayer_lowered:
.L_overlay_start_2:
0xaa: {  	(tag) =	ssettag $0x2  }
0xab: {  	s0 =	rddreg [dreg:$0x0];
	s2 =	stileid.u32  }
0xac: {  	s1 =	rddreg [dreg:$0x1];
	p0 =	sne.s32 s2, $0x0  }
0xad: {  	s3 =	rddreg [dreg:$0x2];
	[bflag:$0x3] =	sbarrier.arrive $0xFFFF;
	s2 =	simm.s32 @!p0 $0x1C03  }
0xae: {  	[timem:s3], [sflag:s2] =	dma.local @!p0 [hbm:s0], s1  }
0xaf: {  	s0 =	simm.s32 @!p0 $0x3  }
0xb0: {  	_ =	swait.ge @!p0 [sflag:s0], s1  }
0xb1: {  	s1 =	ssub.s32 @!p0 $0x0, s1;
	[sflag:s0] =	ssyncset.done @!p0 $0x0  }
0xb2: {  	[sflag:s0] =	ssyncadd.s32 @!p0 s1  }
0xb3: {  	[bflag:$0x3] =	sbarrier.arrive $0xFFFF  }
0xb4: {  	_ =	shalt  }

// kernel: kernel.16.cloned.1.call-start
scs
__scs_entry_jumppad:
0x0: {  	(pc) =	sbr.rel $0x88, $3  }
0x1: {  	(tag) =	ssettag $0x0;
	lr =	simm.s32 $0x1  }
0x2: {  	[smem:$0x3F96] =	sst lr;
	_ =	strace $0xD0000000  }
0x3: {  	_ = 	snop  }
0x4: {  	_ = 	snop  }
0x5: {  	_ = 	snop  }
0x6: {  	_ = 	snop  }
0x7: {  	_ = 	snop  }
__scs_overlays_trampoline_lowered:
0x8: {  	[smem:$0x3FA5] =	sst s0  }
0x9: {  	[smem:$0x3FA6] =	sst s1  }
0xa: {  	[smem:$0x3FA7] =	sst s2  }
0xb: {  	[smem:$0x3FA8] =	sst s3  }
0xc: {  	[smem:$0x3FA9] =	sst s4  }
0xd: {  	[smem:$0x3FAA] =	sst s5  }
0xe: {  	[smem:$0x3FAB] =	sst s6  }
0xf: {  	[smem:$0x3FAC] =	sst s7  }
0x10: {  	[smem:$0x3FAD] =	sst s8  }
0x11: {  	[smem:$0x3FAE] =	sst s9;
	s0 =	simm.s32 @!p0 $0x0  }
0x12: {  	s1 =	sld [smem:$0x3F94];
	s0 =	simm.s32 @p0 $0x1  }
0x13: {  	[smem:$0x3FAF] =	sst s0;
	s0 =	simm.s32 @!p1 $0x0  }
0x14: {  	s2 =	sld [smem:$0x3F93];
	s0 =	simm.s32 @p1 $0x1  }
0x15: {  	[smem:$0x3FB0] =	sst s0;
	s0 =	simm.s32 @!p2 $0x0  }
0x16: {  	s3 =	sld [smem:$0x3FDB];
	s0 =	simm.s32 @p2 $0x1  }
0x17: {  	s4 =	simm.s32 $0x1BF5;
	[smem:$0x3FB2] =	sst s0  }
0x18: {  	s0 =	sld [smem:$0x3F95];
	_ =	swait.ge [sflag:s4], $0x0  }
0x19: {  	s7 =	sld [smem:$0x3F96]  }
0x1a: {  	s8 =	sadd.s32 $0xFFFFE003, lr  }
0x1b: {  	s9 =	sadd.s32 $0xFFFFFEF7, lr;
	s5 =	simm.s32 $0xFFFFFFFF;
	p2 =	slt.u32 s8, $0xFFFFF086  }
0x1c: {  	p1 =	slt.u32 s9, $0xF7A;
	s5 =	simm.s32 @!p2 $0x0  }
0x1d: {  	s5 =	simm.s32 @p1 $0x1;
	p0 =	seq.s32 s7, s2  }
0x1e: {  	s7 =	smul.u32 @!p0 $0xF7A, s2;
	p2 =	seq.s32 @!p0 s5, $0x0  }
0x1f: {  	s9 =	smul.u32 $0xF7A, s1;
	s8 =	simm.s32 @!p0 $0x1BF5;
	p2 =	por !p2, p0  }
0x20: {  	[sflag:s8] =	ssyncset.s32 @!p0 $0xFFFFF086;
	s6 =	sadd.s32 @!p0 s3, s7;
	s7 =	simm.s32 @!p0 $0x108  }
0x21: {  	s3 =	sadd.s32 s3, s9;
	s6 =	sadd.s32 @!p0 $0x88, s6;
	s7 =	simm.s32 @p2 $0x1082  }
0x22: {  	[simem:s7], [sflag:s8] =	dma.local @!p0 [hbm:s6], $0xF7A  }
0x23: {  	s9 =	sor.u32 $0xD0000000, s2;
	s6 =	simm.s32 $0x108;
	_ =	swait.ge @!p0 [sflag:s8], $0x0  }
0x24: {  	s3 =	sadd.s32 $0x88, s3;
	s6 =	simm.s32 @!p1 $0x1082;
	[sflag:s4] =	ssyncset.s32 $0xFFFFF086  }
0x25: {  	[simem:s6], [sflag:s4] =	dma.local [hbm:s3], $0xF7A  }
0x26: {  	[smem:$0x3F96] =	sst s1;
	(tag) =	ssettag s2;
	_ =	strace s9  }
0x27: {  	s1 =	sld [smem:$0x3FA6]  }
0x28: {  	s2 =	sld [smem:$0x3FA7]  }
0x29: {  	s4 =	sld [smem:$0x3FA9]  }
0x2a: {  	p0 =	seq.s32 s5, $0x0;
	s5 =	sld [smem:$0x3FAA]  }
0x2b: {  	s6 =	sld [smem:$0x3FAB]  }
0x2c: {  	s7 =	sld [smem:$0x3FAC]  }
0x2d: {  	s3 =	simm.s32 $0x108;
	s8 =	sld [smem:$0x3FAD]  }
0x2e: {  	s3 =	simm.s32 @!p0 $0x1082;
	s9 =	sld [smem:$0x3FAE]  }
0x2f: {  	lr =	sadd.s32 s0, s3;
	s0 =	sld [smem:$0x3FA5]  }
0x30: {  	s3 =	sld [smem:$0x3FA8]  }
0x31: {  	[smem:$0x3FB1] =	sst s10  }
0x32: {  	s10 =	sld [smem:$0x3FAF];
	_ =	sdelay $0x3  }
0x33: {  	p0 =	seq.s32 s10, $0x1;
	s10 =	sld [smem:$0x3FB1];
	_ =	sdelay $0x3  }
0x34: {  	[smem:$0x3FB1] =	sst s10  }
0x35: {  	s10 =	sld [smem:$0x3FB0];
	_ =	sdelay $0x3  }
0x36: {  	p1 =	seq.s32 s10, $0x1;
	s10 =	sld [smem:$0x3FB1];
	_ =	sdelay $0x3  }
0x37: {  	[smem:$0x3FB1] =	sst s10  }
0x38: {  	s10 =	sld [smem:$0x3FB2]  }
0x39: {  	_ = 	snop;
	(pc) =	sbr.ind lr, $3  }
0x3a: {  	_ = 	snop  }
0x3b: {  	_ = 	snop  }
0x3c: {  	p2 =	seq.s32 s10, $0x1;
	s10 =	sld [smem:$0x3FB1]  }
0x3d: {  	_ =	shalt  }
0x3e: {  	_ =	shalt  }
0x3f: {  	_ =	shalt  }
0x40: {  	_ =	shalt  }
0x41: {  	_ =	shalt  }
0x42: {  	_ =	shalt  }
0x43: {  	_ =	shalt  }
0x44: {  	_ =	shalt  }
0x45: {  	_ =	shalt  }
0x46: {  	_ =	shalt  }
0x47: {  	_ =	shalt  }
0x48: {  	_ =	shalt  }
0x49: {  	_ =	shalt  }
0x4a: {  	_ =	shalt  }
0x4b: {  	_ =	shalt  }
0x4c: {  	_ =	shalt  }
0x4d: {  	_ =	shalt  }
0x4e: {  	_ =	shalt  }
0x4f: {  	_ =	shalt  }
0x50: {  	_ =	shalt  }
0x51: {  	_ =	shalt  }
0x52: {  	_ =	shalt  }
0x53: {  	_ =	shalt  }
0x54: {  	_ =	shalt  }
0x55: {  	_ =	shalt  }
0x56: {  	_ =	shalt  }
0x57: {  	_ =	shalt  }
0x58: {  	_ =	shalt  }
0x59: {  	_ =	shalt  }
0x5a: {  	_ =	shalt  }
0x5b: {  	_ =	shalt  }
0x5c: {  	_ =	shalt  }
0x5d: {  	_ =	shalt  }
0x5e: {  	_ =	shalt  }
0x5f: {  	_ =	shalt  }
0x60: {  	_ =	shalt  }
0x61: {  	_ =	shalt  }
0x62: {  	_ =	shalt  }
0x63: {  	_ =	shalt  }
0x64: {  	_ =	shalt  }
0x65: {  	_ =	shalt  }
0x66: {  	_ =	shalt  }
0x67: {  	_ =	shalt  }
0x68: {  	_ =	shalt  }
0x69: {  	_ =	shalt  }
0x6a: {  	_ =	shalt  }
0x6b: {  	_ =	shalt  }
0x6c: {  	_ =	shalt  }
0x6d: {  	_ =	shalt  }
0x6e: {  	_ =	shalt  }
0x6f: {  	_ =	shalt  }
0x70: {  	_ =	shalt  }
0x71: {  	_ =	shalt  }
0x72: {  	_ =	shalt  }
0x73: {  	_ =	shalt  }
0x74: {  	_ =	shalt  }
0x75: {  	_ =	shalt  }
0x76: {  	_ =	shalt  }
0x77: {  	_ =	shalt  }
0x78: {  	_ =	shalt  }
0x79: {  	_ =	shalt  }
0x7a: {  	_ =	shalt  }
0x7b: {  	_ =	shalt  }
0x7c: {  	_ =	shalt  }
0x7d: {  	_ =	shalt  }
0x7e: {  	_ =	shalt  }
0x7f: {  	_ =	shalt  }
0x80: {  	_ =	shalt  }
0x81: {  	_ =	shalt  }
0x82: {  	_ =	shalt  }
0x83: {  	_ =	shalt  }
0x84: {  	_ =	shalt  }
0x85: {  	_ =	shalt  }
0x86: {  	_ =	shalt  }
0x87: {  	_ =	shalt  }
.Lfunc_end0:
.L_simem_size_0:
called_computation.2_lowered:
.L_overlay_start_0:
0x88: {  	s2 =	sld [smem:$0x3FD9]  }
0x89: {  	s3 =	sld [smem:$0x3FFE];
	_ =	sdelay $0x1  }
0x8a: {  	s1 =	srdreg.scid  }
0x8b: {  	s0 =	sand.u32 $0x1, s1  }
0x8c: {  	s16 =	sshll.u32 s0, $0xA;
	s2 =	sadd.s32 s3, s2  }
0x8d: {  	s2 =	sadd.s32 s2, s16  }
0x8e: {  	[smem:$0x3FBD] =	sst s2  }
0x8f: {  	_ = 	snop  }
0x90: {  	(tm) =	ssettm $0x1  }
0x91: {  	s17 =	sld [smem:$0x3FFB];
	_ =	sdelay $0x3  }
0x92: {  	_ =	strace s17  }
0x93: {  	s2 =	sld [smem:$0x3FFC];
	_ =	sdelay $0x3  }
0x94: {  	_ =	strace s2  }
0x95: {  	s2 =	sld [smem:$0x3FFD];
	_ =	sdelay $0x3  }
0x96: {  	_ =	strace s2  }
0x97: {  	_ =	strace $0x8FFFFFFF  }
0x98: {  	s18 =	sld [smem:$0x3FDB];
	_ =	sdelay $0x1  }
0x99: {  	s19 =	simm.s32 $_scs_section_size  }
0x9a: {  	s4 =	simm.s32 $_size__tile_overlayer_lowered;
	s5 =	simm.s32 $_tile_overlayer_lowered  }
0x9b: {  	s22 =	simm.s32 $0x1BFF;
	s21 =	sshll.u32 s5, $0x1;
	s2 =	sadd.s32 s19, s18  }
0x9c: {  	s6 =	simm.s32 $0x0;
	s20 =	sshll.u32 s4, $0x1;
	s4 =	sadd.s32 s21, s2  }
0x9d: {  	[timem:s6], [sflag:s22] =	dma.local [hbm:s4], s20  }
0x9e: {  	_ =	swait.ge [sflag:s22], s20  }
0x9f: {  	s3 =	ssub.s32 $0x0, s20;
	[sflag:s22] =	ssyncset.done $0x0  }
0xa0: {  	[sflag:s22] =	ssyncadd.s32 s3;
	_ =	sdelay $0x1  }
0xa1: {  	s23 =	simm.s32 $0x1B8B  }
0xa2: {  	_ =	swait.ge [sflag:s23], $0x1  }
0xa3: {  	[sflag:s23] =	ssyncset.done $0x0  }
0xa4: {  	s25 =	simm.s32 $0x1B8E;
	s24 =	sld [smem:$0x3FFE];
	[sflag:s23] =	ssyncadd.s32 $0xFFFFFFFF  }
0xa5: {  	s26 =	simm.s32 $execute0_lowered;
	[smem:$0x3FD2] =	sst s25  }
0xa6: {  	s4 =	sshll.u32 s26, $0x1;
	_ =	strace $0x8000004C;
	[dreg:$0x1] =	wrdreg $0xFFFFFFFF  }
0xa7: {  	s28 =	simm.s32 $_size_execute0_lowered;
	s2 =	sadd.s32 s2, s4;
	[dreg:$0x0] =	wrdreg $0x0  }
0xa8: {  	s4 =	sshll.u32 s28, $0x1;
	[dreg:$0x2] =	wrdreg s2  }
0xa9: {  	[dreg:$0x3] =	wrdreg s4  }
0xaa: {  	[dreg:$0x4] =	wrdreg $0xC0  }
0xab: {  	_ =	task [dreg:s6], $0x5FFFF  }
0xac: {  	[dreg:$0x1] =	wrdreg $0xFFFFFFFF  }
0xad: {  	[dreg:$0x0] =	wrdreg $0x60  }
0xae: {  	[dreg:$0x2] =	wrdreg s24  }
0xaf: {  	[dreg:$0x3] =	wrdreg $0xA8000  }
0xb0: {  	[dreg:$0x4] =	wrdreg $0x9  }
0xb1: {  	_ =	task.clear_ibuf [dreg:s6], $0x5FFFF;
	_ =	strace $0x9000004C  }
0xb2: {  	s29 =	simm.s32 $0x9;
	_ =	strace $0x8000004E  }
0xb3: {  	_ =	swait.ge [sflag:s29], $0x1  }
0xb4: {  	[sflag:s29] =	ssyncadd.s32 $0xFFFFFFFF  }
0xb5: {  	_ =	strace $0x9000004E  }
0xb6: {  	_ =	sfence  }
0xb7: {  	s30 =	sld [smem:$0x0];
	_ =	sdelay $0x2  }
0xb8: {  	s31 =	sshll.u32 s1, $0xD;
	s1 =	sshrl.u32 s1, $0x2  }
0xb9: {  	s3 =	sand.u32 $0x4000, s31;
	s1 =	sadd.s32 s1, s30  }
0xba: {  	s0 =	sor.u32 s3, s0;
	s1 =	sshll.u32 s1, $0x11  }
0xbb: {  	s0 =	sor.u32 s1, s0  }
0xbc: {  	s0 =	sadd.s32 $0x8F2B, s0  }
0xbd: {  	[sflag:s0] =	ssyncadd.remote.s32 $0x1  }
0xbe: {  	_ =	sfence.sel $0xFFFF  }
0xbf: {  	[dreg:$0x0] =	wrdreg $0xFFFFFFFF;
	(pc) =	sbr.abs _section_cstart, $3  }
0xc0: {  	[dreg:$0x1] =	wrdreg $0xFFFFFFFF  }
0xc1: {  	_ =	task.clear_ibuf [dreg:s6], $0x2FFFF;
	_ =	strace $0x9FFFFFFF  }
0xc2: {  	(tm) =	ssettm $0x7FFFFFFF  }
0xc3: {  	_ =	shalt  }
tec
execute0_lowered:
.L_overlay_start_1:
0x0: {  	(tag) =	ssettag $0x1  }
0x1: {  	s6 =	rddreg [dreg:$0x0]  }
0x2: {  	s1 =	rddreg [dreg:$0x1]  }
0x3: {  	s0 =	rddreg [dreg:$0x2]  }
0x4: {  	s2 =	simm.s32 $0x0;
	s3 =	srdreg.scid;
	s18 =	simm.s32 $0x1400  }
0x5: {  	s19 =	simm.s32 $0x80;
	s20 =	simm.s32 $0x6800;
	s21 =	simm.s32 $0x1  }
0x6: {  	s22 =	simm.s32 $0x2;
	s23 =	simm.s32 $0x2700;
	s26 =	simm.s32 $0x0  }
0x7: {  	[smem:$0x7FF] =	sst s2;
	s7 =	sand.u32 $0x1, s3;
	s3 =	stileid.u32  }
0x8: {  	s4 =	sadd.s32 $0x7B000, s6;
	s14 =	sadd.s32 $0x22000, s6;
	s8 =	smul.u32 $0x27800, s7  }
0x9: {  	s15 =	sadd.s32 $0x18000, s6;
	s5 =	sadd.s32 $0x3C00, s6;
	s9 =	smul.u32 $0x4F000, s3  }
0xa: {  	_ =	strace $0x8000004D;
	s29 =	ssub.s32 $0x2, s7;
	s12 =	smul.u32 $0x500, s3  }
0xb: {  	p0 =	seq.s32 s7, $0x0;
	s25 =	smul.u32 $0x2780, s3;
	s31 =	sshrl.u32 s29, $0x1  }
0xc: {  	s11 =	sadd.s32 s8, s6;
	s30 =	sshrl.u32 s9, $0x2;
	s13 =	ssub.s32 s29, s31  }
0xd: {  	s16 =	sadd.s32 $0x5000, s12;
	s6 =	sadd.s32 s30, s1;
	s24 =	sadd.s32 $0xA2200, s11  }
0xe: {  	s16 =	smov.u32 @p0 s12;
	s11 =	smax.u32 s13, $0x1;
	s7 =	sadd.s32 $0x4000, s6  }
0xf: {  	s8 =	sadd.s32 $0x8000, s6;
	s9 =	sadd.s32 $0xC000, s6;
	s10 =	sadd.s32 $0x10000, s6  }
0x10: {  	s17 =	sadd.s32 $0x280, s16;
	s12 =	sadd.s32 s14, s16;
	s13 =	sadd.s32 s15, s16  }
0x11: {  	s16 =	simm.s32 $0x2800;
	s24 =	sadd.s32 s25, s24;
	s25 =	simm.s32 $0x2780  }
0x12: {  	s14 =	sadd.s32 s14, s17;
	s15 =	sadd.s32 s15, s17;
	s17 =	simm.s32 $0x3  }
.LBB2_1:
0x13: {  	[tilespmem:s16], [sflag:$0x3] =	stream.linear.gather [hbm4b:s5+s2], $0x4000, $0x38;
	[tilespmem:$0x1E400] =	vst v63  }
0x14: {  	_ =	swait.ge [sflag:s17], $0x4000  }
0x15: {  	[sflag:s17] =	ssyncset.done $0x0  }
0x16: {  	[sflag:s17] =	ssyncadd.s32 $0xFFFFC000  }
0x17: {  	[spmem:s6] =	stream.linear.scatter [tilespmem:s16], [sflag:$0x3], $0x4000, $0x38;
	[tilespmem:$0x1E400] =	vst v63  }
0x18: {  	_ =	swait.ge [sflag:s17], $0x4000  }
0x19: {  	[sflag:s17] =	ssyncset.done $0x0  }
0x1a: {  	[sflag:s17] =	ssyncadd.s32 $0xFFFFC000  }
0x1b: {  	[spmem:s7] =	stream.linear.scatter [tilespmem:s16], [sflag:$0x3], $0x4000, $0x38;
	[tilespmem:$0x1E400] =	vst v63  }
0x1c: {  	_ =	swait.ge [sflag:s17], $0x4000  }
0x1d: {  	[sflag:s17] =	ssyncset.done $0x0  }
0x1e: {  	[sflag:s17] =	ssyncadd.s32 $0xFFFFC000  }
0x1f: {  	[spmem:s8] =	stream.linear.scatter [tilespmem:s16], [sflag:$0x3], $0x4000, $0x38;
	[tilespmem:$0x1E400] =	vst v63  }
0x20: {  	_ =	swait.ge [sflag:s17], $0x4000  }
0x21: {  	[sflag:s17] =	ssyncset.done $0x0  }
0x22: {  	[sflag:s17] =	ssyncadd.s32 $0xFFFFC000  }
0x23: {  	[spmem:s9] =	stream.linear.scatter [tilespmem:s16], [sflag:$0x3], $0x4000, $0x38;
	[tilespmem:$0x1E400] =	vst v63  }
0x24: {  	_ =	swait.ge [sflag:s17], $0x4000  }
0x25: {  	[sflag:s17] =	ssyncset.done $0x0  }
0x26: {  	[sflag:s17] =	ssyncadd.s32 $0xFFFFC000  }
0x27: {  	[spmem:s10] =	stream.linear.scatter [tilespmem:s16], [sflag:$0x3], $0x3C00, $0x38;
	[tilespmem:$0x1E400] =	vst v63  }
0x28: {  	_ =	swait.ge [sflag:s17], $0x3C00  }
0x29: {  	[sflag:s17] =	ssyncset.done $0x0  }
0x2a: {  	[sflag:s17] =	ssyncadd.s32 $0xFFFFC400  }
0x2b: {  	[bflag:$0x0] =	sbarrier.arrive $0xFFFF  }
0x2c: {  	[tilespmem:s2], [sflag:$0x3] =	stream.linear.gather [hbm4b:s12+s2], $0x1400, $0x38;
	[tilespmem:$0x1E400] =	vst v63  }
0x2d: {  	_ =	swait.ge [sflag:s17], $0x1400  }
0x2e: {  	[sflag:s17] =	ssyncset.done $0x0  }
0x2f: {  	[sflag:s17] =	ssyncadd.s32 $0xFFFFEC00  }
0x30: {  	[tilespmem:s18], [sflag:$0x3] =	stream.linear.gather [hbm4b:s13+s2], $0x1400, $0x38;
	[tilespmem:$0x1E400] =	vst v63  }
0x31: {  	_ =	swait.ge [sflag:s17], $0x1400  }
0x32: {  	[sflag:s17] =	ssyncset.done $0x0  }
0x33: {  	[sflag:s17] =	ssyncadd.s32 $0xFFFFEC00  }
0x34: {  	[tilespmem:s16], [sflag:$0x1] =	stream.indirect.gather [hbm4b:s4+s19], $0x80, s2, s19, $0xb8;
	[tilespmem:$0x1E400] =	vst v63  }
0x35: {  	_ = 	snop  }
0x36: {  	[tilespmem:s20], [sflag:$0x2] =	stream.indirect.gather [hbm4b:s4+s19], $0x80, s19, s19, $0xb8;
	[tilespmem:$0x1E400] =	vst v63  }
0x37: {  	_ =	swait.ge [sflag:s21], $0x4000  }
0x38: {  	[sflag:s21] =	ssyncset.done $0x0  }
0x39: {  	s28 =	simm.s32 $0x1400;
	[sflag:s21] =	ssyncadd.s32 $0xFFFFC000  }
0x3a: {  	[spmem:s1] =	stream.indirect.scatter.add.f32 [tilespmem:s16], [sflag:$0x3], $0x80, s28, s19, $0xb8;
	[tilespmem:$0x1E400] =	vst v63  }
0x3b: {  	_ =	swait.ge [sflag:s17], $0x4000  }
0x3c: {  	[sflag:s17] =	ssyncset.done $0x0  }
0x3d: {  	s28 =	simm.s32 $0x100;
	[sflag:s17] =	ssyncadd.s32 $0xFFFFC000  }
0x3e: {  	[tilespmem:s16], [sflag:$0x1] =	stream.indirect.gather [hbm4b:s4+s19], $0x80, s28, s19, $0xb8;
	[tilespmem:$0x1E400] =	vst v63  }
0x3f: {  	_ =	swait.ge [sflag:s22], $0x4000  }
0x40: {  	[sflag:s22] =	ssyncset.done $0x0  }
0x41: {  	s28 =	simm.s32 $0x1480;
	[sflag:s22] =	ssyncadd.s32 $0xFFFFC000  }
0x42: {  	[spmem:s1] =	stream.indirect.scatter.add.f32 [tilespmem:s20], [sflag:$0x3], $0x80, s28, s19, $0xb8;
	[tilespmem:$0x1E400] =	vst v63  }
0x43: {  	_ =	swait.ge [sflag:s17], $0x4000  }
0x44: {  	[sflag:s17] =	ssyncset.done $0x0  }
0x45: {  	s29 =	simm.s32 $0x180;
	s28 =	simm.s32 $0x400;
	[sflag:s17] =	ssyncadd.s32 $0xFFFFC000  }
.LBB2_2:
0x46: {  	[tilespmem:s20], [sflag:$0x2] =	stream.indirect.gather [hbm4b:s4+s19], $0x80, s29, s19, $0xb8;
	[tilespmem:$0x1E400] =	vst v63  }
0x47: {  	s29 =	smov.u32 s28  }
0x48: {  	p0 =	sne.s32 s28, $0x4800;
	s28 =	sadd.s32 $0x400, s28;
	_ =	swait.ge [sflag:s21], $0x4000  }
0x49: {  	s29 =	sshra.s32 s29, $0x2;
	[sflag:s21] =	ssyncset.done $0x0  }
0x4a: {  	s30 =	sadd.s32 $0x1400, s29;
	[sflag:s21] =	ssyncadd.s32 $0xFFFFC000  }
0x4b: {  	[spmem:s1] =	stream.indirect.scatter.add.f32 [tilespmem:s16], [sflag:$0x3], $0x80, s30, s19, $0xb8;
	[tilespmem:$0x1E400] =	vst v63  }
0x4c: {  	_ =	swait.ge [sflag:s17], $0x4000  }
0x4d: {  	[sflag:s17] =	ssyncset.done $0x0  }
0x4e: {  	s30 =	sadd.s32 $0x100, s29;
	[sflag:s17] =	ssyncadd.s32 $0xFFFFC000  }
0x4f: {  	[tilespmem:s16], [sflag:$0x1] =	stream.indirect.gather [hbm4b:s4+s19], $0x80, s30, s19, $0xb8;
	[tilespmem:$0x1E400] =	vst v63  }
0x50: {  	_ =	swait.ge [sflag:s22], $0x4000  }
0x51: {  	[sflag:s22] =	ssyncset.done $0x0  }
.Ltmp0:
0x52: {  	s30 =	sadd.s32 $0x1480, s29;
	[sflag:s22] =	ssyncadd.s32 $0xFFFFC000;
	(pc) =	sbr.rel @p0 .LBB2_2-.Ltmp0, $4  }
0x53: {  	[spmem:s1] =	stream.indirect.scatter.add.f32 [tilespmem:s20], [sflag:$0x3], $0x80, s30, s19, $0xb8;
	[tilespmem:$0x1E400] =	vst v63  }
0x54: {  	_ =	swait.ge [sflag:s17], $0x4000  }
0x55: {  	[sflag:s17] =	ssyncset.done $0x0  }
0x56: {  	s29 =	sadd.s32 $0x180, s29;
	[sflag:s17] =	ssyncadd.s32 $0xFFFFC000  }
0x57: {  	[tilespmem:s20], [sflag:$0x2] =	stream.indirect.gather [hbm4b:s4+s19], $0x80, s29, s19, $0xb8;
	[tilespmem:$0x1E400] =	vst v63  }
0x58: {  	_ =	swait.ge [sflag:s21], $0x4000  }
0x59: {  	[sflag:s21] =	ssyncset.done $0x0  }
0x5a: {  	[sflag:s21] =	ssyncadd.s32 $0xFFFFC000  }
0x5b: {  	[spmem:s1] =	stream.indirect.scatter.add.f32 [tilespmem:s16], [sflag:$0x3], $0x80, s23, s19, $0xb8;
	[tilespmem:$0x1E400] =	vst v63  }
0x5c: {  	_ =	swait.ge [sflag:s17], $0x4000  }
0x5d: {  	[sflag:s17] =	ssyncset.done $0x0  }
0x5e: {  	[sflag:s17] =	ssyncadd.s32 $0xFFFFC000  }
0x5f: {  	_ =	swait.ge [sflag:s22], $0x4000  }
0x60: {  	[sflag:s22] =	ssyncset.done $0x0  }
0x61: {  	[sflag:s22] =	ssyncadd.s32 $0xFFFFC000  }
0x62: {  	[spmem:s1] =	stream.indirect.scatter.add.f32 [tilespmem:s20], [sflag:$0x3], $0x80, s25, s19, $0xb8;
	[tilespmem:$0x1E400] =	vst v63  }
0x63: {  	_ =	swait.ge [sflag:s17], $0x4000  }
0x64: {  	[sflag:s17] =	ssyncset.done $0x0  }
0x65: {  	s28 =	simm.s32 $0x0;
	[sflag:s17] =	ssyncadd.s32 $0xFFFFC000  }
0x66: {  	[tilespmem:s28], [sflag:$0x3] =	stream.linear.gather [hbm4b:s14+s28], $0x1400, $0x38;
	[tilespmem:$0x1E400] =	vst v63  }
0x67: {  	_ =	swait.ge [sflag:s17], $0x1400  }
0x68: {  	[sflag:s17] =	ssyncset.done $0x0  }
0x69: {  	[sflag:s17] =	ssyncadd.s32 $0xFFFFEC00  }
0x6a: {  	[tilespmem:s18], [sflag:$0x3] =	stream.linear.gather [hbm4b:s15+s28], $0x1400, $0x38;
	[tilespmem:$0x1E400] =	vst v63  }
0x6b: {  	_ =	swait.ge [sflag:s17], $0x1400  }
0x6c: {  	[sflag:s17] =	ssyncset.done $0x0  }
0x6d: {  	[sflag:s17] =	ssyncadd.s32 $0xFFFFEC00  }
0x6e: {  	[tilespmem:s16], [sflag:$0x1] =	stream.indirect.gather [hbm4b:s4+s19], $0x80, s28, s19, $0xb8;
	[tilespmem:$0x1E400] =	vst v63  }
0x6f: {  	_ = 	snop  }
0x70: {  	[tilespmem:s20], [sflag:$0x2] =	stream.indirect.gather [hbm4b:s4+s19], $0x80, s19, s19, $0xb8;
	[tilespmem:$0x1E400] =	vst v63  }
0x71: {  	_ =	swait.ge [sflag:s21], $0x4000  }
0x72: {  	[sflag:s21] =	ssyncset.done $0x0  }
0x73: {  	s28 =	simm.s32 $0x1400;
	[sflag:s21] =	ssyncadd.s32 $0xFFFFC000  }
0x74: {  	[spmem:s1] =	stream.indirect.scatter.add.f32 [tilespmem:s16], [sflag:$0x3], $0x80, s28, s19, $0xb8;
	[tilespmem:$0x1E400] =	vst v63  }
0x75: {  	_ =	swait.ge [sflag:s17], $0x4000  }
0x76: {  	[sflag:s17] =	ssyncset.done $0x0  }
0x77: {  	s28 =	simm.s32 $0x100;
	[sflag:s17] =	ssyncadd.s32 $0xFFFFC000  }
0x78: {  	[tilespmem:s16], [sflag:$0x1] =	stream.indirect.gather [hbm4b:s4+s19], $0x80, s28, s19, $0xb8;
	[tilespmem:$0x1E400] =	vst v63  }
0x79: {  	_ =	swait.ge [sflag:s22], $0x4000  }
0x7a: {  	[sflag:s22] =	ssyncset.done $0x0  }
0x7b: {  	s28 =	simm.s32 $0x1480;
	[sflag:s22] =	ssyncadd.s32 $0xFFFFC000  }
0x7c: {  	[spmem:s1] =	stream.indirect.scatter.add.f32 [tilespmem:s20], [sflag:$0x3], $0x80, s28, s19, $0xb8;
	[tilespmem:$0x1E400] =	vst v63  }
0x7d: {  	_ =	swait.ge [sflag:s17], $0x4000  }
0x7e: {  	[sflag:s17] =	ssyncset.done $0x0  }
0x7f: {  	s29 =	simm.s32 $0x180;
	s28 =	simm.s32 $0x400;
	[sflag:s17] =	ssyncadd.s32 $0xFFFFC000  }
.LBB2_4:
0x80: {  	[tilespmem:s20], [sflag:$0x2] =	stream.indirect.gather [hbm4b:s4+s19], $0x80, s29, s19, $0xb8;
	[tilespmem:$0x1E400] =	vst v63  }
0x81: {  	s29 =	smov.u32 s28  }
0x82: {  	p0 =	sne.s32 s28, $0x4800;
	s28 =	sadd.s32 $0x400, s28;
	_ =	swait.ge [sflag:s21], $0x4000  }
0x83: {  	s29 =	sshra.s32 s29, $0x2;
	[sflag:s21] =	ssyncset.done $0x0  }
0x84: {  	s30 =	sadd.s32 $0x1400, s29;
	[sflag:s21] =	ssyncadd.s32 $0xFFFFC000  }
0x85: {  	[spmem:s1] =	stream.indirect.scatter.add.f32 [tilespmem:s16], [sflag:$0x3], $0x80, s30, s19, $0xb8;
	[tilespmem:$0x1E400] =	vst v63  }
0x86: {  	_ =	swait.ge [sflag:s17], $0x4000  }
0x87: {  	[sflag:s17] =	ssyncset.done $0x0  }
0x88: {  	s30 =	sadd.s32 $0x100, s29;
	[sflag:s17] =	ssyncadd.s32 $0xFFFFC000  }
0x89: {  	[tilespmem:s16], [sflag:$0x1] =	stream.indirect.gather [hbm4b:s4+s19], $0x80, s30, s19, $0xb8;
	[tilespmem:$0x1E400] =	vst v63  }
0x8a: {  	_ =	swait.ge [sflag:s22], $0x4000  }
0x8b: {  	[sflag:s22] =	ssyncset.done $0x0  }
.Ltmp1:
0x8c: {  	s30 =	sadd.s32 $0x1480, s29;
	[sflag:s22] =	ssyncadd.s32 $0xFFFFC000;
	(pc) =	sbr.rel @p0 .LBB2_4-.Ltmp1, $4  }
0x8d: {  	[spmem:s1] =	stream.indirect.scatter.add.f32 [tilespmem:s20], [sflag:$0x3], $0x80, s30, s19, $0xb8;
	[tilespmem:$0x1E400] =	vst v63  }
0x8e: {  	_ =	swait.ge [sflag:s17], $0x4000  }
0x8f: {  	[sflag:s17] =	ssyncset.done $0x0  }
0x90: {  	s29 =	sadd.s32 $0x180, s29;
	[sflag:s17] =	ssyncadd.s32 $0xFFFFC000  }
0x91: {  	[tilespmem:s20], [sflag:$0x2] =	stream.indirect.gather [hbm4b:s4+s19], $0x80, s29, s19, $0xb8;
	[tilespmem:$0x1E400] =	vst v63  }
0x92: {  	_ =	swait.ge [sflag:s21], $0x4000  }
0x93: {  	[sflag:s21] =	ssyncset.done $0x0  }
0x94: {  	[sflag:s21] =	ssyncadd.s32 $0xFFFFC000  }
0x95: {  	[spmem:s1] =	stream.indirect.scatter.add.f32 [tilespmem:s16], [sflag:$0x3], $0x80, s23, s19, $0xb8;
	[tilespmem:$0x1E400] =	vst v63  }
0x96: {  	_ =	swait.ge [sflag:s17], $0x4000  }
0x97: {  	[sflag:s17] =	ssyncset.done $0x0  }
0x98: {  	[sflag:s17] =	ssyncadd.s32 $0xFFFFC000  }
0x99: {  	_ =	swait.ge [sflag:s22], $0x4000  }
0x9a: {  	[sflag:s22] =	ssyncset.done $0x0  }
0x9b: {  	[sflag:s22] =	ssyncadd.s32 $0xFFFFC000  }
0x9c: {  	[spmem:s1] =	stream.indirect.scatter.add.f32 [tilespmem:s20], [sflag:$0x3], $0x80, s25, s19, $0xb8;
	[tilespmem:$0x1E400] =	vst v63  }
0x9d: {  	_ =	swait.ge [sflag:s17], $0x4000  }
0x9e: {  	s28 =	sshll.u32 s3, $0x6;
	s26 =	sadd.s32 $0x1, s26;
	[sflag:s17] =	ssyncset.done $0x0  }
0x9f: {  	s31 =	sshrl.u32 s6, $0x3;
	p0 =	sne.s32 s26, s11;
	[sflag:s17] =	ssyncadd.s32 $0xFFFFC000  }
.Ltmp2:
0xa0: {  	s28 =	sor.u32 $0x1C03, s28;
	[bflag:$0x0] =	sbarrier.arrive $0xFFFF;
	(pc) =	sbr.rel @p0 .LBB2_1-.Ltmp2, $4  }
0xa1: {  	[hbm:s24], [sflag:s28] =	dma.local [spmem:s31], $0x2780  }
0xa2: {  	_ =	swait.ge [sflag:s17], $0x2780  }
0xa3: {  	[sflag:s17] =	ssyncset.done $0x0  }
0xa4: {  	[sflag:s17] =	ssyncadd.s32 $0xFFFFD880  }
0xa5: {  	_ =	sfence.sel $0x180000  }
0xa6: {  	[bflag:$0x0] =	sbarrier.arrive $0xFFFF  }
0xa7: {  	p0 =	sne.s32 s3, $0x0;
	_ =	strace $0x9000004D  }
0xa8: {  	s0 =	sadd.s32 @!p0 $0x100000, s0;
	[bflag:$0x2] =	sbarrier.arrive $0xFFFF  }
0xa9: {  	[sflag:s0] =	ssyncadd.tile.s32 @!p0 $0x1;
	_ =	shalt  }
.Lfunc_end2:
_tile_overlayer_lowered:
.L_overlay_start_2:
0xaa: {  	(tag) =	ssettag $0x2  }
0xab: {  	s0 =	rddreg [dreg:$0x0];
	s2 =	stileid.u32  }
0xac: {  	s1 =	rddreg [dreg:$0x1];
	p0 =	sne.s32 s2, $0x0  }
0xad: {  	s3 =	rddreg [dreg:$0x2];
	[bflag:$0x3] =	sbarrier.arrive $0xFFFF;
	s2 =	simm.s32 @!p0 $0x1C03  }
0xae: {  	[timem:s3], [sflag:s2] =	dma.local @!p0 [hbm:s0], s1  }
0xaf: {  	s0 =	simm.s32 @!p0 $0x3  }
0xb0: {  	_ =	swait.ge @!p0 [sflag:s0], s1  }
0xb1: {  	s1 =	ssub.s32 @!p0 $0x0, s1;
	[sflag:s0] =	ssyncset.done @!p0 $0x0  }
0xb2: {  	[sflag:s0] =	ssyncadd.s32 @!p0 s1  }
0xb3: {  	[bflag:$0x3] =	sbarrier.arrive $0xFFFF  }
0xb4: {  	_ =	shalt  }

// kernel: kernel.19.cloned.1.call-start
scs
__scs_entry_jumppad:
0x0: {  	(pc) =	sbr.rel $0x88, $3  }
0x1: {  	(tag) =	ssettag $0x0;
	lr =	simm.s32 $0x1  }
0x2: {  	[smem:$0x3F96] =	sst lr;
	_ =	strace $0xD0000000  }
0x3: {  	_ = 	snop  }
0x4: {  	_ = 	snop  }
0x5: {  	_ = 	snop  }
0x6: {  	_ = 	snop  }
0x7: {  	_ = 	snop  }
__scs_overlays_trampoline_lowered:
0x8: {  	[smem:$0x3FA5] =	sst s0  }
0x9: {  	[smem:$0x3FA6] =	sst s1  }
0xa: {  	[smem:$0x3FA7] =	sst s2  }
0xb: {  	[smem:$0x3FA8] =	sst s3  }
0xc: {  	[smem:$0x3FA9] =	sst s4  }
0xd: {  	[smem:$0x3FAA] =	sst s5  }
0xe: {  	[smem:$0x3FAB] =	sst s6  }
0xf: {  	[smem:$0x3FAC] =	sst s7  }
0x10: {  	[smem:$0x3FAD] =	sst s8  }
0x11: {  	[smem:$0x3FAE] =	sst s9;
	s0 =	simm.s32 @!p0 $0x0  }
0x12: {  	s1 =	sld [smem:$0x3F94];
	s0 =	simm.s32 @p0 $0x1  }
0x13: {  	[smem:$0x3FAF] =	sst s0;
	s0 =	simm.s32 @!p1 $0x0  }
0x14: {  	s2 =	sld [smem:$0x3F93];
	s0 =	simm.s32 @p1 $0x1  }
0x15: {  	[smem:$0x3FB0] =	sst s0;
	s0 =	simm.s32 @!p2 $0x0  }
0x16: {  	s3 =	sld [smem:$0x3FDB];
	s0 =	simm.s32 @p2 $0x1  }
0x17: {  	s4 =	simm.s32 $0x1BF5;
	[smem:$0x3FB2] =	sst s0  }
0x18: {  	s0 =	sld [smem:$0x3F95];
	_ =	swait.ge [sflag:s4], $0x0  }
0x19: {  	s7 =	sld [smem:$0x3F96]  }
0x1a: {  	s8 =	sadd.s32 $0xFFFFE003, lr  }
0x1b: {  	s9 =	sadd.s32 $0xFFFFFEF7, lr;
	s5 =	simm.s32 $0xFFFFFFFF;
	p2 =	slt.u32 s8, $0xFFFFF086  }
0x1c: {  	p1 =	slt.u32 s9, $0xF7A;
	s5 =	simm.s32 @!p2 $0x0  }
0x1d: {  	s5 =	simm.s32 @p1 $0x1;
	p0 =	seq.s32 s7, s2  }
0x1e: {  	s7 =	smul.u32 @!p0 $0xF7A, s2;
	p2 =	seq.s32 @!p0 s5, $0x0  }
0x1f: {  	s9 =	smul.u32 $0xF7A, s1;
	s8 =	simm.s32 @!p0 $0x1BF5;
	p2 =	por !p2, p0  }
0x20: {  	[sflag:s8] =	ssyncset.s32 @!p0 $0xFFFFF086;
	s6 =	sadd.s32 @!p0 s3, s7;
	s7 =	simm.s32 @!p0 $0x108  }
0x21: {  	s3 =	sadd.s32 s3, s9;
	s6 =	sadd.s32 @!p0 $0x88, s6;
	s7 =	simm.s32 @p2 $0x1082  }
0x22: {  	[simem:s7], [sflag:s8] =	dma.local @!p0 [hbm:s6], $0xF7A  }
0x23: {  	s9 =	sor.u32 $0xD0000000, s2;
	s6 =	simm.s32 $0x108;
	_ =	swait.ge @!p0 [sflag:s8], $0x0  }
0x24: {  	s3 =	sadd.s32 $0x88, s3;
	s6 =	simm.s32 @!p1 $0x1082;
	[sflag:s4] =	ssyncset.s32 $0xFFFFF086  }
0x25: {  	[simem:s6], [sflag:s4] =	dma.local [hbm:s3], $0xF7A  }
0x26: {  	[smem:$0x3F96] =	sst s1;
	(tag) =	ssettag s2;
	_ =	strace s9  }
0x27: {  	s1 =	sld [smem:$0x3FA6]  }
0x28: {  	s2 =	sld [smem:$0x3FA7]  }
0x29: {  	s4 =	sld [smem:$0x3FA9]  }
0x2a: {  	p0 =	seq.s32 s5, $0x0;
	s5 =	sld [smem:$0x3FAA]  }
0x2b: {  	s6 =	sld [smem:$0x3FAB]  }
0x2c: {  	s7 =	sld [smem:$0x3FAC]  }
0x2d: {  	s3 =	simm.s32 $0x108;
	s8 =	sld [smem:$0x3FAD]  }
0x2e: {  	s3 =	simm.s32 @!p0 $0x1082;
	s9 =	sld [smem:$0x3FAE]  }
0x2f: {  	lr =	sadd.s32 s0, s3;
	s0 =	sld [smem:$0x3FA5]  }
0x30: {  	s3 =	sld [smem:$0x3FA8]  }
0x31: {  	[smem:$0x3FB1] =	sst s10  }
0x32: {  	s10 =	sld [smem:$0x3FAF];
	_ =	sdelay $0x3  }
0x33: {  	p0 =	seq.s32 s10, $0x1;
	s10 =	sld [smem:$0x3FB1];
	_ =	sdelay $0x3  }
0x34: {  	[smem:$0x3FB1] =	sst s10  }
0x35: {  	s10 =	sld [smem:$0x3FB0];
	_ =	sdelay $0x3  }
0x36: {  	p1 =	seq.s32 s10, $0x1;
	s10 =	sld [smem:$0x3FB1];
	_ =	sdelay $0x3  }
0x37: {  	[smem:$0x3FB1] =	sst s10  }
0x38: {  	s10 =	sld [smem:$0x3FB2]  }
0x39: {  	_ = 	snop;
	(pc) =	sbr.ind lr, $3  }
0x3a: {  	_ = 	snop  }
0x3b: {  	_ = 	snop  }
0x3c: {  	p2 =	seq.s32 s10, $0x1;
	s10 =	sld [smem:$0x3FB1]  }
0x3d: {  	_ =	shalt  }
0x3e: {  	_ =	shalt  }
0x3f: {  	_ =	shalt  }
0x40: {  	_ =	shalt  }
0x41: {  	_ =	shalt  }
0x42: {  	_ =	shalt  }
0x43: {  	_ =	shalt  }
0x44: {  	_ =	shalt  }
0x45: {  	_ =	shalt  }
0x46: {  	_ =	shalt  }
0x47: {  	_ =	shalt  }
0x48: {  	_ =	shalt  }
0x49: {  	_ =	shalt  }
0x4a: {  	_ =	shalt  }
0x4b: {  	_ =	shalt  }
0x4c: {  	_ =	shalt  }
0x4d: {  	_ =	shalt  }
0x4e: {  	_ =	shalt  }
0x4f: {  	_ =	shalt  }
0x50: {  	_ =	shalt  }
0x51: {  	_ =	shalt  }
0x52: {  	_ =	shalt  }
0x53: {  	_ =	shalt  }
0x54: {  	_ =	shalt  }
0x55: {  	_ =	shalt  }
0x56: {  	_ =	shalt  }
0x57: {  	_ =	shalt  }
0x58: {  	_ =	shalt  }
0x59: {  	_ =	shalt  }
0x5a: {  	_ =	shalt  }
0x5b: {  	_ =	shalt  }
0x5c: {  	_ =	shalt  }
0x5d: {  	_ =	shalt  }
0x5e: {  	_ =	shalt  }
0x5f: {  	_ =	shalt  }
0x60: {  	_ =	shalt  }
0x61: {  	_ =	shalt  }
0x62: {  	_ =	shalt  }
0x63: {  	_ =	shalt  }
0x64: {  	_ =	shalt  }
0x65: {  	_ =	shalt  }
0x66: {  	_ =	shalt  }
0x67: {  	_ =	shalt  }
0x68: {  	_ =	shalt  }
0x69: {  	_ =	shalt  }
0x6a: {  	_ =	shalt  }
0x6b: {  	_ =	shalt  }
0x6c: {  	_ =	shalt  }
0x6d: {  	_ =	shalt  }
0x6e: {  	_ =	shalt  }
0x6f: {  	_ =	shalt  }
0x70: {  	_ =	shalt  }
0x71: {  	_ =	shalt  }
0x72: {  	_ =	shalt  }
0x73: {  	_ =	shalt  }
0x74: {  	_ =	shalt  }
0x75: {  	_ =	shalt  }
0x76: {  	_ =	shalt  }
0x77: {  	_ =	shalt  }
0x78: {  	_ =	shalt  }
0x79: {  	_ =	shalt  }
0x7a: {  	_ =	shalt  }
0x7b: {  	_ =	shalt  }
0x7c: {  	_ =	shalt  }
0x7d: {  	_ =	shalt  }
0x7e: {  	_ =	shalt  }
0x7f: {  	_ =	shalt  }
0x80: {  	_ =	shalt  }
0x81: {  	_ =	shalt  }
0x82: {  	_ =	shalt  }
0x83: {  	_ =	shalt  }
0x84: {  	_ =	shalt  }
0x85: {  	_ =	shalt  }
0x86: {  	_ =	shalt  }
0x87: {  	_ =	shalt  }
.Lfunc_end0:
.L_simem_size_0:
called_computation.3_lowered:
.L_overlay_start_0:
0x88: {  	s2 =	sld [smem:$0x3FD9]  }
0x89: {  	s3 =	sld [smem:$0x3FFE];
	_ =	sdelay $0x1  }
0x8a: {  	s1 =	srdreg.scid  }
0x8b: {  	s0 =	sand.u32 $0x1, s1  }
0x8c: {  	s16 =	sshll.u32 s0, $0xA;
	s2 =	sadd.s32 s3, s2  }
0x8d: {  	s2 =	sadd.s32 s2, s16  }
0x8e: {  	[smem:$0x3FBD] =	sst s2  }
0x8f: {  	_ = 	snop  }
0x90: {  	(tm) =	ssettm $0x1  }
0x91: {  	s17 =	sld [smem:$0x3FFB];
	_ =	sdelay $0x3  }
0x92: {  	_ =	strace s17  }
0x93: {  	s2 =	sld [smem:$0x3FFC];
	_ =	sdelay $0x3  }
0x94: {  	_ =	strace s2  }
0x95: {  	s2 =	sld [smem:$0x3FFD];
	_ =	sdelay $0x3  }
0x96: {  	_ =	strace s2  }
0x97: {  	_ =	strace $0x8FFFFFFF  }
0x98: {  	s18 =	sld [smem:$0x3FDB];
	_ =	sdelay $0x1  }
0x99: {  	s19 =	simm.s32 $_scs_section_size  }
0x9a: {  	s4 =	simm.s32 $_size__tile_overlayer_lowered;
	s5 =	simm.s32 $_tile_overlayer_lowered  }
0x9b: {  	s22 =	simm.s32 $0x1BFF;
	s21 =	sshll.u32 s5, $0x1;
	s2 =	sadd.s32 s19, s18  }
0x9c: {  	s6 =	simm.s32 $0x0;
	s20 =	sshll.u32 s4, $0x1;
	s4 =	sadd.s32 s21, s2  }
0x9d: {  	[timem:s6], [sflag:s22] =	dma.local [hbm:s4], s20  }
0x9e: {  	_ =	swait.ge [sflag:s22], s20  }
0x9f: {  	s3 =	ssub.s32 $0x0, s20;
	[sflag:s22] =	ssyncset.done $0x0  }
0xa0: {  	[sflag:s22] =	ssyncadd.s32 s3;
	_ =	sdelay $0x1  }
0xa1: {  	s23 =	simm.s32 $0x1B8B  }
0xa2: {  	_ =	swait.ge [sflag:s23], $0x1  }
0xa3: {  	[sflag:s23] =	ssyncset.done $0x0  }
0xa4: {  	s25 =	simm.s32 $0x1B8E;
	s24 =	sld [smem:$0x3FFE];
	[sflag:s23] =	ssyncadd.s32 $0xFFFFFFFF  }
0xa5: {  	s26 =	simm.s32 $execute0_lowered;
	[smem:$0x3FD2] =	sst s25  }
0xa6: {  	s4 =	sshll.u32 s26, $0x1;
	_ =	strace $0x8000004F;
	[dreg:$0x1] =	wrdreg $0xFFFFFFFF  }
0xa7: {  	s28 =	simm.s32 $_size_execute0_lowered;
	s2 =	sadd.s32 s2, s4;
	[dreg:$0x0] =	wrdreg $0x0  }
0xa8: {  	s4 =	sshll.u32 s28, $0x1;
	[dreg:$0x2] =	wrdreg s2  }
0xa9: {  	[dreg:$0x3] =	wrdreg s4  }
0xaa: {  	[dreg:$0x4] =	wrdreg $0xC0  }
0xab: {  	_ =	task [dreg:s6], $0x5FFFF  }
0xac: {  	[dreg:$0x1] =	wrdreg $0xFFFFFFFF  }
0xad: {  	[dreg:$0x0] =	wrdreg $0x60  }
0xae: {  	[dreg:$0x2] =	wrdreg s24  }
0xaf: {  	[dreg:$0x3] =	wrdreg $0xA8000  }
0xb0: {  	[dreg:$0x4] =	wrdreg $0x9  }
0xb1: {  	_ =	task.clear_ibuf [dreg:s6], $0x5FFFF;
	_ =	strace $0x9000004F  }
0xb2: {  	s29 =	simm.s32 $0x9;
	_ =	strace $0x80000051  }
0xb3: {  	_ =	swait.ge [sflag:s29], $0x1  }
0xb4: {  	[sflag:s29] =	ssyncadd.s32 $0xFFFFFFFF  }
0xb5: {  	_ =	strace $0x90000051  }
0xb6: {  	_ =	sfence  }
0xb7: {  	s30 =	sld [smem:$0x0];
	_ =	sdelay $0x2  }
0xb8: {  	s31 =	sshll.u32 s1, $0xD;
	s1 =	sshrl.u32 s1, $0x2  }
0xb9: {  	s3 =	sand.u32 $0x4000, s31;
	s1 =	sadd.s32 s1, s30  }
0xba: {  	s0 =	sor.u32 s3, s0;
	s1 =	sshll.u32 s1, $0x11  }
0xbb: {  	s0 =	sor.u32 s1, s0  }
0xbc: {  	s0 =	sadd.s32 $0x8F2B, s0  }
0xbd: {  	[sflag:s0] =	ssyncadd.remote.s32 $0x1  }
0xbe: {  	_ =	sfence.sel $0xFFFF  }
0xbf: {  	[dreg:$0x0] =	wrdreg $0xFFFFFFFF;
	(pc) =	sbr.abs _section_cstart, $3  }
0xc0: {  	[dreg:$0x1] =	wrdreg $0xFFFFFFFF  }
0xc1: {  	_ =	task.clear_ibuf [dreg:s6], $0x2FFFF;
	_ =	strace $0x9FFFFFFF  }
0xc2: {  	(tm) =	ssettm $0x7FFFFFFF  }
0xc3: {  	_ =	shalt  }
tec
execute0_lowered:
.L_overlay_start_1:
0x0: {  	(tag) =	ssettag $0x1  }
0x1: {  	s6 =	rddreg [dreg:$0x0]  }
0x2: {  	s1 =	rddreg [dreg:$0x1]  }
0x3: {  	s0 =	rddreg [dreg:$0x2]  }
0x4: {  	s2 =	simm.s32 $0x0;
	s3 =	srdreg.scid;
	s18 =	simm.s32 $0x1400  }
0x5: {  	s19 =	simm.s32 $0x80;
	s20 =	simm.s32 $0x6800;
	s21 =	simm.s32 $0x1  }
0x6: {  	s22 =	simm.s32 $0x2;
	s23 =	simm.s32 $0x2700;
	s26 =	simm.s32 $0x0  }
0x7: {  	[smem:$0x7FF] =	sst s2;
	s7 =	sand.u32 $0x1, s3;
	s3 =	stileid.u32  }
0x8: {  	s4 =	sadd.s32 $0x7B000, s6;
	s14 =	sadd.s32 $0x22000, s6;
	s8 =	smul.u32 $0x27800, s7  }
0x9: {  	s15 =	sadd.s32 $0x18000, s6;
	s5 =	sadd.s32 $0x3C00, s6;
	s9 =	smul.u32 $0x4F000, s3  }
0xa: {  	_ =	strace $0x80000050;
	s29 =	ssub.s32 $0x2, s7;
	s12 =	smul.u32 $0x500, s3  }
0xb: {  	p0 =	seq.s32 s7, $0x0;
	s25 =	smul.u32 $0x2780, s3;
	s31 =	sshrl.u32 s29, $0x1  }
0xc: {  	s11 =	sadd.s32 s8, s6;
	s30 =	sshrl.u32 s9, $0x2;
	s13 =	ssub.s32 s29, s31  }
0xd: {  	s16 =	sadd.s32 $0x5000, s12;
	s6 =	sadd.s32 s30, s1;
	s24 =	sadd.s32 $0xA2200, s11  }
0xe: {  	s16 =	smov.u32 @p0 s12;
	s11 =	smax.u32 s13, $0x1;
	s7 =	sadd.s32 $0x4000, s6  }
0xf: {  	s8 =	sadd.s32 $0x8000, s6;
	s9 =	sadd.s32 $0xC000, s6;
	s10 =	sadd.s32 $0x10000, s6  }
0x10: {  	s17 =	sadd.s32 $0x280, s16;
	s12 =	sadd.s32 s14, s16;
	s13 =	sadd.s32 s15, s16  }
0x11: {  	s16 =	simm.s32 $0x2800;
	s24 =	sadd.s32 s25, s24;
	s25 =	simm.s32 $0x2780  }
0x12: {  	s14 =	sadd.s32 s14, s17;
	s15 =	sadd.s32 s15, s17;
	s17 =	simm.s32 $0x3  }
.LBB2_1:
0x13: {  	[tilespmem:s16], [sflag:$0x3] =	stream.linear.gather [hbm4b:s5+s2], $0x4000, $0x38;
	[tilespmem:$0x1E400] =	vst v63  }
0x14: {  	_ =	swait.ge [sflag:s17], $0x4000  }
0x15: {  	[sflag:s17] =	ssyncset.done $0x0  }
0x16: {  	[sflag:s17] =	ssyncadd.s32 $0xFFFFC000  }
0x17: {  	[spmem:s6] =	stream.linear.scatter [tilespmem:s16], [sflag:$0x3], $0x4000, $0x38;
	[tilespmem:$0x1E400] =	vst v63  }
0x18: {  	_ =	swait.ge [sflag:s17], $0x4000  }
0x19: {  	[sflag:s17] =	ssyncset.done $0x0  }
0x1a: {  	[sflag:s17] =	ssyncadd.s32 $0xFFFFC000  }
0x1b: {  	[spmem:s7] =	stream.linear.scatter [tilespmem:s16], [sflag:$0x3], $0x4000, $0x38;
	[tilespmem:$0x1E400] =	vst v63  }
0x1c: {  	_ =	swait.ge [sflag:s17], $0x4000  }
0x1d: {  	[sflag:s17] =	ssyncset.done $0x0  }
0x1e: {  	[sflag:s17] =	ssyncadd.s32 $0xFFFFC000  }
0x1f: {  	[spmem:s8] =	stream.linear.scatter [tilespmem:s16], [sflag:$0x3], $0x4000, $0x38;
	[tilespmem:$0x1E400] =	vst v63  }
0x20: {  	_ =	swait.ge [sflag:s17], $0x4000  }
0x21: {  	[sflag:s17] =	ssyncset.done $0x0  }
0x22: {  	[sflag:s17] =	ssyncadd.s32 $0xFFFFC000  }
0x23: {  	[spmem:s9] =	stream.linear.scatter [tilespmem:s16], [sflag:$0x3], $0x4000, $0x38;
	[tilespmem:$0x1E400] =	vst v63  }
0x24: {  	_ =	swait.ge [sflag:s17], $0x4000  }
0x25: {  	[sflag:s17] =	ssyncset.done $0x0  }
0x26: {  	[sflag:s17] =	ssyncadd.s32 $0xFFFFC000  }
0x27: {  	[spmem:s10] =	stream.linear.scatter [tilespmem:s16], [sflag:$0x3], $0x3C00, $0x38;
	[tilespmem:$0x1E400] =	vst v63  }
0x28: {  	_ =	swait.ge [sflag:s17], $0x3C00  }
0x29: {  	[sflag:s17] =	ssyncset.done $0x0  }
0x2a: {  	[sflag:s17] =	ssyncadd.s32 $0xFFFFC400  }
0x2b: {  	[bflag:$0x0] =	sbarrier.arrive $0xFFFF  }
0x2c: {  	[tilespmem:s2], [sflag:$0x3] =	stream.linear.gather [hbm4b:s12+s2], $0x1400, $0x38;
	[tilespmem:$0x1E400] =	vst v63  }
0x2d: {  	_ =	swait.ge [sflag:s17], $0x1400  }
0x2e: {  	[sflag:s17] =	ssyncset.done $0x0  }
0x2f: {  	[sflag:s17] =	ssyncadd.s32 $0xFFFFEC00  }
0x30: {  	[tilespmem:s18], [sflag:$0x3] =	stream.linear.gather [hbm4b:s13+s2], $0x1400, $0x38;
	[tilespmem:$0x1E400] =	vst v63  }
0x31: {  	_ =	swait.ge [sflag:s17], $0x1400  }
0x32: {  	[sflag:s17] =	ssyncset.done $0x0  }
0x33: {  	[sflag:s17] =	ssyncadd.s32 $0xFFFFEC00  }
0x34: {  	[tilespmem:s16], [sflag:$0x1] =	stream.indirect.gather [hbm4b:s4+s19], $0x80, s2, s19, $0xb8;
	[tilespmem:$0x1E400] =	vst v63  }
0x35: {  	_ = 	snop  }
0x36: {  	[tilespmem:s20], [sflag:$0x2] =	stream.indirect.gather [hbm4b:s4+s19], $0x80, s19, s19, $0xb8;
	[tilespmem:$0x1E400] =	vst v63  }
0x37: {  	_ =	swait.ge [sflag:s21], $0x4000  }
0x38: {  	[sflag:s21] =	ssyncset.done $0x0  }
0x39: {  	s28 =	simm.s32 $0x1400;
	[sflag:s21] =	ssyncadd.s32 $0xFFFFC000  }
0x3a: {  	[spmem:s1] =	stream.indirect.scatter.add.f32 [tilespmem:s16], [sflag:$0x3], $0x80, s28, s19, $0xb8;
	[tilespmem:$0x1E400] =	vst v63  }
0x3b: {  	_ =	swait.ge [sflag:s17], $0x4000  }
0x3c: {  	[sflag:s17] =	ssyncset.done $0x0  }
0x3d: {  	s28 =	simm.s32 $0x100;
	[sflag:s17] =	ssyncadd.s32 $0xFFFFC000  }
0x3e: {  	[tilespmem:s16], [sflag:$0x1] =	stream.indirect.gather [hbm4b:s4+s19], $0x80, s28, s19, $0xb8;
	[tilespmem:$0x1E400] =	vst v63  }
0x3f: {  	_ =	swait.ge [sflag:s22], $0x4000  }
0x40: {  	[sflag:s22] =	ssyncset.done $0x0  }
0x41: {  	s28 =	simm.s32 $0x1480;
	[sflag:s22] =	ssyncadd.s32 $0xFFFFC000  }
0x42: {  	[spmem:s1] =	stream.indirect.scatter.add.f32 [tilespmem:s20], [sflag:$0x3], $0x80, s28, s19, $0xb8;
	[tilespmem:$0x1E400] =	vst v63  }
0x43: {  	_ =	swait.ge [sflag:s17], $0x4000  }
0x44: {  	[sflag:s17] =	ssyncset.done $0x0  }
0x45: {  	s29 =	simm.s32 $0x180;
	s28 =	simm.s32 $0x400;
	[sflag:s17] =	ssyncadd.s32 $0xFFFFC000  }
.LBB2_2:
0x46: {  	[tilespmem:s20], [sflag:$0x2] =	stream.indirect.gather [hbm4b:s4+s19], $0x80, s29, s19, $0xb8;
	[tilespmem:$0x1E400] =	vst v63  }
0x47: {  	s29 =	smov.u32 s28  }
0x48: {  	p0 =	sne.s32 s28, $0x4800;
	s28 =	sadd.s32 $0x400, s28;
	_ =	swait.ge [sflag:s21], $0x4000  }
0x49: {  	s29 =	sshra.s32 s29, $0x2;
	[sflag:s21] =	ssyncset.done $0x0  }
0x4a: {  	s30 =	sadd.s32 $0x1400, s29;
	[sflag:s21] =	ssyncadd.s32 $0xFFFFC000  }
0x4b: {  	[spmem:s1] =	stream.indirect.scatter.add.f32 [tilespmem:s16], [sflag:$0x3], $0x80, s30, s19, $0xb8;
	[tilespmem:$0x1E400] =	vst v63  }
0x4c: {  	_ =	swait.ge [sflag:s17], $0x4000  }
0x4d: {  	[sflag:s17] =	ssyncset.done $0x0  }
0x4e: {  	s30 =	sadd.s32 $0x100, s29;
	[sflag:s17] =	ssyncadd.s32 $0xFFFFC000  }
0x4f: {  	[tilespmem:s16], [sflag:$0x1] =	stream.indirect.gather [hbm4b:s4+s19], $0x80, s30, s19, $0xb8;
	[tilespmem:$0x1E400] =	vst v63  }
0x50: {  	_ =	swait.ge [sflag:s22], $0x4000  }
0x51: {  	[sflag:s22] =	ssyncset.done $0x0  }
.Ltmp0:
0x52: {  	s30 =	sadd.s32 $0x1480, s29;
	[sflag:s22] =	ssyncadd.s32 $0xFFFFC000;
	(pc) =	sbr.rel @p0 .LBB2_2-.Ltmp0, $4  }
0x53: {  	[spmem:s1] =	stream.indirect.scatter.add.f32 [tilespmem:s20], [sflag:$0x3], $0x80, s30, s19, $0xb8;
	[tilespmem:$0x1E400] =	vst v63  }
0x54: {  	_ =	swait.ge [sflag:s17], $0x4000  }
0x55: {  	[sflag:s17] =	ssyncset.done $0x0  }
0x56: {  	s29 =	sadd.s32 $0x180, s29;
	[sflag:s17] =	ssyncadd.s32 $0xFFFFC000  }
0x57: {  	[tilespmem:s20], [sflag:$0x2] =	stream.indirect.gather [hbm4b:s4+s19], $0x80, s29, s19, $0xb8;
	[tilespmem:$0x1E400] =	vst v63  }
0x58: {  	_ =	swait.ge [sflag:s21], $0x4000  }
0x59: {  	[sflag:s21] =	ssyncset.done $0x0  }
0x5a: {  	[sflag:s21] =	ssyncadd.s32 $0xFFFFC000  }
0x5b: {  	[spmem:s1] =	stream.indirect.scatter.add.f32 [tilespmem:s16], [sflag:$0x3], $0x80, s23, s19, $0xb8;
	[tilespmem:$0x1E400] =	vst v63  }
0x5c: {  	_ =	swait.ge [sflag:s17], $0x4000  }
0x5d: {  	[sflag:s17] =	ssyncset.done $0x0  }
0x5e: {  	[sflag:s17] =	ssyncadd.s32 $0xFFFFC000  }
0x5f: {  	_ =	swait.ge [sflag:s22], $0x4000  }
0x60: {  	[sflag:s22] =	ssyncset.done $0x0  }
0x61: {  	[sflag:s22] =	ssyncadd.s32 $0xFFFFC000  }
0x62: {  	[spmem:s1] =	stream.indirect.scatter.add.f32 [tilespmem:s20], [sflag:$0x3], $0x80, s25, s19, $0xb8;
	[tilespmem:$0x1E400] =	vst v63  }
0x63: {  	_ =	swait.ge [sflag:s17], $0x4000  }
0x64: {  	[sflag:s17] =	ssyncset.done $0x0  }
0x65: {  	s28 =	simm.s32 $0x0;
	[sflag:s17] =	ssyncadd.s32 $0xFFFFC000  }
0x66: {  	[tilespmem:s28], [sflag:$0x3] =	stream.linear.gather [hbm4b:s14+s28], $0x1400, $0x38;
	[tilespmem:$0x1E400] =	vst v63  }
0x67: {  	_ =	swait.ge [sflag:s17], $0x1400  }
0x68: {  	[sflag:s17] =	ssyncset.done $0x0  }
0x69: {  	[sflag:s17] =	ssyncadd.s32 $0xFFFFEC00  }
0x6a: {  	[tilespmem:s18], [sflag:$0x3] =	stream.linear.gather [hbm4b:s15+s28], $0x1400, $0x38;
	[tilespmem:$0x1E400] =	vst v63  }
0x6b: {  	_ =	swait.ge [sflag:s17], $0x1400  }
0x6c: {  	[sflag:s17] =	ssyncset.done $0x0  }
0x6d: {  	[sflag:s17] =	ssyncadd.s32 $0xFFFFEC00  }
0x6e: {  	[tilespmem:s16], [sflag:$0x1] =	stream.indirect.gather [hbm4b:s4+s19], $0x80, s28, s19, $0xb8;
	[tilespmem:$0x1E400] =	vst v63  }
0x6f: {  	_ = 	snop  }
0x70: {  	[tilespmem:s20], [sflag:$0x2] =	stream.indirect.gather [hbm4b:s4+s19], $0x80, s19, s19, $0xb8;
	[tilespmem:$0x1E400] =	vst v63  }
0x71: {  	_ =	swait.ge [sflag:s21], $0x4000  }
0x72: {  	[sflag:s21] =	ssyncset.done $0x0  }
0x73: {  	s28 =	simm.s32 $0x1400;
	[sflag:s21] =	ssyncadd.s32 $0xFFFFC000  }
0x74: {  	[spmem:s1] =	stream.indirect.scatter.add.f32 [tilespmem:s16], [sflag:$0x3], $0x80, s28, s19, $0xb8;
	[tilespmem:$0x1E400] =	vst v63  }
0x75: {  	_ =	swait.ge [sflag:s17], $0x4000  }
0x76: {  	[sflag:s17] =	ssyncset.done $0x0  }
0x77: {  	s28 =	simm.s32 $0x100;
	[sflag:s17] =	ssyncadd.s32 $0xFFFFC000  }
0x78: {  	[tilespmem:s16], [sflag:$0x1] =	stream.indirect.gather [hbm4b:s4+s19], $0x80, s28, s19, $0xb8;
	[tilespmem:$0x1E400] =	vst v63  }
0x79: {  	_ =	swait.ge [sflag:s22], $0x4000  }
0x7a: {  	[sflag:s22] =	ssyncset.done $0x0  }
0x7b: {  	s28 =	simm.s32 $0x1480;
	[sflag:s22] =	ssyncadd.s32 $0xFFFFC000  }
0x7c: {  	[spmem:s1] =	stream.indirect.scatter.add.f32 [tilespmem:s20], [sflag:$0x3], $0x80, s28, s19, $0xb8;
	[tilespmem:$0x1E400] =	vst v63  }
0x7d: {  	_ =	swait.ge [sflag:s17], $0x4000  }
0x7e: {  	[sflag:s17] =	ssyncset.done $0x0  }
0x7f: {  	s29 =	simm.s32 $0x180;
	s28 =	simm.s32 $0x400;
	[sflag:s17] =	ssyncadd.s32 $0xFFFFC000  }
.LBB2_4:
0x80: {  	[tilespmem:s20], [sflag:$0x2] =	stream.indirect.gather [hbm4b:s4+s19], $0x80, s29, s19, $0xb8;
	[tilespmem:$0x1E400] =	vst v63  }
0x81: {  	s29 =	smov.u32 s28  }
0x82: {  	p0 =	sne.s32 s28, $0x4800;
	s28 =	sadd.s32 $0x400, s28;
	_ =	swait.ge [sflag:s21], $0x4000  }
0x83: {  	s29 =	sshra.s32 s29, $0x2;
	[sflag:s21] =	ssyncset.done $0x0  }
0x84: {  	s30 =	sadd.s32 $0x1400, s29;
	[sflag:s21] =	ssyncadd.s32 $0xFFFFC000  }
0x85: {  	[spmem:s1] =	stream.indirect.scatter.add.f32 [tilespmem:s16], [sflag:$0x3], $0x80, s30, s19, $0xb8;
	[tilespmem:$0x1E400] =	vst v63  }
0x86: {  	_ =	swait.ge [sflag:s17], $0x4000  }
0x87: {  	[sflag:s17] =	ssyncset.done $0x0  }
0x88: {  	s30 =	sadd.s32 $0x100, s29;
	[sflag:s17] =	ssyncadd.s32 $0xFFFFC000  }
0x89: {  	[tilespmem:s16], [sflag:$0x1] =	stream.indirect.gather [hbm4b:s4+s19], $0x80, s30, s19, $0xb8;
	[tilespmem:$0x1E400] =	vst v63  }
0x8a: {  	_ =	swait.ge [sflag:s22], $0x4000  }
0x8b: {  	[sflag:s22] =	ssyncset.done $0x0  }
.Ltmp1:
0x8c: {  	s30 =	sadd.s32 $0x1480, s29;
	[sflag:s22] =	ssyncadd.s32 $0xFFFFC000;
	(pc) =	sbr.rel @p0 .LBB2_4-.Ltmp1, $4  }
0x8d: {  	[spmem:s1] =	stream.indirect.scatter.add.f32 [tilespmem:s20], [sflag:$0x3], $0x80, s30, s19, $0xb8;
	[tilespmem:$0x1E400] =	vst v63  }
0x8e: {  	_ =	swait.ge [sflag:s17], $0x4000  }
0x8f: {  	[sflag:s17] =	ssyncset.done $0x0  }
0x90: {  	s29 =	sadd.s32 $0x180, s29;
	[sflag:s17] =	ssyncadd.s32 $0xFFFFC000  }
0x91: {  	[tilespmem:s20], [sflag:$0x2] =	stream.indirect.gather [hbm4b:s4+s19], $0x80, s29, s19, $0xb8;
	[tilespmem:$0x1E400] =	vst v63  }
0x92: {  	_ =	swait.ge [sflag:s21], $0x4000  }
0x93: {  	[sflag:s21] =	ssyncset.done $0x0  }
0x94: {  	[sflag:s21] =	ssyncadd.s32 $0xFFFFC000  }
0x95: {  	[spmem:s1] =	stream.indirect.scatter.add.f32 [tilespmem:s16], [sflag:$0x3], $0x80, s23, s19, $0xb8;
	[tilespmem:$0x1E400] =	vst v63  }
0x96: {  	_ =	swait.ge [sflag:s17], $0x4000  }
0x97: {  	[sflag:s17] =	ssyncset.done $0x0  }
0x98: {  	[sflag:s17] =	ssyncadd.s32 $0xFFFFC000  }
0x99: {  	_ =	swait.ge [sflag:s22], $0x4000  }
0x9a: {  	[sflag:s22] =	ssyncset.done $0x0  }
0x9b: {  	[sflag:s22] =	ssyncadd.s32 $0xFFFFC000  }
0x9c: {  	[spmem:s1] =	stream.indirect.scatter.add.f32 [tilespmem:s20], [sflag:$0x3], $0x80, s25, s19, $0xb8;
	[tilespmem:$0x1E400] =	vst v63  }
0x9d: {  	_ =	swait.ge [sflag:s17], $0x4000  }
0x9e: {  	s28 =	sshll.u32 s3, $0x6;
	s26 =	sadd.s32 $0x1, s26;
	[sflag:s17] =	ssyncset.done $0x0  }
0x9f: {  	s31 =	sshrl.u32 s6, $0x3;
	p0 =	sne.s32 s26, s11;
	[sflag:s17] =	ssyncadd.s32 $0xFFFFC000  }
.Ltmp2:
0xa0: {  	s28 =	sor.u32 $0x1C03, s28;
	[bflag:$0x0] =	sbarrier.arrive $0xFFFF;
	(pc) =	sbr.rel @p0 .LBB2_1-.Ltmp2, $4  }
0xa1: {  	[hbm:s24], [sflag:s28] =	dma.local [spmem:s31], $0x2780  }
0xa2: {  	_ =	swait.ge [sflag:s17], $0x2780  }
0xa3: {  	[sflag:s17] =	ssyncset.done $0x0  }
0xa4: {  	[sflag:s17] =	ssyncadd.s32 $0xFFFFD880  }
0xa5: {  	_ =	sfence.sel $0x180000  }
0xa6: {  	[bflag:$0x0] =	sbarrier.arrive $0xFFFF  }
0xa7: {  	p0 =	sne.s32 s3, $0x0;
	_ =	strace $0x90000050  }
0xa8: {  	s0 =	sadd.s32 @!p0 $0x100000, s0;
	[bflag:$0x2] =	sbarrier.arrive $0xFFFF  }
0xa9: {  	[sflag:s0] =	ssyncadd.tile.s32 @!p0 $0x1;
	_ =	shalt  }
.Lfunc_end2:
_tile_overlayer_lowered:
.L_overlay_start_2:
0xaa: {  	(tag) =	ssettag $0x2  }
0xab: {  	s0 =	rddreg [dreg:$0x0];
	s2 =	stileid.u32  }
0xac: {  	s1 =	rddreg [dreg:$0x1];
	p0 =	sne.s32 s2, $0x0  }
0xad: {  	s3 =	rddreg [dreg:$0x2];
	[bflag:$0x3] =	sbarrier.arrive $0xFFFF;
	s2 =	simm.s32 @!p0 $0x1C03  }
0xae: {  	[timem:s3], [sflag:s2] =	dma.local @!p0 [hbm:s0], s1  }
0xaf: {  	s0 =	simm.s32 @!p0 $0x3  }
0xb0: {  	_ =	swait.ge @!p0 [sflag:s0], s1  }
0xb1: {  	s1 =	ssub.s32 @!p0 $0x0, s1;
	[sflag:s0] =	ssyncset.done @!p0 $0x0  }
0xb2: {  	[sflag:s0] =	ssyncadd.s32 @!p0 s1  }
0xb3: {  	[bflag:$0x3] =	sbarrier.arrive $0xFFFF  }
0xb4: {  	_ =	shalt  }

</sc_bundles>
